<compile_context>
chip_gen: v7x
topology: tpu7x:2x2x1
jax: 0.10.2.dev20260603
libtpu: 0.0.44.dev20260713+nightly
codegen_flags: <defaults>
</compile_context>

<pallas_src>
import functools
import jax
import jax.numpy as jnp
from jax import lax
from jax.experimental import pallas as pl
from jax.experimental.pallas import tpu as pltpu
from jax.experimental.pallas import tpu_sc as plsc

N = 50000
E = 400000
D = 32
P = 9
PD = P * D

NC = 2
NS = 16
NW = NC * NS
CH = 128
NCHUNK = 98
GC = 14
NG = NCHUNK // GC
EPW = NCHUNK * CH
EP = NW * EPW
NPAD = 50048
RPT = NPAD // NS

N4 = N // 4
NPAD4 = NPAD // 4
NB4 = 3128
GRID = NPAD4 // NB4

_f32 = jnp.float32


def _bm128():
    return (lax.broadcasted_iota(jnp.int32, (128, 128), 0) // D ==
            lax.broadcasted_iota(jnp.int32, (128, 128), 1) // D).astype(_f32)


def _kron4(w):
    return jnp.tile(w, (4, 4)) * _bm128()


def _poly_apply4(v4, pol4, stack):
    spr4 = (lax.broadcasted_iota(jnp.int32, (4, 128), 1) // D ==
            lax.broadcasted_iota(jnp.int32, (4, 128), 0)).astype(_f32)
    pol128 = jnp.dot(lax.rem(pol4, P).astype(_f32), spr4,
                     preferred_element_type=_f32)
    pat = (lax.broadcasted_iota(jnp.int32, (1, P * 128), 1) // 128
           ).astype(_f32)
    mask = (jnp.tile(pol128, (1, P)) == pat).astype(_f32)
    vk = jnp.tile(v4, (1, P)) * mask
    stack4 = jnp.concatenate(
        [_kron4(stack[p * D:(p + 1) * D]) for p in range(P)], axis=0)
    return jnp.dot(vk, stack4, preferred_element_type=_f32)


def _layernorm4(h, w, b):
    m4 = _bm128() * (1.0 / D)
    mu = jnp.dot(h, m4, preferred_element_type=_f32)
    d = h - mu
    var = jnp.dot(d * d, m4, preferred_element_type=_f32)
    return (d * lax.rsqrt(var + 1e-5) * jnp.tile(w, (1, 4))
            + jnp.tile(b, (1, 4)))


def _send_body(x_ref, pol_ref, sm_ref, ds_ref, rw_ref, o_ref):
    rw = rw_ref[...]
    stack = jnp.concatenate(
        [lax.dot_general(sm_ref[p] + ds_ref[p], rw,
                         (((1,), (1,)), ((), ())),
                         preferred_element_type=_f32)
         for p in range(P)], axis=0)
    o_ref[...] = _poly_apply4(x_ref[...], pol_ref[...], stack)


def _send_transform(x4, pol4, send_maps, delta_send, restriction_w):
    full = lambda shape: pl.BlockSpec(shape, lambda i: (0,) * len(shape))
    return pl.pallas_call(
        _send_body,
        grid=(GRID,),
        in_specs=[
            pl.BlockSpec((NB4, 128), lambda i: (i, 0)),
            pl.BlockSpec((NB4, 4), lambda i: (i, 0)),
            full((P, D, D)), full((P, D, D)), full((D, D)),
        ],
        out_specs=pl.BlockSpec((NB4, 128), lambda i: (i, 0)),
        out_shape=jax.ShapeDtypeStruct((NPAD4, 128), _f32),
    )(x4, pol4, send_maps, delta_send, restriction_w)


def _sc_agg_body(xs_hbm, row_hbm, col_hbm, z32_hbm, agg_out,
                 idxr, idxc, rows, sh_agg, gs0, gs1, ss0, ss1, cs):
    c = lax.axis_index("c")
    s = lax.axis_index("s")
    wid = s * NC + c

    pltpu.sync_copy(row_hbm.at[pl.ds(wid * NCHUNK, NCHUNK)], idxr)
    pltpu.async_copy(col_hbm.at[pl.ds(wid * NCHUNK, GC)], idxc.at[0], cs)
    pltpu.sync_copy(z32_hbm, sh_agg.at[pl.ds(s * RPT, RPT)])
    plsc.subcore_barrier()

    def gather(j, b, sem):
        pltpu.async_copy(xs_hbm.at[idxr.at[j]], rows.at[b], sem)

    def wait_gather(b, sem):
        pltpu.make_async_copy(xs_hbm.at[idxr.at[0]], rows.at[b],
                              sem).wait()

    def scatter(j, b, sem):
        slot = lax.rem(j // GC, 2)
        pltpu.async_copy(rows.at[b],
                         sh_agg.at[idxc.at[slot, lax.rem(j, GC)]],
                         sem, add=True)

    def wait_scatter(b, sem):
        pltpu.make_async_copy(rows.at[b], sh_agg.at[idxc.at[0, 0]],
                              sem).wait()

    def wait_colgroup():
        pltpu.make_async_copy(col_hbm.at[pl.ds(0, GC)], idxc.at[0],
                              cs).wait()

    gather(0, 0, gs0)

    def pair(k, carry):
        j0 = 2 * k

        @pl.when(lax.rem(j0, GC) == 0)
        def _():
            g = j0 // GC
            wait_colgroup()

            @pl.when(g + 1 < NG)
            def _():
                pltpu.async_copy(
                    col_hbm.at[pl.ds(wid * NCHUNK + (g + 1) * GC, GC)],
                    idxc.at[lax.rem(g + 1, 2)], cs)

        wait_gather(0, gs0)
        scatter(j0, 0, ss0)

        @pl.when(k >= 1)
        def _():
            wait_scatter(1, ss1)
        gather(j0 + 1, 1, gs1)

        wait_gather(1, gs1)
        scatter(j0 + 1, 1, ss1)
        wait_scatter(0, ss0)

        @pl.when(j0 + 2 < NCHUNK)
        def _():
            gather(j0 + 2, 0, gs0)
        return carry

    lax.fori_loop(0, NCHUNK // 2, pair, 0)
    wait_scatter(1, ss1)

    plsc.subcore_barrier()
    sl = pl.ds(s * RPT, RPT)
    pltpu.sync_copy(sh_agg.at[sl], agg_out.at[c, sl])


@functools.partial(
    pl.kernel,
    mesh=plsc.VectorSubcoreMesh(core_axis_name="c", subcore_axis_name="s"),
    compiler_params=pltpu.CompilerParams(use_tc_tiling_on_sc=False),
    out_type=jax.ShapeDtypeStruct((NC, NPAD, D), _f32),
    scratch_types=[
        pltpu.VMEM((NCHUNK, CH), jnp.int32),
        pltpu.VMEM((2, GC, CH), jnp.int32),
        pltpu.VMEM((2, CH, D), _f32),
        pltpu.VMEM_SHARED((NPAD, D), _f32),
        pltpu.SemaphoreType.DMA,
        pltpu.SemaphoreType.DMA,
        pltpu.SemaphoreType.DMA,
        pltpu.SemaphoreType.DMA,
        pltpu.SemaphoreType.DMA,
    ],
)
def _sc_gather_scatter(*refs):
    _sc_agg_body(*refs)


def _sc_deg_body(row_hbm, ones_hbm, z32_hbm, deg_out, idxr, ones_v, sh_deg):
    c = lax.axis_index("c")
    s = lax.axis_index("s")
    wid = s * NC + c

    pltpu.sync_copy(row_hbm.at[pl.ds(wid * NCHUNK, NCHUNK)], idxr)
    pltpu.sync_copy(ones_hbm, ones_v)
    pltpu.sync_copy(z32_hbm, sh_deg.at[pl.ds(s * RPT, RPT)])
    plsc.subcore_barrier()

    def step(j, carry):
        pltpu.sync_copy(ones_v, sh_deg.at[idxr.at[j]], add=True)
        return carry

    lax.fori_loop(0, NCHUNK, step, 0)
    plsc.subcore_barrier()
    sl = pl.ds(s * RPT, RPT)
    pltpu.sync_copy(sh_deg.at[sl], deg_out.at[c, sl])


@functools.partial(
    pl.kernel,
    mesh=plsc.VectorSubcoreMesh(core_axis_name="c", subcore_axis_name="s"),
    compiler_params=pltpu.CompilerParams(use_tc_tiling_on_sc=False),
    out_type=jax.ShapeDtypeStruct((NC, NPAD, D), _f32),
    scratch_types=[
        pltpu.VMEM((NCHUNK, CH), jnp.int32),
        pltpu.VMEM((CH, D), _f32),
        pltpu.VMEM_SHARED((NPAD, D), _f32),
    ],
)
def _sc_degree(*refs):
    _sc_deg_body(*refs)


def _recv_body(a_ref, d_ref, x_ref, pol_ref,
               rm_ref, dr_ref, w1_ref, b1_ref, ln1w_ref, ln1b_ref,
               w2_ref, b2_ref, nw_ref, nb_ref, res_ref, o_ref):
    agg = a_ref[0] + a_ref[1]
    stack = jnp.concatenate(
        [rm_ref[p] + dr_ref[p] for p in range(P)], axis=0)
    out = _poly_apply4(agg, pol_ref[...], stack)
    deg = d_ref[0] + d_ref[1]
    out = out / jnp.maximum(deg, 1.0)

    h = lax.dot_general(out, _kron4(w1_ref[...]), (((1,), (1,)), ((), ())),
                        preferred_element_type=_f32) + jnp.tile(b1_ref[...],
                                                                (1, 4))
    h = _layernorm4(h, ln1w_ref[...], ln1b_ref[...])
    h = jnp.maximum(h, 0.0)
    h = lax.dot_general(h, _kron4(w2_ref[...]), (((1,), (1,)), ((), ())),
                        preferred_element_type=_f32) + jnp.tile(b2_ref[...],
                                                                (1, 4))
    h = res_ref[0, 0] * h + x_ref[...]
    o_ref[...] = _layernorm4(h, nw_ref[...], nb_ref[...])


def _recv_update(agg2, deg2, x, pol2, receive_maps, delta_receive,
                 w1, b1, ln1_w, ln1_b, w2, b2, norm_w, norm_b, res_scale):
    full = lambda shape: pl.BlockSpec(shape, lambda i: (0,) * len(shape))
    return pl.pallas_call(
        _recv_body,
        grid=(GRID,),
        in_specs=[
            pl.BlockSpec((NC, NB4, 128), lambda i: (0, i, 0)),
            pl.BlockSpec((NC, NB4, 128), lambda i: (0, i, 0)),
            pl.BlockSpec((NB4, 128), lambda i: (i, 0)),
            pl.BlockSpec((NB4, 4), lambda i: (i, 0)),
            full((P, D, D)), full((P, D, D)),
            full((D, D)), full((1, D)), full((1, D)), full((1, D)),
            full((D, D)), full((1, D)), full((1, D)), full((1, D)),
            full((1, 1)),
        ],
        out_specs=pl.BlockSpec((NB4, 128), lambda i: (i, 0)),
        out_shape=jax.ShapeDtypeStruct((NPAD4, 128), _f32),
    )(agg2, deg2, x, pol2, receive_maps, delta_receive,
      w1, b1, ln1_w, ln1_b, w2, b2, norm_w, norm_b, res_scale)


def kernel(x, edge_index, ring_polarities, restriction_w, send_maps,
           receive_maps, delta_send, delta_receive, w1, b1, ln1_w, ln1_b,
           w2, b2, norm_w, norm_b, res_scale):
    x4 = jnp.pad(x.reshape(N4, 128), ((0, NPAD4 - N4), (0, 0)))
    pol4 = jnp.pad(ring_polarities.reshape(N4, 4), ((0, NPAD4 - N4), (0, 0)))

    xs4 = _send_transform(x4, pol4, send_maps, delta_send, restriction_w)
    xs = xs4.reshape(NPAD, D)

    ep2 = jnp.pad(edge_index.reshape(2, E // CH, CH),
                  ((0, 0), (0, NW * NCHUNK - E // CH), (0, 0)),
                  constant_values=N)
    rowS = ep2[0]
    col2 = ep2[1]
    ones_h = jnp.ones((CH, D), _f32)
    z32 = jnp.zeros((RPT, D), _f32)

    agg2 = _sc_gather_scatter(xs, rowS, col2, z32)
    deg2 = _sc_degree(rowS, ones_h, z32)

    out4 = _recv_update(
        agg2.reshape(NC, NPAD4, 128), deg2.reshape(NC, NPAD4, 128),
        x4, pol4, receive_maps, delta_receive,
        w1, b1.reshape(1, D), ln1_w.reshape(1, D), ln1_b.reshape(1, D),
        w2, b2.reshape(1, D), norm_w.reshape(1, D), norm_b.reshape(1, D),
        jnp.asarray(res_scale, _f32).reshape(1, 1))
    return out4.reshape(NPAD, D)[:N]

# --- scband reference (transcript-rebuilt; emitter-appended) ---
"""Pipeline reference for scband-minimal-copresheaf-tnn-23691039605496 (READ-ONLY COPY).

The authoritative reference and input builder live on the scoring server;
editing this copy changes nothing except your own understanding.
"""

import jax, jax.numpy as jnp
import numpy as np

N = 50000
E = 400000
D = 32
P = 9

def _layernorm(h, w, b, eps=1e-5):
    mu = jnp.mean(h, axis=-1, keepdims=True)
    var = jnp.mean((h - mu) ** 2, axis=-1, keepdims=True)
    return (h - mu) / jnp.sqrt(var + eps) * w + b

def setup_inputs(seed: int = 0) -> dict:
    key = jax.random.key(seed)
    ks = jax.random.split(key, 16)
    x = jax.random.normal(ks[0], (N, D), dtype=jnp.float32)
    edge_index = jax.random.randint(ks[1], (2, E), 0, N, dtype=jnp.int32)
    ring_polarities = jax.random.randint(ks[2], (N,), 0, P, dtype=jnp.int32)
    bnd = float(np.sqrt(6.0 / (D + D)))
    restriction_w = jax.random.uniform(ks[3], (D, D), jnp.float32, -bnd, bnd)
    send_maps = jax.random.uniform(ks[4], (P, D, D), jnp.float32, -bnd, bnd)
    receive_maps = jax.random.uniform(ks[5], (P, D, D), jnp.float32, -bnd, bnd)
    delta_send = jnp.zeros((P, D, D), jnp.float32)
    delta_receive = jnp.zeros((P, D, D), jnp.float32)
    w1 = jax.random.uniform(ks[6], (D, D), jnp.float32, -bnd, bnd)
    b1 = jnp.zeros((D,), jnp.float32)
    ln1_w = jnp.ones((D,), jnp.float32)
    ln1_b = jnp.zeros((D,), jnp.float32)
    w2 = jax.random.uniform(ks[7], (D, D), jnp.float32, -bnd, bnd)
    b2 = jnp.zeros((D,), jnp.float32)
    norm_w = jnp.ones((D,), jnp.float32)
    norm_b = jnp.zeros((D,), jnp.float32)
    res_scale = jnp.asarray(0.92, jnp.float32)
    return {"x": x, "edge_index": edge_index, "ring_polarities": ring_polarities,
            "restriction_w": restriction_w, "send_maps": send_maps,
            "receive_maps": receive_maps, "delta_send": delta_send,
            "delta_receive": delta_receive, "w1": w1, "b1": b1,
            "ln1_w": ln1_w, "ln1_b": ln1_b, "w2": w2, "b2": b2,
            "norm_w": norm_w, "norm_b": norm_b, "res_scale": res_scale}

def reference(x, edge_index, ring_polarities, restriction_w, send_maps, receive_maps,
              delta_send, delta_receive, w1, b1, ln1_w, ln1_b, w2, b2,
              norm_w, norm_b, res_scale):
    row = edge_index[0]
    col = edge_index[1]
    pols = ring_polarities % P
    # prepare(): degree from src (row), inverted with clamp(min=1)
    deg = jnp.zeros((N,), jnp.float32).at[row].add(1.0)
    deg_norm = (1.0 / jnp.maximum(deg, 1.0))[:, None]
    send_pols = pols[row]
    recv_pols = pols[col]
    # cooperative sheaf send: per-edge x[src] @ (send_maps+delta_send)[pol]
    # computed per-polarity then selected (mathematically identical to the
    # per-edge bmm over gathered (E,D,D) maps, but far lighter in memory)
    rho_s = send_maps + delta_send
    msg_all = jnp.einsum('ed,pdh->eph', x[row], rho_s)
    messages = jnp.take_along_axis(msg_all, send_pols[:, None, None], axis=1)[:, 0, :]
    messages = messages @ restriction_w.T
    rho_r = receive_maps + delta_receive
    msg_all2 = jnp.einsum('ed,pdh->eph', messages, rho_r)
    messages = jnp.take_along_axis(msg_all2, recv_pols[:, None, None], axis=1)[:, 0, :]
    # aggregate at target nodes (col), normalize by src-degree inverse
    out = jnp.zeros((N, D), x.dtype).at[col].add(messages)
    out = out * deg_norm
    # update MLP: Linear -> LayerNorm -> ReLU -> Dropout(eval noop) -> Linear
    h = out @ w1.T + b1
    h = _layernorm(h, ln1_w, ln1_b)
    h = jax.nn.relu(h)
    h = h @ w2.T + b2
    # residual active since in_channels == out_channels
    h = res_scale * h + x
    return _layernorm(h, norm_w, norm_b)

if __name__ == "__main__":
    import jax
    _d = setup_inputs()
    print(jax.jit(kernel)(*tuple(_d.values())))

</pallas_src>

<mosaic_0001>
#map = affine_map<(d0, d1) -> (0, 0)>
#map1 = affine_map<(d0, d1) -> (0, 0, 0)>
module attributes {stable_mosaic.version = 14 : i64} {
  func.func @_sc_gather_scatter(%arg0: i32, %arg1: i32, %arg2: memref<50048x32xf32, #tpu.memory_space<hbm>>, %arg3: memref<3136x128xi32, #tpu.memory_space<hbm>>, %arg4: memref<3136x128xi32, #tpu.memory_space<hbm>>, %arg5: memref<3128x32xf32, #tpu.memory_space<hbm>>, %arg6: memref<2x50048x32xf32, #tpu.memory_space<hbm>>, %arg7: memref<98x128xi32, #tpu.memory_space<vmem>>, %arg8: memref<2x14x128xi32, #tpu.memory_space<vmem>>, %arg9: memref<2x128x32xf32, #tpu.memory_space<vmem>>, %arg10: memref<50048x32xf32, #tpu.memory_space<vmem_shared>>, %arg11: memref<!tpu.dma_semaphore, #tpu.memory_space<semaphore_mem>>, %arg12: memref<!tpu.dma_semaphore, #tpu.memory_space<semaphore_mem>>, %arg13: memref<!tpu.dma_semaphore, #tpu.memory_space<semaphore_mem>>, %arg14: memref<!tpu.dma_semaphore, #tpu.memory_space<semaphore_mem>>, %arg15: memref<!tpu.dma_semaphore, #tpu.memory_space<semaphore_mem>>) attributes {dimension_semantics = [#tpu.dimension_semantics<core_parallel>, #tpu.dimension_semantics<subcore_parallel>], iteration_bounds = array<i64: 2, 16>, scalar_prefetch = 0 : i64, scratch_operands = 9 : i64, tpu.core_type = #tpu.core_type<sc_vector_subcore>, window_params = [{transform_indices = #map}, {transform_indices = #map}, {transform_indices = #map}, {transform_indices = #map}, {transform_indices = #map1}]} {
    %mul3A = arith.constant 2 : i32
    %mul3A_0 = arith.muli %arg1, %mul3A : i32
    %add3A = arith.addi %mul3A_0, %arg0 : i32
    %mul3A_1 = arith.constant 98 : i32
    %mul3A_2 = arith.muli %add3A, %mul3A_1 : i32
    "tpu.region"() ({
      %run_scoped3A = tpu.sem_alloc : memref<!tpu.dma_semaphore, #tpu.memory_space<semaphore_mem>>
      %dma_start3A_51 = arith.constant 0 : i32
      %dma_start3A_52 = tpu.memref_slice %arg3[%mul3A_2, %dma_start3A_51] : memref<3136x128xi32, #tpu.memory_space<hbm>> -> memref<98x128xi32, #tpu.memory_space<hbm>>
      %dma_start3A_53 = arith.constant 0 : i32
      %dma_start3A_54 = tpu.memref_slice %arg3[%mul3A_2, %dma_start3A_53] : memref<3136x128xi32, #tpu.memory_space<hbm>> -> memref<98x128xi32, #tpu.memory_space<hbm>>
      tpu.enqueue_dma source(%dma_start3A_54 : memref<98x128xi32, #tpu.memory_space<hbm>>) target(%arg7 : memref<98x128xi32, #tpu.memory_space<vmem>>) target_semaphore(%run_scoped3A : memref<!tpu.dma_semaphore, #tpu.memory_space<semaphore_mem>>)
      %dma_wait3A_55 = arith.constant 0 : i32
      %dma_wait3A_56 = tpu.memref_slice %arg3[%mul3A_2, %dma_wait3A_55] : memref<3136x128xi32, #tpu.memory_space<hbm>> -> memref<98x128xi32, #tpu.memory_space<hbm>>
      %dma_wait3A_57 = arith.constant 0 : i32
      %dma_wait3A_58 = tpu.memref_slice %arg3[%mul3A_2, %dma_wait3A_57] : memref<3136x128xi32, #tpu.memory_space<hbm>> -> memref<98x128xi32, #tpu.memory_space<hbm>>
      tpu.wait_dma2 semaphore(%run_scoped3A : memref<!tpu.dma_semaphore, #tpu.memory_space<semaphore_mem>>) src(%dma_wait3A_58 : memref<98x128xi32, #tpu.memory_space<hbm>>) dst(%arg7 : memref<98x128xi32, #tpu.memory_space<vmem>>)
      tpu.yield
    }) : () -> ()
    %mul3A_3 = arith.constant 98 : i32
    %mul3A_4 = arith.muli %add3A, %mul3A_3 : i32
    %dma_start3A = arith.constant 0 : i32
    %dma_start3A_5 = arith.constant 0 : i32
    %dma_start3A_6 = arith.constant 0 : i32
    %dma_start3A_7 = tpu.memref_slice %arg8[%dma_start3A, %dma_start3A_5, %dma_start3A_6] : memref<2x14x128xi32, #tpu.memory_space<vmem>> -> memref<1x14x128xi32, #tpu.memory_space<vmem>>
    %dma_start3A_8 = tpu.memref_squeeze %dma_start3A_7 : memref<1x14x128xi32, #tpu.memory_space<vmem>> -> memref<14x128xi32, #tpu.memory_space<vmem>>
    %dma_start3A_9 = arith.constant 0 : i32
    %dma_start3A_10 = tpu.memref_slice %arg4[%mul3A_4, %dma_start3A_9] : memref<3136x128xi32, #tpu.memory_space<hbm>> -> memref<14x128xi32, #tpu.memory_space<hbm>>
    %dma_start3A_11 = arith.constant 0 : i32
    %dma_start3A_12 = arith.constant 0 : i32
    %dma_start3A_13 = tpu.memref_slice %arg8[%dma_start3A, %dma_start3A_11, %dma_start3A_12] : memref<2x14x128xi32, #tpu.memory_space<vmem>> -> memref<1x14x128xi32, #tpu.memory_space<vmem>>
    %dma_start3A_14 = tpu.memref_squeeze %dma_start3A_13 : memref<1x14x128xi32, #tpu.memory_space<vmem>> -> memref<14x128xi32, #tpu.memory_space<vmem>>
    %dma_start3A_15 = arith.constant 0 : i32
    %dma_start3A_16 = tpu.memref_slice %arg4[%mul3A_4, %dma_start3A_15] : memref<3136x128xi32, #tpu.memory_space<hbm>> -> memref<14x128xi32, #tpu.memory_space<hbm>>
    tpu.enqueue_dma source(%dma_start3A_16 : memref<14x128xi32, #tpu.memory_space<hbm>>) target(%dma_start3A_14 : memref<14x128xi32, #tpu.memory_space<vmem>>) target_semaphore(%arg15 : memref<!tpu.dma_semaphore, #tpu.memory_space<semaphore_mem>>)
    %mul3A_17 = arith.constant 3128 : i32
    %mul3A_18 = arith.muli %arg1, %mul3A_17 : i32
    "tpu.region"() ({
      %run_scoped3A = tpu.sem_alloc : memref<!tpu.dma_semaphore, #tpu.memory_space<semaphore_mem>>
      %dma_start3A_51 = arith.constant 0 : i32
      %dma_start3A_52 = tpu.memref_slice %arg10[%mul3A_18, %dma_start3A_51] : memref<50048x32xf32, #tpu.memory_space<vmem_shared>> -> memref<3128x32xf32, #tpu.memory_space<vmem_shared>>
      tpu.enqueue_dma source(%arg5 : memref<3128x32xf32, #tpu.memory_space<hbm>>) target(%dma_start3A_52 : memref<3128x32xf32, #tpu.memory_space<vmem_shared>>) target_semaphore(%run_scoped3A : memref<!tpu.dma_semaphore, #tpu.memory_space<semaphore_mem>>)
      %dma_wait3A_53 = arith.constant 0 : i32
      %dma_wait3A_54 = tpu.memref_slice %arg10[%mul3A_18, %dma_wait3A_53] : memref<50048x32xf32, #tpu.memory_space<vmem_shared>> -> memref<3128x32xf32, #tpu.memory_space<vmem_shared>>
      tpu.wait_dma2 semaphore(%run_scoped3A : memref<!tpu.dma_semaphore, #tpu.memory_space<semaphore_mem>>) src(%arg5 : memref<3128x32xf32, #tpu.memory_space<hbm>>) dst(%dma_wait3A_54 : memref<3128x32xf32, #tpu.memory_space<vmem_shared>>)
      tpu.yield
    }) : () -> ()
    %barrier3A = arith.constant 0 : index
    tpu.barrier barrier_id(%barrier3A)
    %dma_start3A_19 = arith.constant 0 : i32
    %dma_start3A_20 = arith.constant 0 : i32
    %dma_start3A_21 = arith.constant 0 : i32
    %dma_start3A_22 = arith.constant 0 : i32
    %dma_start3A_23 = tpu.memref_slice %arg9[%dma_start3A_20, %dma_start3A_21, %dma_start3A_22] : memref<2x128x32xf32, #tpu.memory_space<vmem>> -> memref<1x128x32xf32, #tpu.memory_space<vmem>>
    %dma_start3A_24 = tpu.memref_squeeze %dma_start3A_23 : memref<1x128x32xf32, #tpu.memory_space<vmem>> -> memref<128x32xf32, #tpu.memory_space<vmem>>
    %dma_start3A_25 = arith.constant 0 : i32
    %dma_start3A_26 = tpu.memref_slice %arg7[%dma_start3A_19, %dma_start3A_25] : memref<98x128xi32, #tpu.memory_space<vmem>> -> memref<1x128xi32, #tpu.memory_space<vmem>>
    %dma_start3A_27 = tpu.memref_squeeze %dma_start3A_26 : memref<1x128xi32, #tpu.memory_space<vmem>> -> memref<128xi32, #tpu.memory_space<vmem>>
    %dma_start3A_28 = arith.constant 0 : i32
    %dma_start3A_29 = arith.constant 0 : i32
    %dma_start3A_30 = tpu.memref_slice %arg2[%dma_start3A_28, %dma_start3A_29] : memref<50048x32xf32, #tpu.memory_space<hbm>> -> memref<50048x32xf32, #tpu.memory_space<hbm>>
    tpu.enqueue_indirect_dma source(%dma_start3A_30 : memref<50048x32xf32, #tpu.memory_space<hbm>>) target(%dma_start3A_24 : memref<128x32xf32, #tpu.memory_space<vmem>>) offsets(%dma_start3A_27 : memref<128xi32, #tpu.memory_space<vmem>>) semaphore(%arg11 : memref<!tpu.dma_semaphore, #tpu.memory_space<semaphore_mem>>)
    %scan3A = arith.constant 0 : i32
    %scan3A_31 = arith.constant 0 : i32
    %scan3A_32 = arith.constant 49 : i32
    %scan3A_33 = arith.addi %scan3A_31, %scan3A_32 : i32
    %scan3A_34 = arith.constant 1 : i32
    scf.for %scan3A_51 = %scan3A_31 to %scan3A_33 step %scan3A_34  : i32 {
      %mul3A_52 = arith.constant 2 : i32
      %mul3A_53 = arith.muli %mul3A_52, %scan3A_51 : i32
      %rem3A = arith.constant 14 : i32
      %rem3A_54 = arith.remsi %mul3A_53, %rem3A : i32
      %eq3A = arith.constant 0 : i32
      %eq3A_55 = arith.cmpi eq, %rem3A_54, %eq3A : i32
      %convert_element_type3A = arith.extui %eq3A_55 : i1 to i32
      %cond3A = arith.constant 0 : i32
      %cond3A_56 = arith.cmpi ne, %convert_element_type3A, %cond3A : i32
      scf.if %cond3A_56 {
        %jit3A_190 = arith.constant 14 : i32
        %div3A_191 = arith.divsi %mul3A_53, %jit3A_190 : i32
        %sign3A_192 = arith.constant 0 : i32
        %sign3A_193 = arith.cmpi sgt, %mul3A_53, %sign3A_192 : i32
        %sign3A_194 = arith.extui %sign3A_193 : i1 to i32
        %sign3A_195 = arith.constant 0 : i32
        %sign3A_196 = arith.cmpi slt, %mul3A_53, %sign3A_195 : i32
        %sign3A_197 = arith.extui %sign3A_196 : i1 to i32
        %sign3A_198 = arith.subi %sign3A_194, %sign3A_197 : i32
        %sign3A_199 = arith.constant 0 : i32
        %sign3A_200 = arith.cmpi sgt, %jit3A_190, %sign3A_199 : i32
        %sign3A_201 = arith.extui %sign3A_200 : i1 to i32
        %sign3A_202 = arith.constant 0 : i32
        %sign3A_203 = arith.cmpi slt, %jit3A_190, %sign3A_202 : i32
        %sign3A_204 = arith.extui %sign3A_203 : i1 to i32
        %sign3A_205 = arith.subi %sign3A_201, %sign3A_204 : i32
        %ne3A_206 = arith.cmpi ne, %sign3A_198, %sign3A_205 : i32
        %rem3A_207 = arith.remsi %mul3A_53, %jit3A_190 : i32
        %ne3A_208 = arith.constant 0 : i32
        %ne3A_209 = arith.cmpi ne, %rem3A_207, %ne3A_208 : i32
        %and3A_210 = arith.andi %ne3A_206, %ne3A_209 : i1
        %sub3A_211 = arith.constant 1 : i32
        %sub3A_212 = arith.subi %div3A_191, %sub3A_211 : i32
        %select_n3A_213 = arith.select %and3A_210, %sub3A_212, %div3A_191 : i32
        %dma_wait3A_214 = arith.constant 0 : i32
        %dma_wait3A_215 = arith.constant 0 : i32
        %dma_wait3A_216 = arith.constant 0 : i32
        %dma_wait3A_217 = tpu.memref_slice %arg8[%dma_wait3A_214, %dma_wait3A_215, %dma_wait3A_216] : memref<2x14x128xi32, #tpu.memory_space<vmem>> -> memref<1x14x128xi32, #tpu.memory_space<vmem>>
        %dma_wait3A_218 = tpu.memref_squeeze %dma_wait3A_217 : memref<1x14x128xi32, #tpu.memory_space<vmem>> -> memref<14x128xi32, #tpu.memory_space<vmem>>
        %dma_wait3A_219 = arith.constant 0 : i32
        %dma_wait3A_220 = arith.constant 0 : i32
        %dma_wait3A_221 = tpu.memref_slice %arg4[%dma_wait3A_219, %dma_wait3A_220] : memref<3136x128xi32, #tpu.memory_space<hbm>> -> memref<14x128xi32, #tpu.memory_space<hbm>>
        %dma_wait3A_222 = arith.constant 0 : i32
        %dma_wait3A_223 = arith.constant 0 : i32
        %dma_wait3A_224 = tpu.memref_slice %arg8[%dma_wait3A_214, %dma_wait3A_222, %dma_wait3A_223] : memref<2x14x128xi32, #tpu.memory_space<vmem>> -> memref<1x14x128xi32, #tpu.memory_space<vmem>>
        %dma_wait3A_225 = tpu.memref_squeeze %dma_wait3A_224 : memref<1x14x128xi32, #tpu.memory_space<vmem>> -> memref<14x128xi32, #tpu.memory_space<vmem>>
        %dma_wait3A_226 = arith.constant 0 : i32
        %dma_wait3A_227 = arith.constant 0 : i32
        %dma_wait3A_228 = tpu.memref_slice %arg4[%dma_wait3A_226, %dma_wait3A_227] : memref<3136x128xi32, #tpu.memory_space<hbm>> -> memref<14x128xi32, #tpu.memory_space<hbm>>
        tpu.wait_dma2 semaphore(%arg15 : memref<!tpu.dma_semaphore, #tpu.memory_space<semaphore_mem>>) src(%dma_wait3A_228 : memref<14x128xi32, #tpu.memory_space<hbm>>) dst(%dma_wait3A_225 : memref<14x128xi32, #tpu.memory_space<vmem>>)
        %add3A_229 = arith.constant 1 : i32
        %add3A_230 = arith.addi %select_n3A_213, %add3A_229 : i32
        %lt3A_231 = arith.constant 7 : i32
        %lt3A_232 = arith.cmpi slt, %add3A_230, %lt3A_231 : i32
        %convert_element_type3A_233 = arith.extui %lt3A_232 : i1 to i32
        %cond3A_234 = arith.constant 0 : i32
        %cond3A_235 = arith.cmpi ne, %convert_element_type3A_233, %cond3A_234 : i32
        scf.if %cond3A_235 {
          %mul3A_236 = arith.constant 98 : i32
          %mul3A_237 = arith.muli %add3A, %mul3A_236 : i32
          %add3A_238 = arith.constant 1 : i32
          %add3A_239 = arith.addi %select_n3A_213, %add3A_238 : i32
          %mul3A_240 = arith.constant 14 : i32
          %mul3A_241 = arith.muli %add3A_239, %mul3A_240 : i32
          %add3A_242 = arith.addi %mul3A_237, %mul3A_241 : i32
          %add3A_243 = arith.constant 1 : i32
          %add3A_244 = arith.addi %select_n3A_213, %add3A_243 : i32
          %rem3A_245 = arith.constant 2 : i32
          %rem3A_246 = arith.remsi %add3A_244, %rem3A_245 : i32
          %dma_start3A_247 = arith.constant 0 : i32
          %dma_start3A_248 = arith.constant 0 : i32
          %dma_start3A_249 = tpu.memref_slice %arg8[%rem3A_246, %dma_start3A_247, %dma_start3A_248] : memref<2x14x128xi32, #tpu.memory_space<vmem>> -> memref<1x14x128xi32, #tpu.memory_space<vmem>>
          %dma_start3A_250 = tpu.memref_squeeze %dma_start3A_249 : memref<1x14x128xi32, #tpu.memory_space<vmem>> -> memref<14x128xi32, #tpu.memory_space<vmem>>
          %dma_start3A_251 = arith.constant 0 : i32
          %dma_start3A_252 = tpu.memref_slice %arg4[%add3A_242, %dma_start3A_251] : memref<3136x128xi32, #tpu.memory_space<hbm>> -> memref<14x128xi32, #tpu.memory_space<hbm>>
          %dma_start3A_253 = arith.constant 0 : i32
          %dma_start3A_254 = arith.constant 0 : i32
          %dma_start3A_255 = tpu.memref_slice %arg8[%rem3A_246, %dma_start3A_253, %dma_start3A_254] : memref<2x14x128xi32, #tpu.memory_space<vmem>> -> memref<1x14x128xi32, #tpu.memory_space<vmem>>
          %dma_start3A_256 = tpu.memref_squeeze %dma_start3A_255 : memref<1x14x128xi32, #tpu.memory_space<vmem>> -> memref<14x128xi32, #tpu.memory_space<vmem>>
          %dma_start3A_257 = arith.constant 0 : i32
          %dma_start3A_258 = tpu.memref_slice %arg4[%add3A_242, %dma_start3A_257] : memref<3136x128xi32, #tpu.memory_space<hbm>> -> memref<14x128xi32, #tpu.memory_space<hbm>>
          tpu.enqueue_dma source(%dma_start3A_258 : memref<14x128xi32, #tpu.memory_space<hbm>>) target(%dma_start3A_256 : memref<14x128xi32, #tpu.memory_space<vmem>>) target_semaphore(%arg15 : memref<!tpu.dma_semaphore, #tpu.memory_space<semaphore_mem>>)
        } else {
        }
      } else {
      }
      %dma_wait3A_57 = arith.constant 0 : i32
      %dma_wait3A_58 = arith.constant 0 : i32
      %dma_wait3A_59 = arith.constant 0 : i32
      %dma_wait3A_60 = arith.constant 0 : i32
      %dma_wait3A_61 = tpu.memref_slice %arg9[%dma_wait3A_58, %dma_wait3A_59, %dma_wait3A_60] : memref<2x128x32xf32, #tpu.memory_space<vmem>> -> memref<1x128x32xf32, #tpu.memory_space<vmem>>
      %dma_wait3A_62 = tpu.memref_squeeze %dma_wait3A_61 : memref<1x128x32xf32, #tpu.memory_space<vmem>> -> memref<128x32xf32, #tpu.memory_space<vmem>>
      %dma_wait3A_63 = arith.constant 0 : i32
      %dma_wait3A_64 = tpu.memref_slice %arg7[%dma_wait3A_57, %dma_wait3A_63] : memref<98x128xi32, #tpu.memory_space<vmem>> -> memref<1x128xi32, #tpu.memory_space<vmem>>
      %dma_wait3A_65 = tpu.memref_squeeze %dma_wait3A_64 : memref<1x128xi32, #tpu.memory_space<vmem>> -> memref<128xi32, #tpu.memory_space<vmem>>
      %dma_wait3A_66 = arith.constant 0 : i32
      %dma_wait3A_67 = arith.constant 0 : i32
      %dma_wait3A_68 = tpu.memref_slice %arg2[%dma_wait3A_66, %dma_wait3A_67] : memref<50048x32xf32, #tpu.memory_space<hbm>> -> memref<50048x32xf32, #tpu.memory_space<hbm>>
      tpu.wait_indirect_dma semaphore(%arg11 : memref<!tpu.dma_semaphore, #tpu.memory_space<semaphore_mem>>) src(%dma_wait3A_68 : memref<50048x32xf32, #tpu.memory_space<hbm>>) dst(%dma_wait3A_62 : memref<128x32xf32, #tpu.memory_space<vmem>>)
      %jit3A = arith.constant 14 : i32
      %div3A = arith.divsi %mul3A_53, %jit3A : i32
      %sign3A = arith.constant 0 : i32
      %sign3A_69 = arith.cmpi sgt, %mul3A_53, %sign3A : i32
      %sign3A_70 = arith.extui %sign3A_69 : i1 to i32
      %sign3A_71 = arith.constant 0 : i32
      %sign3A_72 = arith.cmpi slt, %mul3A_53, %sign3A_71 : i32
      %sign3A_73 = arith.extui %sign3A_72 : i1 to i32
      %sign3A_74 = arith.subi %sign3A_70, %sign3A_73 : i32
      %sign3A_75 = arith.constant 0 : i32
      %sign3A_76 = arith.cmpi sgt, %jit3A, %sign3A_75 : i32
      %sign3A_77 = arith.extui %sign3A_76 : i1 to i32
      %sign3A_78 = arith.constant 0 : i32
      %sign3A_79 = arith.cmpi slt, %jit3A, %sign3A_78 : i32
      %sign3A_80 = arith.extui %sign3A_79 : i1 to i32
      %sign3A_81 = arith.subi %sign3A_77, %sign3A_80 : i32
      %ne3A = arith.cmpi ne, %sign3A_74, %sign3A_81 : i32
      %rem3A_82 = arith.remsi %mul3A_53, %jit3A : i32
      %ne3A_83 = arith.constant 0 : i32
      %ne3A_84 = arith.cmpi ne, %rem3A_82, %ne3A_83 : i32
      %and3A = arith.andi %ne3A, %ne3A_84 : i1
      %sub3A = arith.constant 1 : i32
      %sub3A_85 = arith.subi %div3A, %sub3A : i32
      %select_n3A = arith.select %and3A, %sub3A_85, %div3A : i32
      %rem3A_86 = arith.constant 2 : i32
      %rem3A_87 = arith.remsi %select_n3A, %rem3A_86 : i32
      %rem3A_88 = arith.constant 14 : i32
      %rem3A_89 = arith.remsi %mul3A_53, %rem3A_88 : i32
      %dma_start3A_90 = arith.constant 0 : i32
      %dma_start3A_91 = arith.constant 0 : i32
      %dma_start3A_92 = arith.constant 0 : i32
      %dma_start3A_93 = tpu.memref_slice %arg9[%dma_start3A_90, %dma_start3A_91, %dma_start3A_92] : memref<2x128x32xf32, #tpu.memory_space<vmem>> -> memref<1x128x32xf32, #tpu.memory_space<vmem>>
      %dma_start3A_94 = tpu.memref_squeeze %dma_start3A_93 : memref<1x128x32xf32, #tpu.memory_space<vmem>> -> memref<128x32xf32, #tpu.memory_space<vmem>>
      %dma_start3A_95 = arith.constant 0 : i32
      %dma_start3A_96 = tpu.memref_slice %arg8[%rem3A_87, %rem3A_89, %dma_start3A_95] : memref<2x14x128xi32, #tpu.memory_space<vmem>> -> memref<1x1x128xi32, #tpu.memory_space<vmem>>
      %dma_start3A_97 = tpu.memref_squeeze %dma_start3A_96 : memref<1x1x128xi32, #tpu.memory_space<vmem>> -> memref<128xi32, #tpu.memory_space<vmem>>
      %dma_start3A_98 = arith.constant 0 : i32
      %dma_start3A_99 = arith.constant 0 : i32
      %dma_start3A_100 = tpu.memref_slice %arg10[%dma_start3A_98, %dma_start3A_99] : memref<50048x32xf32, #tpu.memory_space<vmem_shared>> -> memref<50048x32xf32, #tpu.memory_space<vmem_shared>>
      tpu.enqueue_indirect_dma source(%dma_start3A_94 : memref<128x32xf32, #tpu.memory_space<vmem>>) target(%dma_start3A_100 : memref<50048x32xf32, #tpu.memory_space<vmem_shared>>) offsets(%dma_start3A_97 : memref<128xi32, #tpu.memory_space<vmem>>) semaphore(%arg13 : memref<!tpu.dma_semaphore, #tpu.memory_space<semaphore_mem>>) {add = true}
      %ge3A = arith.constant 1 : i32
      %ge3A_101 = arith.cmpi sge, %scan3A_51, %ge3A : i32
      %convert_element_type3A_102 = arith.extui %ge3A_101 : i1 to i32
      %cond3A_103 = arith.constant 0 : i32
      %cond3A_104 = arith.cmpi ne, %convert_element_type3A_102, %cond3A_103 : i32
      scf.if %cond3A_104 {
        %dma_wait3A_190 = arith.constant 1 : i32
        %dma_wait3A_191 = arith.constant 0 : i32
        %dma_wait3A_192 = arith.constant 0 : i32
        %dma_wait3A_193 = arith.constant 0 : i32
        %dma_wait3A_194 = arith.constant 0 : i32
        %dma_wait3A_195 = tpu.memref_slice %arg9[%dma_wait3A_190, %dma_wait3A_193, %dma_wait3A_194] : memref<2x128x32xf32, #tpu.memory_space<vmem>> -> memref<1x128x32xf32, #tpu.memory_space<vmem>>
        %dma_wait3A_196 = tpu.memref_squeeze %dma_wait3A_195 : memref<1x128x32xf32, #tpu.memory_space<vmem>> -> memref<128x32xf32, #tpu.memory_space<vmem>>
        %dma_wait3A_197 = arith.constant 0 : i32
        %dma_wait3A_198 = tpu.memref_slice %arg8[%dma_wait3A_191, %dma_wait3A_192, %dma_wait3A_197] : memref<2x14x128xi32, #tpu.memory_space<vmem>> -> memref<1x1x128xi32, #tpu.memory_space<vmem>>
        %dma_wait3A_199 = tpu.memref_squeeze %dma_wait3A_198 : memref<1x1x128xi32, #tpu.memory_space<vmem>> -> memref<128xi32, #tpu.memory_space<vmem>>
        %dma_wait3A_200 = arith.constant 0 : i32
        %dma_wait3A_201 = arith.constant 0 : i32
        %dma_wait3A_202 = tpu.memref_slice %arg10[%dma_wait3A_200, %dma_wait3A_201] : memref<50048x32xf32, #tpu.memory_space<vmem_shared>> -> memref<50048x32xf32, #tpu.memory_space<vmem_shared>>
        tpu.wait_indirect_dma semaphore(%arg14 : memref<!tpu.dma_semaphore, #tpu.memory_space<semaphore_mem>>) src(%dma_wait3A_196 : memref<128x32xf32, #tpu.memory_space<vmem>>) dst(%dma_wait3A_202 : memref<50048x32xf32, #tpu.memory_space<vmem_shared>>)
      } else {
      }
      %add3A_105 = arith.constant 1 : i32
      %add3A_106 = arith.addi %mul3A_53, %add3A_105 : i32
      %dma_start3A_107 = arith.constant 1 : i32
      %dma_start3A_108 = arith.constant 0 : i32
      %dma_start3A_109 = arith.constant 0 : i32
      %dma_start3A_110 = tpu.memref_slice %arg9[%dma_start3A_107, %dma_start3A_108, %dma_start3A_109] : memref<2x128x32xf32, #tpu.memory_space<vmem>> -> memref<1x128x32xf32, #tpu.memory_space<vmem>>
      %dma_start3A_111 = tpu.memref_squeeze %dma_start3A_110 : memref<1x128x32xf32, #tpu.memory_space<vmem>> -> memref<128x32xf32, #tpu.memory_space<vmem>>
      %dma_start3A_112 = arith.constant 0 : i32
      %dma_start3A_113 = tpu.memref_slice %arg7[%add3A_106, %dma_start3A_112] : memref<98x128xi32, #tpu.memory_space<vmem>> -> memref<1x128xi32, #tpu.memory_space<vmem>>
      %dma_start3A_114 = tpu.memref_squeeze %dma_start3A_113 : memref<1x128xi32, #tpu.memory_space<vmem>> -> memref<128xi32, #tpu.memory_space<vmem>>
      %dma_start3A_115 = arith.constant 0 : i32
      %dma_start3A_116 = arith.constant 0 : i32
      %dma_start3A_117 = tpu.memref_slice %arg2[%dma_start3A_115, %dma_start3A_116] : memref<50048x32xf32, #tpu.memory_space<hbm>> -> memref<50048x32xf32, #tpu.memory_space<hbm>>
      tpu.enqueue_indirect_dma source(%dma_start3A_117 : memref<50048x32xf32, #tpu.memory_space<hbm>>) target(%dma_start3A_111 : memref<128x32xf32, #tpu.memory_space<vmem>>) offsets(%dma_start3A_114 : memref<128xi32, #tpu.memory_space<vmem>>) semaphore(%arg12 : memref<!tpu.dma_semaphore, #tpu.memory_space<semaphore_mem>>)
      %dma_wait3A_118 = arith.constant 0 : i32
      %dma_wait3A_119 = arith.constant 1 : i32
      %dma_wait3A_120 = arith.constant 0 : i32
      %dma_wait3A_121 = arith.constant 0 : i32
      %dma_wait3A_122 = tpu.memref_slice %arg9[%dma_wait3A_119, %dma_wait3A_120, %dma_wait3A_121] : memref<2x128x32xf32, #tpu.memory_space<vmem>> -> memref<1x128x32xf32, #tpu.memory_space<vmem>>
      %dma_wait3A_123 = tpu.memref_squeeze %dma_wait3A_122 : memref<1x128x32xf32, #tpu.memory_space<vmem>> -> memref<128x32xf32, #tpu.memory_space<vmem>>
      %dma_wait3A_124 = arith.constant 0 : i32
      %dma_wait3A_125 = tpu.memref_slice %arg7[%dma_wait3A_118, %dma_wait3A_124] : memref<98x128xi32, #tpu.memory_space<vmem>> -> memref<1x128xi32, #tpu.memory_space<vmem>>
      %dma_wait3A_126 = tpu.memref_squeeze %dma_wait3A_125 : memref<1x128xi32, #tpu.memory_space<vmem>> -> memref<128xi32, #tpu.memory_space<vmem>>
      %dma_wait3A_127 = arith.constant 0 : i32
      %dma_wait3A_128 = arith.constant 0 : i32
      %dma_wait3A_129 = tpu.memref_slice %arg2[%dma_wait3A_127, %dma_wait3A_128] : memref<50048x32xf32, #tpu.memory_space<hbm>> -> memref<50048x32xf32, #tpu.memory_space<hbm>>
      tpu.wait_indirect_dma semaphore(%arg12 : memref<!tpu.dma_semaphore, #tpu.memory_space<semaphore_mem>>) src(%dma_wait3A_129 : memref<50048x32xf32, #tpu.memory_space<hbm>>) dst(%dma_wait3A_123 : memref<128x32xf32, #tpu.memory_space<vmem>>)
      %add3A_130 = arith.constant 1 : i32
      %add3A_131 = arith.addi %mul3A_53, %add3A_130 : i32
      %jit3A_132 = arith.constant 14 : i32
      %div3A_133 = arith.divsi %add3A_131, %jit3A_132 : i32
      %sign3A_134 = arith.constant 0 : i32
      %sign3A_135 = arith.cmpi sgt, %add3A_131, %sign3A_134 : i32
      %sign3A_136 = arith.extui %sign3A_135 : i1 to i32
      %sign3A_137 = arith.constant 0 : i32
      %sign3A_138 = arith.cmpi slt, %add3A_131, %sign3A_137 : i32
      %sign3A_139 = arith.extui %sign3A_138 : i1 to i32
      %sign3A_140 = arith.subi %sign3A_136, %sign3A_139 : i32
      %sign3A_141 = arith.constant 0 : i32
      %sign3A_142 = arith.cmpi sgt, %jit3A_132, %sign3A_141 : i32
      %sign3A_143 = arith.extui %sign3A_142 : i1 to i32
      %sign3A_144 = arith.constant 0 : i32
      %sign3A_145 = arith.cmpi slt, %jit3A_132, %sign3A_144 : i32
      %sign3A_146 = arith.extui %sign3A_145 : i1 to i32
      %sign3A_147 = arith.subi %sign3A_143, %sign3A_146 : i32
      %ne3A_148 = arith.cmpi ne, %sign3A_140, %sign3A_147 : i32
      %rem3A_149 = arith.remsi %add3A_131, %jit3A_132 : i32
      %ne3A_150 = arith.constant 0 : i32
      %ne3A_151 = arith.cmpi ne, %rem3A_149, %ne3A_150 : i32
      %and3A_152 = arith.andi %ne3A_148, %ne3A_151 : i1
      %sub3A_153 = arith.constant 1 : i32
      %sub3A_154 = arith.subi %div3A_133, %sub3A_153 : i32
      %select_n3A_155 = arith.select %and3A_152, %sub3A_154, %div3A_133 : i32
      %rem3A_156 = arith.constant 2 : i32
      %rem3A_157 = arith.remsi %select_n3A_155, %rem3A_156 : i32
      %rem3A_158 = arith.constant 14 : i32
      %rem3A_159 = arith.remsi %add3A_131, %rem3A_158 : i32
      %dma_start3A_160 = arith.constant 1 : i32
      %dma_start3A_161 = arith.constant 0 : i32
      %dma_start3A_162 = arith.constant 0 : i32
      %dma_start3A_163 = tpu.memref_slice %arg9[%dma_start3A_160, %dma_start3A_161, %dma_start3A_162] : memref<2x128x32xf32, #tpu.memory_space<vmem>> -> memref<1x128x32xf32, #tpu.memory_space<vmem>>
      %dma_start3A_164 = tpu.memref_squeeze %dma_start3A_163 : memref<1x128x32xf32, #tpu.memory_space<vmem>> -> memref<128x32xf32, #tpu.memory_space<vmem>>
      %dma_start3A_165 = arith.constant 0 : i32
      %dma_start3A_166 = tpu.memref_slice %arg8[%rem3A_157, %rem3A_159, %dma_start3A_165] : memref<2x14x128xi32, #tpu.memory_space<vmem>> -> memref<1x1x128xi32, #tpu.memory_space<vmem>>
      %dma_start3A_167 = tpu.memref_squeeze %dma_start3A_166 : memref<1x1x128xi32, #tpu.memory_space<vmem>> -> memref<128xi32, #tpu.memory_space<vmem>>
      %dma_start3A_168 = arith.constant 0 : i32
      %dma_start3A_169 = arith.constant 0 : i32
      %dma_start3A_170 = tpu.memref_slice %arg10[%dma_start3A_168, %dma_start3A_169] : memref<50048x32xf32, #tpu.memory_space<vmem_shared>> -> memref<50048x32xf32, #tpu.memory_space<vmem_shared>>
      tpu.enqueue_indirect_dma source(%dma_start3A_164 : memref<128x32xf32, #tpu.memory_space<vmem>>) target(%dma_start3A_170 : memref<50048x32xf32, #tpu.memory_space<vmem_shared>>) offsets(%dma_start3A_167 : memref<128xi32, #tpu.memory_space<vmem>>) semaphore(%arg14 : memref<!tpu.dma_semaphore, #tpu.memory_space<semaphore_mem>>) {add = true}
      %dma_wait3A_171 = arith.constant 0 : i32
      %dma_wait3A_172 = arith.constant 0 : i32
      %dma_wait3A_173 = arith.constant 0 : i32
      %dma_wait3A_174 = arith.constant 0 : i32
      %dma_wait3A_175 = arith.constant 0 : i32
      %dma_wait3A_176 = tpu.memref_slice %arg9[%dma_wait3A_171, %dma_wait3A_174, %dma_wait3A_175] : memref<2x128x32xf32, #tpu.memory_space<vmem>> -> memref<1x128x32xf32, #tpu.memory_space<vmem>>
      %dma_wait3A_177 = tpu.memref_squeeze %dma_wait3A_176 : memref<1x128x32xf32, #tpu.memory_space<vmem>> -> memref<128x32xf32, #tpu.memory_space<vmem>>
      %dma_wait3A_178 = arith.constant 0 : i32
      %dma_wait3A_179 = tpu.memref_slice %arg8[%dma_wait3A_172, %dma_wait3A_173, %dma_wait3A_178] : memref<2x14x128xi32, #tpu.memory_space<vmem>> -> memref<1x1x128xi32, #tpu.memory_space<vmem>>
      %dma_wait3A_180 = tpu.memref_squeeze %dma_wait3A_179 : memref<1x1x128xi32, #tpu.memory_space<vmem>> -> memref<128xi32, #tpu.memory_space<vmem>>
      %dma_wait3A_181 = arith.constant 0 : i32
      %dma_wait3A_182 = arith.constant 0 : i32
      %dma_wait3A_183 = tpu.memref_slice %arg10[%dma_wait3A_181, %dma_wait3A_182] : memref<50048x32xf32, #tpu.memory_space<vmem_shared>> -> memref<50048x32xf32, #tpu.memory_space<vmem_shared>>
      tpu.wait_indirect_dma semaphore(%arg13 : memref<!tpu.dma_semaphore, #tpu.memory_space<semaphore_mem>>) src(%dma_wait3A_177 : memref<128x32xf32, #tpu.memory_space<vmem>>) dst(%dma_wait3A_183 : memref<50048x32xf32, #tpu.memory_space<vmem_shared>>)
      %add3A_184 = arith.constant 2 : i32
      %add3A_185 = arith.addi %mul3A_53, %add3A_184 : i32
      %lt3A = arith.constant 98 : i32
      %lt3A_186 = arith.cmpi slt, %add3A_185, %lt3A : i32
      %convert_element_type3A_187 = arith.extui %lt3A_186 : i1 to i32
      %cond3A_188 = arith.constant 0 : i32
      %cond3A_189 = arith.cmpi ne, %convert_element_type3A_187, %cond3A_188 : i32
      scf.if %cond3A_189 {
        %add3A_190 = arith.constant 2 : i32
        %add3A_191 = arith.addi %mul3A_53, %add3A_190 : i32
        %dma_start3A_192 = arith.constant 0 : i32
        %dma_start3A_193 = arith.constant 0 : i32
        %dma_start3A_194 = arith.constant 0 : i32
        %dma_start3A_195 = tpu.memref_slice %arg9[%dma_start3A_192, %dma_start3A_193, %dma_start3A_194] : memref<2x128x32xf32, #tpu.memory_space<vmem>> -> memref<1x128x32xf32, #tpu.memory_space<vmem>>
        %dma_start3A_196 = tpu.memref_squeeze %dma_start3A_195 : memref<1x128x32xf32, #tpu.memory_space<vmem>> -> memref<128x32xf32, #tpu.memory_space<vmem>>
        %dma_start3A_197 = arith.constant 0 : i32
        %dma_start3A_198 = tpu.memref_slice %arg7[%add3A_191, %dma_start3A_197] : memref<98x128xi32, #tpu.memory_space<vmem>> -> memref<1x128xi32, #tpu.memory_space<vmem>>
        %dma_start3A_199 = tpu.memref_squeeze %dma_start3A_198 : memref<1x128xi32, #tpu.memory_space<vmem>> -> memref<128xi32, #tpu.memory_space<vmem>>
        %dma_start3A_200 = arith.constant 0 : i32
        %dma_start3A_201 = arith.constant 0 : i32
        %dma_start3A_202 = tpu.memref_slice %arg2[%dma_start3A_200, %dma_start3A_201] : memref<50048x32xf32, #tpu.memory_space<hbm>> -> memref<50048x32xf32, #tpu.memory_space<hbm>>
        tpu.enqueue_indirect_dma source(%dma_start3A_202 : memref<50048x32xf32, #tpu.memory_space<hbm>>) target(%dma_start3A_196 : memref<128x32xf32, #tpu.memory_space<vmem>>) offsets(%dma_start3A_199 : memref<128xi32, #tpu.memory_space<vmem>>) semaphore(%arg11 : memref<!tpu.dma_semaphore, #tpu.memory_space<semaphore_mem>>)
      } else {
      }
    }
    %scan3A_35 = arith.constant 49 : i32
    %dma_wait3A = arith.constant 1 : i32
    %dma_wait3A_36 = arith.constant 0 : i32
    %dma_wait3A_37 = arith.constant 0 : i32
    %dma_wait3A_38 = arith.constant 0 : i32
    %dma_wait3A_39 = arith.constant 0 : i32
    %dma_wait3A_40 = tpu.memref_slice %arg9[%dma_wait3A, %dma_wait3A_38, %dma_wait3A_39] : memref<2x128x32xf32, #tpu.memory_space<vmem>> -> memref<1x128x32xf32, #tpu.memory_space<vmem>>
    %dma_wait3A_41 = tpu.memref_squeeze %dma_wait3A_40 : memref<1x128x32xf32, #tpu.memory_space<vmem>> -> memref<128x32xf32, #tpu.memory_space<vmem>>
    %dma_wait3A_42 = arith.constant 0 : i32
    %dma_wait3A_43 = tpu.memref_slice %arg8[%dma_wait3A_36, %dma_wait3A_37, %dma_wait3A_42] : memref<2x14x128xi32, #tpu.memory_space<vmem>> -> memref<1x1x128xi32, #tpu.memory_space<vmem>>
    %dma_wait3A_44 = tpu.memref_squeeze %dma_wait3A_43 : memref<1x1x128xi32, #tpu.memory_space<vmem>> -> memref<128xi32, #tpu.memory_space<vmem>>
    %dma_wait3A_45 = arith.constant 0 : i32
    %dma_wait3A_46 = arith.constant 0 : i32
    %dma_wait3A_47 = tpu.memref_slice %arg10[%dma_wait3A_45, %dma_wait3A_46] : memref<50048x32xf32, #tpu.memory_space<vmem_shared>> -> memref<50048x32xf32, #tpu.memory_space<vmem_shared>>
    tpu.wait_indirect_dma semaphore(%arg14 : memref<!tpu.dma_semaphore, #tpu.memory_space<semaphore_mem>>) src(%dma_wait3A_41 : memref<128x32xf32, #tpu.memory_space<vmem>>) dst(%dma_wait3A_47 : memref<50048x32xf32, #tpu.memory_space<vmem_shared>>)
    %barrier3A_48 = arith.constant 0 : index
    tpu.barrier barrier_id(%barrier3A_48)
    %mul3A_49 = arith.constant 3128 : i32
    %mul3A_50 = arith.muli %arg1, %mul3A_49 : i32
    "tpu.region"() ({
      %run_scoped3A = tpu.sem_alloc : memref<!tpu.dma_semaphore, #tpu.memory_space<semaphore_mem>>
      %dma_start3A_51 = arith.constant 0 : i32
      %dma_start3A_52 = tpu.memref_slice %arg6[%arg0, %mul3A_50, %dma_start3A_51] : memref<2x50048x32xf32, #tpu.memory_space<hbm>> -> memref<1x3128x32xf32, #tpu.memory_space<hbm>>
      %dma_start3A_53 = tpu.memref_squeeze %dma_start3A_52 : memref<1x3128x32xf32, #tpu.memory_space<hbm>> -> memref<3128x32xf32, #tpu.memory_space<hbm>>
      %dma_start3A_54 = arith.constant 0 : i32
      %dma_start3A_55 = tpu.memref_slice %arg10[%mul3A_50, %dma_start3A_54] : memref<50048x32xf32, #tpu.memory_space<vmem_shared>> -> memref<3128x32xf32, #tpu.memory_space<vmem_shared>>
      tpu.enqueue_dma source(%dma_start3A_55 : memref<3128x32xf32, #tpu.memory_space<vmem_shared>>) target(%dma_start3A_53 : memref<3128x32xf32, #tpu.memory_space<hbm>>) target_semaphore(%run_scoped3A : memref<!tpu.dma_semaphore, #tpu.memory_space<semaphore_mem>>)
      %dma_wait3A_56 = arith.constant 0 : i32
      %dma_wait3A_57 = tpu.memref_slice %arg6[%arg0, %mul3A_50, %dma_wait3A_56] : memref<2x50048x32xf32, #tpu.memory_space<hbm>> -> memref<1x3128x32xf32, #tpu.memory_space<hbm>>
      %dma_wait3A_58 = tpu.memref_squeeze %dma_wait3A_57 : memref<1x3128x32xf32, #tpu.memory_space<hbm>> -> memref<3128x32xf32, #tpu.memory_space<hbm>>
      %dma_wait3A_59 = arith.constant 0 : i32
      %dma_wait3A_60 = tpu.memref_slice %arg10[%mul3A_50, %dma_wait3A_59] : memref<50048x32xf32, #tpu.memory_space<vmem_shared>> -> memref<3128x32xf32, #tpu.memory_space<vmem_shared>>
      tpu.wait_dma2 semaphore(%run_scoped3A : memref<!tpu.dma_semaphore, #tpu.memory_space<semaphore_mem>>) src(%dma_wait3A_60 : memref<3128x32xf32, #tpu.memory_space<vmem_shared>>) dst(%dma_wait3A_58 : memref<3128x32xf32, #tpu.memory_space<hbm>>)
      tpu.yield
    }) : () -> ()
    return
  }
}

#map = affine_map<(d0, d1) -> (0, 0)>
#map1 = affine_map<(d0, d1) -> (0, 0, 0)>
module attributes {stable_mosaic.version = 14 : i64} {
  func.func @_sc_degree(%arg0: i32, %arg1: i32, %arg2: memref<3136x128xi32, #tpu.memory_space<hbm>>, %arg3: memref<128x32xf32, #tpu.memory_space<hbm>>, %arg4: memref<3128x32xf32, #tpu.memory_space<hbm>>, %arg5: memref<2x50048x32xf32, #tpu.memory_space<hbm>>, %arg6: memref<98x128xi32, #tpu.memory_space<vmem>>, %arg7: memref<128x32xf32, #tpu.memory_space<vmem>>, %arg8: memref<50048x32xf32, #tpu.memory_space<vmem_shared>>) attributes {dimension_semantics = [#tpu.dimension_semantics<core_parallel>, #tpu.dimension_semantics<subcore_parallel>], iteration_bounds = array<i64: 2, 16>, scalar_prefetch = 0 : i64, scratch_operands = 3 : i64, tpu.core_type = #tpu.core_type<sc_vector_subcore>, window_params = [{transform_indices = #map}, {transform_indices = #map}, {transform_indices = #map}, {transform_indices = #map1}]} {
    %mul3A = arith.constant 2 : i32
    %mul3A_0 = arith.muli %arg1, %mul3A : i32
    %add3A = arith.addi %mul3A_0, %arg0 : i32
    %mul3A_1 = arith.constant 98 : i32
    %mul3A_2 = arith.muli %add3A, %mul3A_1 : i32
    "tpu.region"() ({
      %run_scoped3A = tpu.sem_alloc : memref<!tpu.dma_semaphore, #tpu.memory_space<semaphore_mem>>
      %dma_start3A = arith.constant 0 : i32
      %dma_start3A_13 = tpu.memref_slice %arg2[%mul3A_2, %dma_start3A] : memref<3136x128xi32, #tpu.memory_space<hbm>> -> memref<98x128xi32, #tpu.memory_space<hbm>>
      %dma_start3A_14 = arith.constant 0 : i32
      %dma_start3A_15 = tpu.memref_slice %arg2[%mul3A_2, %dma_start3A_14] : memref<3136x128xi32, #tpu.memory_space<hbm>> -> memref<98x128xi32, #tpu.memory_space<hbm>>
      tpu.enqueue_dma source(%dma_start3A_15 : memref<98x128xi32, #tpu.memory_space<hbm>>) target(%arg6 : memref<98x128xi32, #tpu.memory_space<vmem>>) target_semaphore(%run_scoped3A : memref<!tpu.dma_semaphore, #tpu.memory_space<semaphore_mem>>)
      %dma_wait3A = arith.constant 0 : i32
      %dma_wait3A_16 = tpu.memref_slice %arg2[%mul3A_2, %dma_wait3A] : memref<3136x128xi32, #tpu.memory_space<hbm>> -> memref<98x128xi32, #tpu.memory_space<hbm>>
      %dma_wait3A_17 = arith.constant 0 : i32
      %dma_wait3A_18 = tpu.memref_slice %arg2[%mul3A_2, %dma_wait3A_17] : memref<3136x128xi32, #tpu.memory_space<hbm>> -> memref<98x128xi32, #tpu.memory_space<hbm>>
      tpu.wait_dma2 semaphore(%run_scoped3A : memref<!tpu.dma_semaphore, #tpu.memory_space<semaphore_mem>>) src(%dma_wait3A_18 : memref<98x128xi32, #tpu.memory_space<hbm>>) dst(%arg6 : memref<98x128xi32, #tpu.memory_space<vmem>>)
      tpu.yield
    }) : () -> ()
    "tpu.region"() ({
      %run_scoped3A = tpu.sem_alloc : memref<!tpu.dma_semaphore, #tpu.memory_space<semaphore_mem>>
      tpu.enqueue_dma source(%arg3 : memref<128x32xf32, #tpu.memory_space<hbm>>) target(%arg7 : memref<128x32xf32, #tpu.memory_space<vmem>>) target_semaphore(%run_scoped3A : memref<!tpu.dma_semaphore, #tpu.memory_space<semaphore_mem>>)
      tpu.wait_dma2 semaphore(%run_scoped3A : memref<!tpu.dma_semaphore, #tpu.memory_space<semaphore_mem>>) src(%arg3 : memref<128x32xf32, #tpu.memory_space<hbm>>) dst(%arg7 : memref<128x32xf32, #tpu.memory_space<vmem>>)
      tpu.yield
    }) : () -> ()
    %mul3A_3 = arith.constant 3128 : i32
    %mul3A_4 = arith.muli %arg1, %mul3A_3 : i32
    "tpu.region"() ({
      %run_scoped3A = tpu.sem_alloc : memref<!tpu.dma_semaphore, #tpu.memory_space<semaphore_mem>>
      %dma_start3A = arith.constant 0 : i32
      %dma_start3A_13 = tpu.memref_slice %arg8[%mul3A_4, %dma_start3A] : memref<50048x32xf32, #tpu.memory_space<vmem_shared>> -> memref<3128x32xf32, #tpu.memory_space<vmem_shared>>
      tpu.enqueue_dma source(%arg4 : memref<3128x32xf32, #tpu.memory_space<hbm>>) target(%dma_start3A_13 : memref<3128x32xf32, #tpu.memory_space<vmem_shared>>) target_semaphore(%run_scoped3A : memref<!tpu.dma_semaphore, #tpu.memory_space<semaphore_mem>>)
      %dma_wait3A = arith.constant 0 : i32
      %dma_wait3A_14 = tpu.memref_slice %arg8[%mul3A_4, %dma_wait3A] : memref<50048x32xf32, #tpu.memory_space<vmem_shared>> -> memref<3128x32xf32, #tpu.memory_space<vmem_shared>>
      tpu.wait_dma2 semaphore(%run_scoped3A : memref<!tpu.dma_semaphore, #tpu.memory_space<semaphore_mem>>) src(%arg4 : memref<3128x32xf32, #tpu.memory_space<hbm>>) dst(%dma_wait3A_14 : memref<3128x32xf32, #tpu.memory_space<vmem_shared>>)
      tpu.yield
    }) : () -> ()
    %barrier3A = arith.constant 0 : index
    tpu.barrier barrier_id(%barrier3A)
    %scan3A = arith.constant 0 : i32
    %scan3A_5 = arith.constant 0 : i32
    %scan3A_6 = arith.constant 98 : i32
    %scan3A_7 = arith.addi %scan3A_5, %scan3A_6 : i32
    %scan3A_8 = arith.constant 1 : i32
    scf.for %scan3A_13 = %scan3A_5 to %scan3A_7 step %scan3A_8  : i32 {
      "tpu.region"() ({
        %run_scoped3A = tpu.sem_alloc : memref<!tpu.dma_semaphore, #tpu.memory_space<semaphore_mem>>
        %dma_start3A = arith.constant 0 : i32
        %dma_start3A_14 = tpu.memref_slice %arg6[%scan3A_13, %dma_start3A] : memref<98x128xi32, #tpu.memory_space<vmem>> -> memref<1x128xi32, #tpu.memory_space<vmem>>
        %dma_start3A_15 = tpu.memref_squeeze %dma_start3A_14 : memref<1x128xi32, #tpu.memory_space<vmem>> -> memref<128xi32, #tpu.memory_space<vmem>>
        %dma_start3A_16 = arith.constant 0 : i32
        %dma_start3A_17 = arith.constant 0 : i32
        %dma_start3A_18 = tpu.memref_slice %arg8[%dma_start3A_16, %dma_start3A_17] : memref<50048x32xf32, #tpu.memory_space<vmem_shared>> -> memref<50048x32xf32, #tpu.memory_space<vmem_shared>>
        tpu.enqueue_indirect_dma source(%arg7 : memref<128x32xf32, #tpu.memory_space<vmem>>) target(%dma_start3A_18 : memref<50048x32xf32, #tpu.memory_space<vmem_shared>>) offsets(%dma_start3A_15 : memref<128xi32, #tpu.memory_space<vmem>>) semaphore(%run_scoped3A : memref<!tpu.dma_semaphore, #tpu.memory_space<semaphore_mem>>) {add = true}
        %dma_wait3A = arith.constant 0 : i32
        %dma_wait3A_19 = tpu.memref_slice %arg6[%scan3A_13, %dma_wait3A] : memref<98x128xi32, #tpu.memory_space<vmem>> -> memref<1x128xi32, #tpu.memory_space<vmem>>
        %dma_wait3A_20 = tpu.memref_squeeze %dma_wait3A_19 : memref<1x128xi32, #tpu.memory_space<vmem>> -> memref<128xi32, #tpu.memory_space<vmem>>
        %dma_wait3A_21 = arith.constant 0 : i32
        %dma_wait3A_22 = arith.constant 0 : i32
        %dma_wait3A_23 = tpu.memref_slice %arg8[%dma_wait3A_21, %dma_wait3A_22] : memref<50048x32xf32, #tpu.memory_space<vmem_shared>> -> memref<50048x32xf32, #tpu.memory_space<vmem_shared>>
        tpu.wait_indirect_dma semaphore(%run_scoped3A : memref<!tpu.dma_semaphore, #tpu.memory_space<semaphore_mem>>) src(%arg7 : memref<128x32xf32, #tpu.memory_space<vmem>>) dst(%dma_wait3A_23 : memref<50048x32xf32, #tpu.memory_space<vmem_shared>>)
        tpu.yield
      }) : () -> ()
    }
    %scan3A_9 = arith.constant 98 : i32
    %barrier3A_10 = arith.constant 0 : index
    tpu.barrier barrier_id(%barrier3A_10)
    %mul3A_11 = arith.constant 3128 : i32
    %mul3A_12 = arith.muli %arg1, %mul3A_11 : i32
    "tpu.region"() ({
      %run_scoped3A = tpu.sem_alloc : memref<!tpu.dma_semaphore, #tpu.memory_space<semaphore_mem>>
      %dma_start3A = arith.constant 0 : i32
      %dma_start3A_13 = tpu.memref_slice %arg5[%arg0, %mul3A_12, %dma_start3A] : memref<2x50048x32xf32, #tpu.memory_space<hbm>> -> memref<1x3128x32xf32, #tpu.memory_space<hbm>>
      %dma_start3A_14 = tpu.memref_squeeze %dma_start3A_13 : memref<1x3128x32xf32, #tpu.memory_space<hbm>> -> memref<3128x32xf32, #tpu.memory_space<hbm>>
      %dma_start3A_15 = arith.constant 0 : i32
      %dma_start3A_16 = tpu.memref_slice %arg8[%mul3A_12, %dma_start3A_15] : memref<50048x32xf32, #tpu.memory_space<vmem_shared>> -> memref<3128x32xf32, #tpu.memory_space<vmem_shared>>
      tpu.enqueue_dma source(%dma_start3A_16 : memref<3128x32xf32, #tpu.memory_space<vmem_shared>>) target(%dma_start3A_14 : memref<3128x32xf32, #tpu.memory_space<hbm>>) target_semaphore(%run_scoped3A : memref<!tpu.dma_semaphore, #tpu.memory_space<semaphore_mem>>)
      %dma_wait3A = arith.constant 0 : i32
      %dma_wait3A_17 = tpu.memref_slice %arg5[%arg0, %mul3A_12, %dma_wait3A] : memref<2x50048x32xf32, #tpu.memory_space<hbm>> -> memref<1x3128x32xf32, #tpu.memory_space<hbm>>
      %dma_wait3A_18 = tpu.memref_squeeze %dma_wait3A_17 : memref<1x3128x32xf32, #tpu.memory_space<hbm>> -> memref<3128x32xf32, #tpu.memory_space<hbm>>
      %dma_wait3A_19 = arith.constant 0 : i32
      %dma_wait3A_20 = tpu.memref_slice %arg8[%mul3A_12, %dma_wait3A_19] : memref<50048x32xf32, #tpu.memory_space<vmem_shared>> -> memref<3128x32xf32, #tpu.memory_space<vmem_shared>>
      tpu.wait_dma2 semaphore(%run_scoped3A : memref<!tpu.dma_semaphore, #tpu.memory_space<semaphore_mem>>) src(%dma_wait3A_20 : memref<3128x32xf32, #tpu.memory_space<vmem_shared>>) dst(%dma_wait3A_18 : memref<3128x32xf32, #tpu.memory_space<hbm>>)
      tpu.yield
    }) : () -> ()
    return
  }
}

module attributes {stable_mosaic.version = 14 : i64} {
  func.func @_send_body(%arg0: i32, %arg1: memref<3128x128xf32, #tpu.memory_space<vmem>>, %arg2: memref<3128x4xi32, #tpu.memory_space<vmem>>, %arg3: memref<9x32x32xf32, #tpu.memory_space<vmem>>, %arg4: memref<9x32x32xf32, #tpu.memory_space<vmem>>, %arg5: memref<32x32xf32, #tpu.memory_space<vmem>>, %arg6: memref<3128x128xf32, #tpu.memory_space<vmem>>) attributes {dimension_semantics = [#tpu.dimension_semantics<arbitrary>], iteration_bounds = array<i64: 4>, scalar_prefetch = 0 : i64, scratch_operands = 0 : i64, tpu.core_type = #tpu.core_type<tc>, window_params = [{transform_indices = @transform_0, window_bounds = array<i64: 3128, 128>}, {transform_indices = @transform_1, window_bounds = array<i64: 3128, 4>}, {pipeline_mode = #tpu.pipeline_mode<synchronous>, transform_indices = @transform_2, window_bounds = array<i64: 9, 32, 32>}, {pipeline_mode = #tpu.pipeline_mode<synchronous>, transform_indices = @transform_3, window_bounds = array<i64: 9, 32, 32>}, {pipeline_mode = #tpu.pipeline_mode<synchronous>, transform_indices = @transform_4, window_bounds = array<i64: 32, 32>}, {transform_indices = @transform_5, window_bounds = array<i64: 3128, 128>}]} {
    %get3A = arith.constant 0 : index
    %get3A_0 = arith.constant 0 : index
    %get3A_1 = vector.load %arg5[%get3A, %get3A_0] : memref<32x32xf32, #tpu.memory_space<vmem>>, vector<32x32xf32>
    %get3A_2 = arith.constant 0 : index
    %get3A_3 = arith.constant 0 : index
    %get3A_4 = arith.constant 0 : index
    %get3A_5 = vector.load %arg3[%get3A_2, %get3A_3, %get3A_4] : memref<9x32x32xf32, #tpu.memory_space<vmem>>, vector<1x32x32xf32>
    %get3A_6 = vector.shape_cast %get3A_5 : vector<1x32x32xf32> to vector<32x32xf32>
    %get3A_7 = arith.constant 0 : index
    %get3A_8 = arith.constant 0 : index
    %get3A_9 = arith.constant 0 : index
    %get3A_10 = vector.load %arg4[%get3A_7, %get3A_8, %get3A_9] : memref<9x32x32xf32, #tpu.memory_space<vmem>>, vector<1x32x32xf32>
    %get3A_11 = vector.shape_cast %get3A_10 : vector<1x32x32xf32> to vector<32x32xf32>
    %add3A = arith.addf %get3A_6, %get3A_11 : vector<32x32xf32>
    %dot_general3A = arith.constant dense<0.000000e+00> : vector<32x32xf32>
    %dot_general3A_12 = tpu.matmul %add3A, %get3A_1, %dot_general3A {dimension_numbers = #tpu.dot_dimension_numbers<[1], [1], [0], [0], [0, 0, 1, 0], [], []>, transpose_lhs_hint = false} : vector<32x32xf32>, vector<32x32xf32>, vector<32x32xf32> -> vector<32x32xf32>
    %get3A_13 = arith.constant 1 : index
    %get3A_14 = arith.constant 0 : index
    %get3A_15 = arith.constant 0 : index
    %get3A_16 = vector.load %arg3[%get3A_13, %get3A_14, %get3A_15] : memref<9x32x32xf32, #tpu.memory_space<vmem>>, vector<1x32x32xf32>
    %get3A_17 = vector.shape_cast %get3A_16 : vector<1x32x32xf32> to vector<32x32xf32>
    %get3A_18 = arith.constant 1 : index
    %get3A_19 = arith.constant 0 : index
    %get3A_20 = arith.constant 0 : index
    %get3A_21 = vector.load %arg4[%get3A_18, %get3A_19, %get3A_20] : memref<9x32x32xf32, #tpu.memory_space<vmem>>, vector<1x32x32xf32>
    %get3A_22 = vector.shape_cast %get3A_21 : vector<1x32x32xf32> to vector<32x32xf32>
    %add3A_23 = arith.addf %get3A_17, %get3A_22 : vector<32x32xf32>
    %dot_general3A_24 = arith.constant dense<0.000000e+00> : vector<32x32xf32>
    %dot_general3A_25 = tpu.matmul %add3A_23, %get3A_1, %dot_general3A_24 {dimension_numbers = #tpu.dot_dimension_numbers<[1], [1], [0], [0], [0, 0, 1, 0], [], []>, transpose_lhs_hint = false} : vector<32x32xf32>, vector<32x32xf32>, vector<32x32xf32> -> vector<32x32xf32>
    %get3A_26 = arith.constant 2 : index
    %get3A_27 = arith.constant 0 : index
    %get3A_28 = arith.constant 0 : index
    %get3A_29 = vector.load %arg3[%get3A_26, %get3A_27, %get3A_28] : memref<9x32x32xf32, #tpu.memory_space<vmem>>, vector<1x32x32xf32>
    %get3A_30 = vector.shape_cast %get3A_29 : vector<1x32x32xf32> to vector<32x32xf32>
    %get3A_31 = arith.constant 2 : index
    %get3A_32 = arith.constant 0 : index
    %get3A_33 = arith.constant 0 : index
    %get3A_34 = vector.load %arg4[%get3A_31, %get3A_32, %get3A_33] : memref<9x32x32xf32, #tpu.memory_space<vmem>>, vector<1x32x32xf32>
    %get3A_35 = vector.shape_cast %get3A_34 : vector<1x32x32xf32> to vector<32x32xf32>
    %add3A_36 = arith.addf %get3A_30, %get3A_35 : vector<32x32xf32>
    %dot_general3A_37 = arith.constant dense<0.000000e+00> : vector<32x32xf32>
    %dot_general3A_38 = tpu.matmul %add3A_36, %get3A_1, %dot_general3A_37 {dimension_numbers = #tpu.dot_dimension_numbers<[1], [1], [0], [0], [0, 0, 1, 0], [], []>, transpose_lhs_hint = false} : vector<32x32xf32>, vector<32x32xf32>, vector<32x32xf32> -> vector<32x32xf32>
    %get3A_39 = arith.constant 3 : index
    %get3A_40 = arith.constant 0 : index
    %get3A_41 = arith.constant 0 : index
    %get3A_42 = vector.load %arg3[%get3A_39, %get3A_40, %get3A_41] : memref<9x32x32xf32, #tpu.memory_space<vmem>>, vector<1x32x32xf32>
    %get3A_43 = vector.shape_cast %get3A_42 : vector<1x32x32xf32> to vector<32x32xf32>
    %get3A_44 = arith.constant 3 : index
    %get3A_45 = arith.constant 0 : index
    %get3A_46 = arith.constant 0 : index
    %get3A_47 = vector.load %arg4[%get3A_44, %get3A_45, %get3A_46] : memref<9x32x32xf32, #tpu.memory_space<vmem>>, vector<1x32x32xf32>
    %get3A_48 = vector.shape_cast %get3A_47 : vector<1x32x32xf32> to vector<32x32xf32>
    %add3A_49 = arith.addf %get3A_43, %get3A_48 : vector<32x32xf32>
    %dot_general3A_50 = arith.constant dense<0.000000e+00> : vector<32x32xf32>
    %dot_general3A_51 = tpu.matmul %add3A_49, %get3A_1, %dot_general3A_50 {dimension_numbers = #tpu.dot_dimension_numbers<[1], [1], [0], [0], [0, 0, 1, 0], [], []>, transpose_lhs_hint = false} : vector<32x32xf32>, vector<32x32xf32>, vector<32x32xf32> -> vector<32x32xf32>
    %get3A_52 = arith.constant 4 : index
    %get3A_53 = arith.constant 0 : index
    %get3A_54 = arith.constant 0 : index
    %get3A_55 = vector.load %arg3[%get3A_52, %get3A_53, %get3A_54] : memref<9x32x32xf32, #tpu.memory_space<vmem>>, vector<1x32x32xf32>
    %get3A_56 = vector.shape_cast %get3A_55 : vector<1x32x32xf32> to vector<32x32xf32>
    %get3A_57 = arith.constant 4 : index
    %get3A_58 = arith.constant 0 : index
    %get3A_59 = arith.constant 0 : index
    %get3A_60 = vector.load %arg4[%get3A_57, %get3A_58, %get3A_59] : memref<9x32x32xf32, #tpu.memory_space<vmem>>, vector<1x32x32xf32>
    %get3A_61 = vector.shape_cast %get3A_60 : vector<1x32x32xf32> to vector<32x32xf32>
    %add3A_62 = arith.addf %get3A_56, %get3A_61 : vector<32x32xf32>
    %dot_general3A_63 = arith.constant dense<0.000000e+00> : vector<32x32xf32>
    %dot_general3A_64 = tpu.matmul %add3A_62, %get3A_1, %dot_general3A_63 {dimension_numbers = #tpu.dot_dimension_numbers<[1], [1], [0], [0], [0, 0, 1, 0], [], []>, transpose_lhs_hint = false} : vector<32x32xf32>, vector<32x32xf32>, vector<32x32xf32> -> vector<32x32xf32>
    %get3A_65 = arith.constant 5 : index
    %get3A_66 = arith.constant 0 : index
    %get3A_67 = arith.constant 0 : index
    %get3A_68 = vector.load %arg3[%get3A_65, %get3A_66, %get3A_67] : memref<9x32x32xf32, #tpu.memory_space<vmem>>, vector<1x32x32xf32>
    %get3A_69 = vector.shape_cast %get3A_68 : vector<1x32x32xf32> to vector<32x32xf32>
    %get3A_70 = arith.constant 5 : index
    %get3A_71 = arith.constant 0 : index
    %get3A_72 = arith.constant 0 : index
    %get3A_73 = vector.load %arg4[%get3A_70, %get3A_71, %get3A_72] : memref<9x32x32xf32, #tpu.memory_space<vmem>>, vector<1x32x32xf32>
    %get3A_74 = vector.shape_cast %get3A_73 : vector<1x32x32xf32> to vector<32x32xf32>
    %add3A_75 = arith.addf %get3A_69, %get3A_74 : vector<32x32xf32>
    %dot_general3A_76 = arith.constant dense<0.000000e+00> : vector<32x32xf32>
    %dot_general3A_77 = tpu.matmul %add3A_75, %get3A_1, %dot_general3A_76 {dimension_numbers = #tpu.dot_dimension_numbers<[1], [1], [0], [0], [0, 0, 1, 0], [], []>, transpose_lhs_hint = false} : vector<32x32xf32>, vector<32x32xf32>, vector<32x32xf32> -> vector<32x32xf32>
    %get3A_78 = arith.constant 6 : index
    %get3A_79 = arith.constant 0 : index
    %get3A_80 = arith.constant 0 : index
    %get3A_81 = vector.load %arg3[%get3A_78, %get3A_79, %get3A_80] : memref<9x32x32xf32, #tpu.memory_space<vmem>>, vector<1x32x32xf32>
    %get3A_82 = vector.shape_cast %get3A_81 : vector<1x32x32xf32> to vector<32x32xf32>
    %get3A_83 = arith.constant 6 : index
    %get3A_84 = arith.constant 0 : index
    %get3A_85 = arith.constant 0 : index
    %get3A_86 = vector.load %arg4[%get3A_83, %get3A_84, %get3A_85] : memref<9x32x32xf32, #tpu.memory_space<vmem>>, vector<1x32x32xf32>
    %get3A_87 = vector.shape_cast %get3A_86 : vector<1x32x32xf32> to vector<32x32xf32>
    %add3A_88 = arith.addf %get3A_82, %get3A_87 : vector<32x32xf32>
    %dot_general3A_89 = arith.constant dense<0.000000e+00> : vector<32x32xf32>
    %dot_general3A_90 = tpu.matmul %add3A_88, %get3A_1, %dot_general3A_89 {dimension_numbers = #tpu.dot_dimension_numbers<[1], [1], [0], [0], [0, 0, 1, 0], [], []>, transpose_lhs_hint = false} : vector<32x32xf32>, vector<32x32xf32>, vector<32x32xf32> -> vector<32x32xf32>
    %get3A_91 = arith.constant 7 : index
    %get3A_92 = arith.constant 0 : index
    %get3A_93 = arith.constant 0 : index
    %get3A_94 = vector.load %arg3[%get3A_91, %get3A_92, %get3A_93] : memref<9x32x32xf32, #tpu.memory_space<vmem>>, vector<1x32x32xf32>
    %get3A_95 = vector.shape_cast %get3A_94 : vector<1x32x32xf32> to vector<32x32xf32>
    %get3A_96 = arith.constant 7 : index
    %get3A_97 = arith.constant 0 : index
    %get3A_98 = arith.constant 0 : index
    %get3A_99 = vector.load %arg4[%get3A_96, %get3A_97, %get3A_98] : memref<9x32x32xf32, #tpu.memory_space<vmem>>, vector<1x32x32xf32>
    %get3A_100 = vector.shape_cast %get3A_99 : vector<1x32x32xf32> to vector<32x32xf32>
    %add3A_101 = arith.addf %get3A_95, %get3A_100 : vector<32x32xf32>
    %dot_general3A_102 = arith.constant dense<0.000000e+00> : vector<32x32xf32>
    %dot_general3A_103 = tpu.matmul %add3A_101, %get3A_1, %dot_general3A_102 {dimension_numbers = #tpu.dot_dimension_numbers<[1], [1], [0], [0], [0, 0, 1, 0], [], []>, transpose_lhs_hint = false} : vector<32x32xf32>, vector<32x32xf32>, vector<32x32xf32> -> vector<32x32xf32>
    %get3A_104 = arith.constant 8 : index
    %get3A_105 = arith.constant 0 : index
    %get3A_106 = arith.constant 0 : index
    %get3A_107 = vector.load %arg3[%get3A_104, %get3A_105, %get3A_106] : memref<9x32x32xf32, #tpu.memory_space<vmem>>, vector<1x32x32xf32>
    %get3A_108 = vector.shape_cast %get3A_107 : vector<1x32x32xf32> to vector<32x32xf32>
    %get3A_109 = arith.constant 8 : index
    %get3A_110 = arith.constant 0 : index
    %get3A_111 = arith.constant 0 : index
    %get3A_112 = vector.load %arg4[%get3A_109, %get3A_110, %get3A_111] : memref<9x32x32xf32, #tpu.memory_space<vmem>>, vector<1x32x32xf32>
    %get3A_113 = vector.shape_cast %get3A_112 : vector<1x32x32xf32> to vector<32x32xf32>
    %add3A_114 = arith.addf %get3A_108, %get3A_113 : vector<32x32xf32>
    %dot_general3A_115 = arith.constant dense<0.000000e+00> : vector<32x32xf32>
    %dot_general3A_116 = tpu.matmul %add3A_114, %get3A_1, %dot_general3A_115 {dimension_numbers = #tpu.dot_dimension_numbers<[1], [1], [0], [0], [0, 0, 1, 0], [], []>, transpose_lhs_hint = false} : vector<32x32xf32>, vector<32x32xf32>, vector<32x32xf32> -> vector<32x32xf32>
    %concatenate3A = tpu.concatenate %dot_general3A_12, %dot_general3A_25, %dot_general3A_38, %dot_general3A_51, %dot_general3A_64, %dot_general3A_77, %dot_general3A_90, %dot_general3A_103, %dot_general3A_116 in 0 : vector<32x32xf32>, vector<32x32xf32>, vector<32x32xf32>, vector<32x32xf32>, vector<32x32xf32>, vector<32x32xf32>, vector<32x32xf32>, vector<32x32xf32>, vector<32x32xf32> -> vector<288x32xf32>
    %get3A_117 = arith.constant 0 : index
    %get3A_118 = arith.constant 0 : index
    %get3A_119 = vector.load %arg1[%get3A_117, %get3A_118] : memref<3128x128xf32, #tpu.memory_space<vmem>>, vector<3128x128xf32>
    %get3A_120 = arith.constant 0 : index
    %get3A_121 = arith.constant 0 : index
    %get3A_122 = vector.load %arg2[%get3A_120, %get3A_121] : memref<3128x4xi32, #tpu.memory_space<vmem>>, vector<3128x4xi32>
    %iota3A = tpu.iota {dimensions = array<i32: 1>} : vector<4x128xi32>
    %jit3A = arith.constant 32 : i32
    %div3A = vector.broadcast %jit3A : i32 to vector<4x128xi32>
    %div3A_123 = arith.divsi %iota3A, %div3A : vector<4x128xi32>
    %sign3A = arith.constant 0 : i32
    %sign3A_124 = vector.broadcast %sign3A : i32 to vector<4x128xi32>
    %sign3A_125 = arith.cmpi sgt, %iota3A, %sign3A_124 : vector<4x128xi32>
    %sign3A_126 = arith.extui %sign3A_125 : vector<4x128xi1> to vector<4x128xi32>
    %sign3A_127 = arith.constant 0 : i32
    %sign3A_128 = vector.broadcast %sign3A_127 : i32 to vector<4x128xi32>
    %sign3A_129 = arith.cmpi slt, %iota3A, %sign3A_128 : vector<4x128xi32>
    %sign3A_130 = arith.extui %sign3A_129 : vector<4x128xi1> to vector<4x128xi32>
    %sign3A_131 = arith.subi %sign3A_126, %sign3A_130 : vector<4x128xi32>
    %sign3A_132 = arith.constant 0 : i32
    %sign3A_133 = arith.cmpi sgt, %jit3A, %sign3A_132 : i32
    %sign3A_134 = arith.extui %sign3A_133 : i1 to i32
    %sign3A_135 = arith.constant 0 : i32
    %sign3A_136 = arith.cmpi slt, %jit3A, %sign3A_135 : i32
    %sign3A_137 = arith.extui %sign3A_136 : i1 to i32
    %sign3A_138 = arith.subi %sign3A_134, %sign3A_137 : i32
    %ne3A = vector.broadcast %sign3A_138 : i32 to vector<4x128xi32>
    %ne3A_139 = arith.cmpi ne, %sign3A_131, %ne3A : vector<4x128xi32>
    %rem3A = vector.broadcast %jit3A : i32 to vector<4x128xi32>
    %rem3A_140 = arith.remsi %iota3A, %rem3A : vector<4x128xi32>
    %ne3A_141 = arith.constant 0 : i32
    %ne3A_142 = vector.broadcast %ne3A_141 : i32 to vector<4x128xi32>
    %ne3A_143 = arith.cmpi ne, %rem3A_140, %ne3A_142 : vector<4x128xi32>
    %and3A = arith.andi %ne3A_139, %ne3A_143 : vector<4x128xi1>
    %sub3A = arith.constant 1 : i32
    %sub3A_144 = vector.broadcast %sub3A : i32 to vector<4x128xi32>
    %sub3A_145 = arith.subi %div3A_123, %sub3A_144 : vector<4x128xi32>
    %select_n3A = arith.select %and3A, %sub3A_145, %div3A_123 : vector<4x128xi1>, vector<4x128xi32>
    %iota3A_146 = tpu.iota {dimensions = array<i32: 0>} : vector<4x128xi32>
    %eq3A = arith.cmpi eq, %select_n3A, %iota3A_146 : vector<4x128xi32>
    %convert_element_type3A = arith.extui %eq3A : vector<4x128xi1> to vector<4x128xi32>
    %convert_element_type3A_147 = arith.sitofp %convert_element_type3A : vector<4x128xi32> to vector<4x128xf32>
    %rem3A_148 = arith.constant 9 : i32
    %rem3A_149 = vector.broadcast %rem3A_148 : i32 to vector<3128x4xi32>
    %rem3A_150 = arith.remsi %get3A_122, %rem3A_149 : vector<3128x4xi32>
    %convert_element_type3A_151 = arith.sitofp %rem3A_150 : vector<3128x4xi32> to vector<3128x4xf32>
    %dot_general3A_152 = arith.constant dense<0.000000e+00> : vector<3128x128xf32>
    %dot_general3A_153 = tpu.matmul %convert_element_type3A_151, %convert_element_type3A_147, %dot_general3A_152 {dimension_numbers = #tpu.dot_dimension_numbers<[1], [0], [0], [1], [0, 0, 1, 1], [], []>, transpose_lhs_hint = false} : vector<3128x4xf32>, vector<4x128xf32>, vector<3128x128xf32> -> vector<3128x128xf32>
    %iota3A_154 = tpu.iota {dimensions = array<i32: 1>} : vector<1x1152xi32>
    %jit3A_155 = arith.constant 128 : i32
    %div3A_156 = vector.broadcast %jit3A_155 : i32 to vector<1x1152xi32>
    %div3A_157 = arith.divsi %iota3A_154, %div3A_156 : vector<1x1152xi32>
    %sign3A_158 = arith.constant 0 : i32
    %sign3A_159 = vector.broadcast %sign3A_158 : i32 to vector<1x1152xi32>
    %sign3A_160 = arith.cmpi sgt, %iota3A_154, %sign3A_159 : vector<1x1152xi32>
    %sign3A_161 = arith.extui %sign3A_160 : vector<1x1152xi1> to vector<1x1152xi32>
    %sign3A_162 = arith.constant 0 : i32
    %sign3A_163 = vector.broadcast %sign3A_162 : i32 to vector<1x1152xi32>
    %sign3A_164 = arith.cmpi slt, %iota3A_154, %sign3A_163 : vector<1x1152xi32>
    %sign3A_165 = arith.extui %sign3A_164 : vector<1x1152xi1> to vector<1x1152xi32>
    %sign3A_166 = arith.subi %sign3A_161, %sign3A_165 : vector<1x1152xi32>
    %sign3A_167 = arith.constant 0 : i32
    %sign3A_168 = arith.cmpi sgt, %jit3A_155, %sign3A_167 : i32
    %sign3A_169 = arith.extui %sign3A_168 : i1 to i32
    %sign3A_170 = arith.constant 0 : i32
    %sign3A_171 = arith.cmpi slt, %jit3A_155, %sign3A_170 : i32
    %sign3A_172 = arith.extui %sign3A_171 : i1 to i32
    %sign3A_173 = arith.subi %sign3A_169, %sign3A_172 : i32
    %ne3A_174 = vector.broadcast %sign3A_173 : i32 to vector<1x1152xi32>
    %ne3A_175 = arith.cmpi ne, %sign3A_166, %ne3A_174 : vector<1x1152xi32>
    %rem3A_176 = vector.broadcast %jit3A_155 : i32 to vector<1x1152xi32>
    %rem3A_177 = arith.remsi %iota3A_154, %rem3A_176 : vector<1x1152xi32>
    %ne3A_178 = arith.constant 0 : i32
    %ne3A_179 = vector.broadcast %ne3A_178 : i32 to vector<1x1152xi32>
    %ne3A_180 = arith.cmpi ne, %rem3A_177, %ne3A_179 : vector<1x1152xi32>
    %and3A_181 = arith.andi %ne3A_175, %ne3A_180 : vector<1x1152xi1>
    %sub3A_182 = arith.constant 1 : i32
    %sub3A_183 = vector.broadcast %sub3A_182 : i32 to vector<1x1152xi32>
    %sub3A_184 = arith.subi %div3A_157, %sub3A_183 : vector<1x1152xi32>
    %select_n3A_185 = arith.select %and3A_181, %sub3A_184, %div3A_157 : vector<1x1152xi1>, vector<1x1152xi32>
    %convert_element_type3A_186 = arith.sitofp %select_n3A_185 : vector<1x1152xi32> to vector<1x1152xf32>
    %tile3A = tpu.concatenate %dot_general3A_153, %dot_general3A_153, %dot_general3A_153, %dot_general3A_153, %dot_general3A_153, %dot_general3A_153, %dot_general3A_153, %dot_general3A_153, %dot_general3A_153 in 1 : vector<3128x128xf32>, vector<3128x128xf32>, vector<3128x128xf32>, vector<3128x128xf32>, vector<3128x128xf32>, vector<3128x128xf32>, vector<3128x128xf32>, vector<3128x128xf32>, vector<3128x128xf32> -> vector<3128x1152xf32>
    %eq3A_187 = vector.broadcast %convert_element_type3A_186 : vector<1x1152xf32> to vector<3128x1152xf32>
    %eq3A_188 = arith.cmpf oeq, %tile3A, %eq3A_187 : vector<3128x1152xf32>
    %convert_element_type3A_189 = arith.extui %eq3A_188 : vector<3128x1152xi1> to vector<3128x1152xi32>
    %convert_element_type3A_190 = arith.sitofp %convert_element_type3A_189 : vector<3128x1152xi32> to vector<3128x1152xf32>
    %tile3A_191 = tpu.concatenate %get3A_119, %get3A_119, %get3A_119, %get3A_119, %get3A_119, %get3A_119, %get3A_119, %get3A_119, %get3A_119 in 1 : vector<3128x128xf32>, vector<3128x128xf32>, vector<3128x128xf32>, vector<3128x128xf32>, vector<3128x128xf32>, vector<3128x128xf32>, vector<3128x128xf32>, vector<3128x128xf32>, vector<3128x128xf32> -> vector<3128x1152xf32>
    %mul3A = arith.mulf %tile3A_191, %convert_element_type3A_190 : vector<3128x1152xf32>
    %slice3A = vector.extract_strided_slice %concatenate3A {offsets = [0, 0], sizes = [32, 32], strides = [1, 1]} : vector<288x32xf32> to vector<32x32xf32>
    %tile3A_192 = tpu.concatenate %slice3A, %slice3A, %slice3A, %slice3A in 0 : vector<32x32xf32>, vector<32x32xf32>, vector<32x32xf32>, vector<32x32xf32> -> vector<128x32xf32>
    %tile3A_193 = tpu.concatenate %tile3A_192, %tile3A_192, %tile3A_192, %tile3A_192 in 1 : vector<128x32xf32>, vector<128x32xf32>, vector<128x32xf32>, vector<128x32xf32> -> vector<128x128xf32>
    %iota3A_194 = tpu.iota {dimensions = array<i32: 0>} : vector<128x128xi32>
    %jit3A_195 = arith.constant 32 : i32
    %div3A_196 = vector.broadcast %jit3A_195 : i32 to vector<128x128xi32>
    %div3A_197 = arith.divsi %iota3A_194, %div3A_196 : vector<128x128xi32>
    %sign3A_198 = arith.constant 0 : i32
    %sign3A_199 = vector.broadcast %sign3A_198 : i32 to vector<128x128xi32>
    %sign3A_200 = arith.cmpi sgt, %iota3A_194, %sign3A_199 : vector<128x128xi32>
    %sign3A_201 = arith.extui %sign3A_200 : vector<128x128xi1> to vector<128x128xi32>
    %sign3A_202 = arith.constant 0 : i32
    %sign3A_203 = vector.broadcast %sign3A_202 : i32 to vector<128x128xi32>
    %sign3A_204 = arith.cmpi slt, %iota3A_194, %sign3A_203 : vector<128x128xi32>
    %sign3A_205 = arith.extui %sign3A_204 : vector<128x128xi1> to vector<128x128xi32>
    %sign3A_206 = arith.subi %sign3A_201, %sign3A_205 : vector<128x128xi32>
    %sign3A_207 = arith.constant 0 : i32
    %sign3A_208 = arith.cmpi sgt, %jit3A_195, %sign3A_207 : i32
    %sign3A_209 = arith.extui %sign3A_208 : i1 to i32
    %sign3A_210 = arith.constant 0 : i32
    %sign3A_211 = arith.cmpi slt, %jit3A_195, %sign3A_210 : i32
    %sign3A_212 = arith.extui %sign3A_211 : i1 to i32
    %sign3A_213 = arith.subi %sign3A_209, %sign3A_212 : i32
    %ne3A_214 = vector.broadcast %sign3A_213 : i32 to vector<128x128xi32>
    %ne3A_215 = arith.cmpi ne, %sign3A_206, %ne3A_214 : vector<128x128xi32>
    %rem3A_216 = vector.broadcast %jit3A_195 : i32 to vector<128x128xi32>
    %rem3A_217 = arith.remsi %iota3A_194, %rem3A_216 : vector<128x128xi32>
    %ne3A_218 = arith.constant 0 : i32
    %ne3A_219 = vector.broadcast %ne3A_218 : i32 to vector<128x128xi32>
    %ne3A_220 = arith.cmpi ne, %rem3A_217, %ne3A_219 : vector<128x128xi32>
    %and3A_221 = arith.andi %ne3A_215, %ne3A_220 : vector<128x128xi1>
    %sub3A_222 = arith.constant 1 : i32
    %sub3A_223 = vector.broadcast %sub3A_222 : i32 to vector<128x128xi32>
    %sub3A_224 = arith.subi %div3A_197, %sub3A_223 : vector<128x128xi32>
    %select_n3A_225 = arith.select %and3A_221, %sub3A_224, %div3A_197 : vector<128x128xi1>, vector<128x128xi32>
    %iota3A_226 = tpu.iota {dimensions = array<i32: 1>} : vector<128x128xi32>
    %jit3A_227 = arith.constant 32 : i32
    %div3A_228 = vector.broadcast %jit3A_227 : i32 to vector<128x128xi32>
    %div3A_229 = arith.divsi %iota3A_226, %div3A_228 : vector<128x128xi32>
    %sign3A_230 = arith.constant 0 : i32
    %sign3A_231 = vector.broadcast %sign3A_230 : i32 to vector<128x128xi32>
    %sign3A_232 = arith.cmpi sgt, %iota3A_226, %sign3A_231 : vector<128x128xi32>
    %sign3A_233 = arith.extui %sign3A_232 : vector<128x128xi1> to vector<128x128xi32>
    %sign3A_234 = arith.constant 0 : i32
    %sign3A_235 = vector.broadcast %sign3A_234 : i32 to vector<128x128xi32>
    %sign3A_236 = arith.cmpi slt, %iota3A_226, %sign3A_235 : vector<128x128xi32>
    %sign3A_237 = arith.extui %sign3A_236 : vector<128x128xi1> to vector<128x128xi32>
    %sign3A_238 = arith.subi %sign3A_233, %sign3A_237 : vector<128x128xi32>
    %sign3A_239 = arith.constant 0 : i32
    %sign3A_240 = arith.cmpi sgt, %jit3A_227, %sign3A_239 : i32
    %sign3A_241 = arith.extui %sign3A_240 : i1 to i32
    %sign3A_242 = arith.constant 0 : i32
    %sign3A_243 = arith.cmpi slt, %jit3A_227, %sign3A_242 : i32
    %sign3A_244 = arith.extui %sign3A_243 : i1 to i32
    %sign3A_245 = arith.subi %sign3A_241, %sign3A_244 : i32
    %ne3A_246 = vector.broadcast %sign3A_245 : i32 to vector<128x128xi32>
    %ne3A_247 = arith.cmpi ne, %sign3A_238, %ne3A_246 : vector<128x128xi32>
    %rem3A_248 = vector.broadcast %jit3A_227 : i32 to vector<128x128xi32>
    %rem3A_249 = arith.remsi %iota3A_226, %rem3A_248 : vector<128x128xi32>
    %ne3A_250 = arith.constant 0 : i32
    %ne3A_251 = vector.broadcast %ne3A_250 : i32 to vector<128x128xi32>
    %ne3A_252 = arith.cmpi ne, %rem3A_249, %ne3A_251 : vector<128x128xi32>
    %and3A_253 = arith.andi %ne3A_247, %ne3A_252 : vector<128x128xi1>
    %sub3A_254 = arith.constant 1 : i32
    %sub3A_255 = vector.broadcast %sub3A_254 : i32 to vector<128x128xi32>
    %sub3A_256 = arith.subi %div3A_229, %sub3A_255 : vector<128x128xi32>
    %select_n3A_257 = arith.select %and3A_253, %sub3A_256, %div3A_229 : vector<128x128xi1>, vector<128x128xi32>
    %eq3A_258 = arith.cmpi eq, %select_n3A_225, %select_n3A_257 : vector<128x128xi32>
    %convert_element_type3A_259 = arith.extui %eq3A_258 : vector<128x128xi1> to vector<128x128xi32>
    %convert_element_type3A_260 = arith.sitofp %convert_element_type3A_259 : vector<128x128xi32> to vector<128x128xf32>
    %mul3A_261 = arith.mulf %tile3A_193, %convert_element_type3A_260 : vector<128x128xf32>
    %slice3A_262 = vector.extract_strided_slice %concatenate3A {offsets = [32, 0], sizes = [32, 32], strides = [1, 1]} : vector<288x32xf32> to vector<32x32xf32>
    %tile3A_263 = tpu.concatenate %slice3A_262, %slice3A_262, %slice3A_262, %slice3A_262 in 0 : vector<32x32xf32>, vector<32x32xf32>, vector<32x32xf32>, vector<32x32xf32> -> vector<128x32xf32>
    %tile3A_264 = tpu.concatenate %tile3A_263, %tile3A_263, %tile3A_263, %tile3A_263 in 1 : vector<128x32xf32>, vector<128x32xf32>, vector<128x32xf32>, vector<128x32xf32> -> vector<128x128xf32>
    %iota3A_265 = tpu.iota {dimensions = array<i32: 0>} : vector<128x128xi32>
    %jit3A_266 = arith.constant 32 : i32
    %div3A_267 = vector.broadcast %jit3A_266 : i32 to vector<128x128xi32>
    %div3A_268 = arith.divsi %iota3A_265, %div3A_267 : vector<128x128xi32>
    %sign3A_269 = arith.constant 0 : i32
    %sign3A_270 = vector.broadcast %sign3A_269 : i32 to vector<128x128xi32>
    %sign3A_271 = arith.cmpi sgt, %iota3A_265, %sign3A_270 : vector<128x128xi32>
    %sign3A_272 = arith.extui %sign3A_271 : vector<128x128xi1> to vector<128x128xi32>
    %sign3A_273 = arith.constant 0 : i32
    %sign3A_274 = vector.broadcast %sign3A_273 : i32 to vector<128x128xi32>
    %sign3A_275 = arith.cmpi slt, %iota3A_265, %sign3A_274 : vector<128x128xi32>
    %sign3A_276 = arith.extui %sign3A_275 : vector<128x128xi1> to vector<128x128xi32>
    %sign3A_277 = arith.subi %sign3A_272, %sign3A_276 : vector<128x128xi32>
    %sign3A_278 = arith.constant 0 : i32
    %sign3A_279 = arith.cmpi sgt, %jit3A_266, %sign3A_278 : i32
    %sign3A_280 = arith.extui %sign3A_279 : i1 to i32
    %sign3A_281 = arith.constant 0 : i32
    %sign3A_282 = arith.cmpi slt, %jit3A_266, %sign3A_281 : i32
    %sign3A_283 = arith.extui %sign3A_282 : i1 to i32
    %sign3A_284 = arith.subi %sign3A_280, %sign3A_283 : i32
    %ne3A_285 = vector.broadcast %sign3A_284 : i32 to vector<128x128xi32>
    %ne3A_286 = arith.cmpi ne, %sign3A_277, %ne3A_285 : vector<128x128xi32>
    %rem3A_287 = vector.broadcast %jit3A_266 : i32 to vector<128x128xi32>
    %rem3A_288 = arith.remsi %iota3A_265, %rem3A_287 : vector<128x128xi32>
    %ne3A_289 = arith.constant 0 : i32
    %ne3A_290 = vector.broadcast %ne3A_289 : i32 to vector<128x128xi32>
    %ne3A_291 = arith.cmpi ne, %rem3A_288, %ne3A_290 : vector<128x128xi32>
    %and3A_292 = arith.andi %ne3A_286, %ne3A_291 : vector<128x128xi1>
    %sub3A_293 = arith.constant 1 : i32
    %sub3A_294 = vector.broadcast %sub3A_293 : i32 to vector<128x128xi32>
    %sub3A_295 = arith.subi %div3A_268, %sub3A_294 : vector<128x128xi32>
    %select_n3A_296 = arith.select %and3A_292, %sub3A_295, %div3A_268 : vector<128x128xi1>, vector<128x128xi32>
    %iota3A_297 = tpu.iota {dimensions = array<i32: 1>} : vector<128x128xi32>
    %jit3A_298 = arith.constant 32 : i32
    %div3A_299 = vector.broadcast %jit3A_298 : i32 to vector<128x128xi32>
    %div3A_300 = arith.divsi %iota3A_297, %div3A_299 : vector<128x128xi32>
    %sign3A_301 = arith.constant 0 : i32
    %sign3A_302 = vector.broadcast %sign3A_301 : i32 to vector<128x128xi32>
    %sign3A_303 = arith.cmpi sgt, %iota3A_297, %sign3A_302 : vector<128x128xi32>
    %sign3A_304 = arith.extui %sign3A_303 : vector<128x128xi1> to vector<128x128xi32>
    %sign3A_305 = arith.constant 0 : i32
    %sign3A_306 = vector.broadcast %sign3A_305 : i32 to vector<128x128xi32>
    %sign3A_307 = arith.cmpi slt, %iota3A_297, %sign3A_306 : vector<128x128xi32>
    %sign3A_308 = arith.extui %sign3A_307 : vector<128x128xi1> to vector<128x128xi32>
    %sign3A_309 = arith.subi %sign3A_304, %sign3A_308 : vector<128x128xi32>
    %sign3A_310 = arith.constant 0 : i32
    %sign3A_311 = arith.cmpi sgt, %jit3A_298, %sign3A_310 : i32
    %sign3A_312 = arith.extui %sign3A_311 : i1 to i32
    %sign3A_313 = arith.constant 0 : i32
    %sign3A_314 = arith.cmpi slt, %jit3A_298, %sign3A_313 : i32
    %sign3A_315 = arith.extui %sign3A_314 : i1 to i32
    %sign3A_316 = arith.subi %sign3A_312, %sign3A_315 : i32
    %ne3A_317 = vector.broadcast %sign3A_316 : i32 to vector<128x128xi32>
    %ne3A_318 = arith.cmpi ne, %sign3A_309, %ne3A_317 : vector<128x128xi32>
    %rem3A_319 = vector.broadcast %jit3A_298 : i32 to vector<128x128xi32>
    %rem3A_320 = arith.remsi %iota3A_297, %rem3A_319 : vector<128x128xi32>
    %ne3A_321 = arith.constant 0 : i32
    %ne3A_322 = vector.broadcast %ne3A_321 : i32 to vector<128x128xi32>
    %ne3A_323 = arith.cmpi ne, %rem3A_320, %ne3A_322 : vector<128x128xi32>
    %and3A_324 = arith.andi %ne3A_318, %ne3A_323 : vector<128x128xi1>
    %sub3A_325 = arith.constant 1 : i32
    %sub3A_326 = vector.broadcast %sub3A_325 : i32 to vector<128x128xi32>
    %sub3A_327 = arith.subi %div3A_300, %sub3A_326 : vector<128x128xi32>
    %select_n3A_328 = arith.select %and3A_324, %sub3A_327, %div3A_300 : vector<128x128xi1>, vector<128x128xi32>
    %eq3A_329 = arith.cmpi eq, %select_n3A_296, %select_n3A_328 : vector<128x128xi32>
    %convert_element_type3A_330 = arith.extui %eq3A_329 : vector<128x128xi1> to vector<128x128xi32>
    %convert_element_type3A_331 = arith.sitofp %convert_element_type3A_330 : vector<128x128xi32> to vector<128x128xf32>
    %mul3A_332 = arith.mulf %tile3A_264, %convert_element_type3A_331 : vector<128x128xf32>
    %slice3A_333 = vector.extract_strided_slice %concatenate3A {offsets = [64, 0], sizes = [32, 32], strides = [1, 1]} : vector<288x32xf32> to vector<32x32xf32>
    %tile3A_334 = tpu.concatenate %slice3A_333, %slice3A_333, %slice3A_333, %slice3A_333 in 0 : vector<32x32xf32>, vector<32x32xf32>, vector<32x32xf32>, vector<32x32xf32> -> vector<128x32xf32>
    %tile3A_335 = tpu.concatenate %tile3A_334, %tile3A_334, %tile3A_334, %tile3A_334 in 1 : vector<128x32xf32>, vector<128x32xf32>, vector<128x32xf32>, vector<128x32xf32> -> vector<128x128xf32>
    %iota3A_336 = tpu.iota {dimensions = array<i32: 0>} : vector<128x128xi32>
    %jit3A_337 = arith.constant 32 : i32
    %div3A_338 = vector.broadcast %jit3A_337 : i32 to vector<128x128xi32>
    %div3A_339 = arith.divsi %iota3A_336, %div3A_338 : vector<128x128xi32>
    %sign3A_340 = arith.constant 0 : i32
    %sign3A_341 = vector.broadcast %sign3A_340 : i32 to vector<128x128xi32>
    %sign3A_342 = arith.cmpi sgt, %iota3A_336, %sign3A_341 : vector<128x128xi32>
    %sign3A_343 = arith.extui %sign3A_342 : vector<128x128xi1> to vector<128x128xi32>
    %sign3A_344 = arith.constant 0 : i32
    %sign3A_345 = vector.broadcast %sign3A_344 : i32 to vector<128x128xi32>
    %sign3A_346 = arith.cmpi slt, %iota3A_336, %sign3A_345 : vector<128x128xi32>
    %sign3A_347 = arith.extui %sign3A_346 : vector<128x128xi1> to vector<128x128xi32>
    %sign3A_348 = arith.subi %sign3A_343, %sign3A_347 : vector<128x128xi32>
    %sign3A_349 = arith.constant 0 : i32
    %sign3A_350 = arith.cmpi sgt, %jit3A_337, %sign3A_349 : i32
    %sign3A_351 = arith.extui %sign3A_350 : i1 to i32
    %sign3A_352 = arith.constant 0 : i32
    %sign3A_353 = arith.cmpi slt, %jit3A_337, %sign3A_352 : i32
    %sign3A_354 = arith.extui %sign3A_353 : i1 to i32
    %sign3A_355 = arith.subi %sign3A_351, %sign3A_354 : i32
    %ne3A_356 = vector.broadcast %sign3A_355 : i32 to vector<128x128xi32>
    %ne3A_357 = arith.cmpi ne, %sign3A_348, %ne3A_356 : vector<128x128xi32>
    %rem3A_358 = vector.broadcast %jit3A_337 : i32 to vector<128x128xi32>
    %rem3A_359 = arith.remsi %iota3A_336, %rem3A_358 : vector<128x128xi32>
    %ne3A_360 = arith.constant 0 : i32
    %ne3A_361 = vector.broadcast %ne3A_360 : i32 to vector<128x128xi32>
    %ne3A_362 = arith.cmpi ne, %rem3A_359, %ne3A_361 : vector<128x128xi32>
    %and3A_363 = arith.andi %ne3A_357, %ne3A_362 : vector<128x128xi1>
    %sub3A_364 = arith.constant 1 : i32
    %sub3A_365 = vector.broadcast %sub3A_364 : i32 to vector<128x128xi32>
    %sub3A_366 = arith.subi %div3A_339, %sub3A_365 : vector<128x128xi32>
    %select_n3A_367 = arith.select %and3A_363, %sub3A_366, %div3A_339 : vector<128x128xi1>, vector<128x128xi32>
    %iota3A_368 = tpu.iota {dimensions = array<i32: 1>} : vector<128x128xi32>
    %jit3A_369 = arith.constant 32 : i32
    %div3A_370 = vector.broadcast %jit3A_369 : i32 to vector<128x128xi32>
    %div3A_371 = arith.divsi %iota3A_368, %div3A_370 : vector<128x128xi32>
    %sign3A_372 = arith.constant 0 : i32
    %sign3A_373 = vector.broadcast %sign3A_372 : i32 to vector<128x128xi32>
    %sign3A_374 = arith.cmpi sgt, %iota3A_368, %sign3A_373 : vector<128x128xi32>
    %sign3A_375 = arith.extui %sign3A_374 : vector<128x128xi1> to vector<128x128xi32>
    %sign3A_376 = arith.constant 0 : i32
    %sign3A_377 = vector.broadcast %sign3A_376 : i32 to vector<128x128xi32>
    %sign3A_378 = arith.cmpi slt, %iota3A_368, %sign3A_377 : vector<128x128xi32>
    %sign3A_379 = arith.extui %sign3A_378 : vector<128x128xi1> to vector<128x128xi32>
    %sign3A_380 = arith.subi %sign3A_375, %sign3A_379 : vector<128x128xi32>
    %sign3A_381 = arith.constant 0 : i32
    %sign3A_382 = arith.cmpi sgt, %jit3A_369, %sign3A_381 : i32
    %sign3A_383 = arith.extui %sign3A_382 : i1 to i32
    %sign3A_384 = arith.constant 0 : i32
    %sign3A_385 = arith.cmpi slt, %jit3A_369, %sign3A_384 : i32
    %sign3A_386 = arith.extui %sign3A_385 : i1 to i32
    %sign3A_387 = arith.subi %sign3A_383, %sign3A_386 : i32
    %ne3A_388 = vector.broadcast %sign3A_387 : i32 to vector<128x128xi32>
    %ne3A_389 = arith.cmpi ne, %sign3A_380, %ne3A_388 : vector<128x128xi32>
    %rem3A_390 = vector.broadcast %jit3A_369 : i32 to vector<128x128xi32>
    %rem3A_391 = arith.remsi %iota3A_368, %rem3A_390 : vector<128x128xi32>
    %ne3A_392 = arith.constant 0 : i32
    %ne3A_393 = vector.broadcast %ne3A_392 : i32 to vector<128x128xi32>
    %ne3A_394 = arith.cmpi ne, %rem3A_391, %ne3A_393 : vector<128x128xi32>
    %and3A_395 = arith.andi %ne3A_389, %ne3A_394 : vector<128x128xi1>
    %sub3A_396 = arith.constant 1 : i32
    %sub3A_397 = vector.broadcast %sub3A_396 : i32 to vector<128x128xi32>
    %sub3A_398 = arith.subi %div3A_371, %sub3A_397 : vector<128x128xi32>
    %select_n3A_399 = arith.select %and3A_395, %sub3A_398, %div3A_371 : vector<128x128xi1>, vector<128x128xi32>
    %eq3A_400 = arith.cmpi eq, %select_n3A_367, %select_n3A_399 : vector<128x128xi32>
    %convert_element_type3A_401 = arith.extui %eq3A_400 : vector<128x128xi1> to vector<128x128xi32>
    %convert_element_type3A_402 = arith.sitofp %convert_element_type3A_401 : vector<128x128xi32> to vector<128x128xf32>
    %mul3A_403 = arith.mulf %tile3A_335, %convert_element_type3A_402 : vector<128x128xf32>
    %slice3A_404 = vector.extract_strided_slice %concatenate3A {offsets = [96, 0], sizes = [32, 32], strides = [1, 1]} : vector<288x32xf32> to vector<32x32xf32>
    %tile3A_405 = tpu.concatenate %slice3A_404, %slice3A_404, %slice3A_404, %slice3A_404 in 0 : vector<32x32xf32>, vector<32x32xf32>, vector<32x32xf32>, vector<32x32xf32> -> vector<128x32xf32>
    %tile3A_406 = tpu.concatenate %tile3A_405, %tile3A_405, %tile3A_405, %tile3A_405 in 1 : vector<128x32xf32>, vector<128x32xf32>, vector<128x32xf32>, vector<128x32xf32> -> vector<128x128xf32>
    %iota3A_407 = tpu.iota {dimensions = array<i32: 0>} : vector<128x128xi32>
    %jit3A_408 = arith.constant 32 : i32
    %div3A_409 = vector.broadcast %jit3A_408 : i32 to vector<128x128xi32>
    %div3A_410 = arith.divsi %iota3A_407, %div3A_409 : vector<128x128xi32>
    %sign3A_411 = arith.constant 0 : i32
    %sign3A_412 = vector.broadcast %sign3A_411 : i32 to vector<128x128xi32>
    %sign3A_413 = arith.cmpi sgt, %iota3A_407, %sign3A_412 : vector<128x128xi32>
    %sign3A_414 = arith.extui %sign3A_413 : vector<128x128xi1> to vector<128x128xi32>
    %sign3A_415 = arith.constant 0 : i32
    %sign3A_416 = vector.broadcast %sign3A_415 : i32 to vector<128x128xi32>
    %sign3A_417 = arith.cmpi slt, %iota3A_407, %sign3A_416 : vector<128x128xi32>
    %sign3A_418 = arith.extui %sign3A_417 : vector<128x128xi1> to vector<128x128xi32>
    %sign3A_419 = arith.subi %sign3A_414, %sign3A_418 : vector<128x128xi32>
    %sign3A_420 = arith.constant 0 : i32
    %sign3A_421 = arith.cmpi sgt, %jit3A_408, %sign3A_420 : i32
    %sign3A_422 = arith.extui %sign3A_421 : i1 to i32
    %sign3A_423 = arith.constant 0 : i32
    %sign3A_424 = arith.cmpi slt, %jit3A_408, %sign3A_423 : i32
    %sign3A_425 = arith.extui %sign3A_424 : i1 to i32
    %sign3A_426 = arith.subi %sign3A_422, %sign3A_425 : i32
    %ne3A_427 = vector.broadcast %sign3A_426 : i32 to vector<128x128xi32>
    %ne3A_428 = arith.cmpi ne, %sign3A_419, %ne3A_427 : vector<128x128xi32>
    %rem3A_429 = vector.broadcast %jit3A_408 : i32 to vector<128x128xi32>
    %rem3A_430 = arith.remsi %iota3A_407, %rem3A_429 : vector<128x128xi32>
    %ne3A_431 = arith.constant 0 : i32
    %ne3A_432 = vector.broadcast %ne3A_431 : i32 to vector<128x128xi32>
    %ne3A_433 = arith.cmpi ne, %rem3A_430, %ne3A_432 : vector<128x128xi32>
    %and3A_434 = arith.andi %ne3A_428, %ne3A_433 : vector<128x128xi1>
    %sub3A_435 = arith.constant 1 : i32
    %sub3A_436 = vector.broadcast %sub3A_435 : i32 to vector<128x128xi32>
    %sub3A_437 = arith.subi %div3A_410, %sub3A_436 : vector<128x128xi32>
    %select_n3A_438 = arith.select %and3A_434, %sub3A_437, %div3A_410 : vector<128x128xi1>, vector<128x128xi32>
    %iota3A_439 = tpu.iota {dimensions = array<i32: 1>} : vector<128x128xi32>
    %jit3A_440 = arith.constant 32 : i32
    %div3A_441 = vector.broadcast %jit3A_440 : i32 to vector<128x128xi32>
    %div3A_442 = arith.divsi %iota3A_439, %div3A_441 : vector<128x128xi32>
    %sign3A_443 = arith.constant 0 : i32
    %sign3A_444 = vector.broadcast %sign3A_443 : i32 to vector<128x128xi32>
    %sign3A_445 = arith.cmpi sgt, %iota3A_439, %sign3A_444 : vector<128x128xi32>
    %sign3A_446 = arith.extui %sign3A_445 : vector<128x128xi1> to vector<128x128xi32>
    %sign3A_447 = arith.constant 0 : i32
    %sign3A_448 = vector.broadcast %sign3A_447 : i32 to vector<128x128xi32>
    %sign3A_449 = arith.cmpi slt, %iota3A_439, %sign3A_448 : vector<128x128xi32>
    %sign3A_450 = arith.extui %sign3A_449 : vector<128x128xi1> to vector<128x128xi32>
    %sign3A_451 = arith.subi %sign3A_446, %sign3A_450 : vector<128x128xi32>
    %sign3A_452 = arith.constant 0 : i32
    %sign3A_453 = arith.cmpi sgt, %jit3A_440, %sign3A_452 : i32
    %sign3A_454 = arith.extui %sign3A_453 : i1 to i32
    %sign3A_455 = arith.constant 0 : i32
    %sign3A_456 = arith.cmpi slt, %jit3A_440, %sign3A_455 : i32
    %sign3A_457 = arith.extui %sign3A_456 : i1 to i32
    %sign3A_458 = arith.subi %sign3A_454, %sign3A_457 : i32
    %ne3A_459 = vector.broadcast %sign3A_458 : i32 to vector<128x128xi32>
    %ne3A_460 = arith.cmpi ne, %sign3A_451, %ne3A_459 : vector<128x128xi32>
    %rem3A_461 = vector.broadcast %jit3A_440 : i32 to vector<128x128xi32>
    %rem3A_462 = arith.remsi %iota3A_439, %rem3A_461 : vector<128x128xi32>
    %ne3A_463 = arith.constant 0 : i32
    %ne3A_464 = vector.broadcast %ne3A_463 : i32 to vector<128x128xi32>
    %ne3A_465 = arith.cmpi ne, %rem3A_462, %ne3A_464 : vector<128x128xi32>
    %and3A_466 = arith.andi %ne3A_460, %ne3A_465 : vector<128x128xi1>
    %sub3A_467 = arith.constant 1 : i32
    %sub3A_468 = vector.broadcast %sub3A_467 : i32 to vector<128x128xi32>
    %sub3A_469 = arith.subi %div3A_442, %sub3A_468 : vector<128x128xi32>
    %select_n3A_470 = arith.select %and3A_466, %sub3A_469, %div3A_442 : vector<128x128xi1>, vector<128x128xi32>
    %eq3A_471 = arith.cmpi eq, %select_n3A_438, %select_n3A_470 : vector<128x128xi32>
    %convert_element_type3A_472 = arith.extui %eq3A_471 : vector<128x128xi1> to vector<128x128xi32>
    %convert_element_type3A_473 = arith.sitofp %convert_element_type3A_472 : vector<128x128xi32> to vector<128x128xf32>
    %mul3A_474 = arith.mulf %tile3A_406, %convert_element_type3A_473 : vector<128x128xf32>
    %slice3A_475 = vector.extract_strided_slice %concatenate3A {offsets = [128, 0], sizes = [32, 32], strides = [1, 1]} : vector<288x32xf32> to vector<32x32xf32>
    %tile3A_476 = tpu.concatenate %slice3A_475, %slice3A_475, %slice3A_475, %slice3A_475 in 0 : vector<32x32xf32>, vector<32x32xf32>, vector<32x32xf32>, vector<32x32xf32> -> vector<128x32xf32>
    %tile3A_477 = tpu.concatenate %tile3A_476, %tile3A_476, %tile3A_476, %tile3A_476 in 1 : vector<128x32xf32>, vector<128x32xf32>, vector<128x32xf32>, vector<128x32xf32> -> vector<128x128xf32>
    %iota3A_478 = tpu.iota {dimensions = array<i32: 0>} : vector<128x128xi32>
    %jit3A_479 = arith.constant 32 : i32
    %div3A_480 = vector.broadcast %jit3A_479 : i32 to vector<128x128xi32>
    %div3A_481 = arith.divsi %iota3A_478, %div3A_480 : vector<128x128xi32>
    %sign3A_482 = arith.constant 0 : i32
    %sign3A_483 = vector.broadcast %sign3A_482 : i32 to vector<128x128xi32>
    %sign3A_484 = arith.cmpi sgt, %iota3A_478, %sign3A_483 : vector<128x128xi32>
    %sign3A_485 = arith.extui %sign3A_484 : vector<128x128xi1> to vector<128x128xi32>
    %sign3A_486 = arith.constant 0 : i32
    %sign3A_487 = vector.broadcast %sign3A_486 : i32 to vector<128x128xi32>
    %sign3A_488 = arith.cmpi slt, %iota3A_478, %sign3A_487 : vector<128x128xi32>
    %sign3A_489 = arith.extui %sign3A_488 : vector<128x128xi1> to vector<128x128xi32>
    %sign3A_490 = arith.subi %sign3A_485, %sign3A_489 : vector<128x128xi32>
    %sign3A_491 = arith.constant 0 : i32
    %sign3A_492 = arith.cmpi sgt, %jit3A_479, %sign3A_491 : i32
    %sign3A_493 = arith.extui %sign3A_492 : i1 to i32
    %sign3A_494 = arith.constant 0 : i32
    %sign3A_495 = arith.cmpi slt, %jit3A_479, %sign3A_494 : i32
    %sign3A_496 = arith.extui %sign3A_495 : i1 to i32
    %sign3A_497 = arith.subi %sign3A_493, %sign3A_496 : i32
    %ne3A_498 = vector.broadcast %sign3A_497 : i32 to vector<128x128xi32>
    %ne3A_499 = arith.cmpi ne, %sign3A_490, %ne3A_498 : vector<128x128xi32>
    %rem3A_500 = vector.broadcast %jit3A_479 : i32 to vector<128x128xi32>
    %rem3A_501 = arith.remsi %iota3A_478, %rem3A_500 : vector<128x128xi32>
    %ne3A_502 = arith.constant 0 : i32
    %ne3A_503 = vector.broadcast %ne3A_502 : i32 to vector<128x128xi32>
    %ne3A_504 = arith.cmpi ne, %rem3A_501, %ne3A_503 : vector<128x128xi32>
    %and3A_505 = arith.andi %ne3A_499, %ne3A_504 : vector<128x128xi1>
    %sub3A_506 = arith.constant 1 : i32
    %sub3A_507 = vector.broadcast %sub3A_506 : i32 to vector<128x128xi32>
    %sub3A_508 = arith.subi %div3A_481, %sub3A_507 : vector<128x128xi32>
    %select_n3A_509 = arith.select %and3A_505, %sub3A_508, %div3A_481 : vector<128x128xi1>, vector<128x128xi32>
    %iota3A_510 = tpu.iota {dimensions = array<i32: 1>} : vector<128x128xi32>
    %jit3A_511 = arith.constant 32 : i32
    %div3A_512 = vector.broadcast %jit3A_511 : i32 to vector<128x128xi32>
    %div3A_513 = arith.divsi %iota3A_510, %div3A_512 : vector<128x128xi32>
    %sign3A_514 = arith.constant 0 : i32
    %sign3A_515 = vector.broadcast %sign3A_514 : i32 to vector<128x128xi32>
    %sign3A_516 = arith.cmpi sgt, %iota3A_510, %sign3A_515 : vector<128x128xi32>
    %sign3A_517 = arith.extui %sign3A_516 : vector<128x128xi1> to vector<128x128xi32>
    %sign3A_518 = arith.constant 0 : i32
    %sign3A_519 = vector.broadcast %sign3A_518 : i32 to vector<128x128xi32>
    %sign3A_520 = arith.cmpi slt, %iota3A_510, %sign3A_519 : vector<128x128xi32>
    %sign3A_521 = arith.extui %sign3A_520 : vector<128x128xi1> to vector<128x128xi32>
    %sign3A_522 = arith.subi %sign3A_517, %sign3A_521 : vector<128x128xi32>
    %sign3A_523 = arith.constant 0 : i32
    %sign3A_524 = arith.cmpi sgt, %jit3A_511, %sign3A_523 : i32
    %sign3A_525 = arith.extui %sign3A_524 : i1 to i32
    %sign3A_526 = arith.constant 0 : i32
    %sign3A_527 = arith.cmpi slt, %jit3A_511, %sign3A_526 : i32
    %sign3A_528 = arith.extui %sign3A_527 : i1 to i32
    %sign3A_529 = arith.subi %sign3A_525, %sign3A_528 : i32
    %ne3A_530 = vector.broadcast %sign3A_529 : i32 to vector<128x128xi32>
    %ne3A_531 = arith.cmpi ne, %sign3A_522, %ne3A_530 : vector<128x128xi32>
    %rem3A_532 = vector.broadcast %jit3A_511 : i32 to vector<128x128xi32>
    %rem3A_533 = arith.remsi %iota3A_510, %rem3A_532 : vector<128x128xi32>
    %ne3A_534 = arith.constant 0 : i32
    %ne3A_535 = vector.broadcast %ne3A_534 : i32 to vector<128x128xi32>
    %ne3A_536 = arith.cmpi ne, %rem3A_533, %ne3A_535 : vector<128x128xi32>
    %and3A_537 = arith.andi %ne3A_531, %ne3A_536 : vector<128x128xi1>
    %sub3A_538 = arith.constant 1 : i32
    %sub3A_539 = vector.broadcast %sub3A_538 : i32 to vector<128x128xi32>
    %sub3A_540 = arith.subi %div3A_513, %sub3A_539 : vector<128x128xi32>
    %select_n3A_541 = arith.select %and3A_537, %sub3A_540, %div3A_513 : vector<128x128xi1>, vector<128x128xi32>
    %eq3A_542 = arith.cmpi eq, %select_n3A_509, %select_n3A_541 : vector<128x128xi32>
    %convert_element_type3A_543 = arith.extui %eq3A_542 : vector<128x128xi1> to vector<128x128xi32>
    %convert_element_type3A_544 = arith.sitofp %convert_element_type3A_543 : vector<128x128xi32> to vector<128x128xf32>
    %mul3A_545 = arith.mulf %tile3A_477, %convert_element_type3A_544 : vector<128x128xf32>
    %slice3A_546 = vector.extract_strided_slice %concatenate3A {offsets = [160, 0], sizes = [32, 32], strides = [1, 1]} : vector<288x32xf32> to vector<32x32xf32>
    %tile3A_547 = tpu.concatenate %slice3A_546, %slice3A_546, %slice3A_546, %slice3A_546 in 0 : vector<32x32xf32>, vector<32x32xf32>, vector<32x32xf32>, vector<32x32xf32> -> vector<128x32xf32>
    %tile3A_548 = tpu.concatenate %tile3A_547, %tile3A_547, %tile3A_547, %tile3A_547 in 1 : vector<128x32xf32>, vector<128x32xf32>, vector<128x32xf32>, vector<128x32xf32> -> vector<128x128xf32>
    %iota3A_549 = tpu.iota {dimensions = array<i32: 0>} : vector<128x128xi32>
    %jit3A_550 = arith.constant 32 : i32
    %div3A_551 = vector.broadcast %jit3A_550 : i32 to vector<128x128xi32>
    %div3A_552 = arith.divsi %iota3A_549, %div3A_551 : vector<128x128xi32>
    %sign3A_553 = arith.constant 0 : i32
    %sign3A_554 = vector.broadcast %sign3A_553 : i32 to vector<128x128xi32>
    %sign3A_555 = arith.cmpi sgt, %iota3A_549, %sign3A_554 : vector<128x128xi32>
    %sign3A_556 = arith.extui %sign3A_555 : vector<128x128xi1> to vector<128x128xi32>
    %sign3A_557 = arith.constant 0 : i32
    %sign3A_558 = vector.broadcast %sign3A_557 : i32 to vector<128x128xi32>
    %sign3A_559 = arith.cmpi slt, %iota3A_549, %sign3A_558 : vector<128x128xi32>
    %sign3A_560 = arith.extui %sign3A_559 : vector<128x128xi1> to vector<128x128xi32>
    %sign3A_561 = arith.subi %sign3A_556, %sign3A_560 : vector<128x128xi32>
    %sign3A_562 = arith.constant 0 : i32
    %sign3A_563 = arith.cmpi sgt, %jit3A_550, %sign3A_562 : i32
    %sign3A_564 = arith.extui %sign3A_563 : i1 to i32
    %sign3A_565 = arith.constant 0 : i32
    %sign3A_566 = arith.cmpi slt, %jit3A_550, %sign3A_565 : i32
    %sign3A_567 = arith.extui %sign3A_566 : i1 to i32
    %sign3A_568 = arith.subi %sign3A_564, %sign3A_567 : i32
    %ne3A_569 = vector.broadcast %sign3A_568 : i32 to vector<128x128xi32>
    %ne3A_570 = arith.cmpi ne, %sign3A_561, %ne3A_569 : vector<128x128xi32>
    %rem3A_571 = vector.broadcast %jit3A_550 : i32 to vector<128x128xi32>
    %rem3A_572 = arith.remsi %iota3A_549, %rem3A_571 : vector<128x128xi32>
    %ne3A_573 = arith.constant 0 : i32
    %ne3A_574 = vector.broadcast %ne3A_573 : i32 to vector<128x128xi32>
    %ne3A_575 = arith.cmpi ne, %rem3A_572, %ne3A_574 : vector<128x128xi32>
    %and3A_576 = arith.andi %ne3A_570, %ne3A_575 : vector<128x128xi1>
    %sub3A_577 = arith.constant 1 : i32
    %sub3A_578 = vector.broadcast %sub3A_577 : i32 to vector<128x128xi32>
    %sub3A_579 = arith.subi %div3A_552, %sub3A_578 : vector<128x128xi32>
    %select_n3A_580 = arith.select %and3A_576, %sub3A_579, %div3A_552 : vector<128x128xi1>, vector<128x128xi32>
    %iota3A_581 = tpu.iota {dimensions = array<i32: 1>} : vector<128x128xi32>
    %jit3A_582 = arith.constant 32 : i32
    %div3A_583 = vector.broadcast %jit3A_582 : i32 to vector<128x128xi32>
    %div3A_584 = arith.divsi %iota3A_581, %div3A_583 : vector<128x128xi32>
    %sign3A_585 = arith.constant 0 : i32
    %sign3A_586 = vector.broadcast %sign3A_585 : i32 to vector<128x128xi32>
    %sign3A_587 = arith.cmpi sgt, %iota3A_581, %sign3A_586 : vector<128x128xi32>
    %sign3A_588 = arith.extui %sign3A_587 : vector<128x128xi1> to vector<128x128xi32>
    %sign3A_589 = arith.constant 0 : i32
    %sign3A_590 = vector.broadcast %sign3A_589 : i32 to vector<128x128xi32>
    %sign3A_591 = arith.cmpi slt, %iota3A_581, %sign3A_590 : vector<128x128xi32>
    %sign3A_592 = arith.extui %sign3A_591 : vector<128x128xi1> to vector<128x128xi32>
    %sign3A_593 = arith.subi %sign3A_588, %sign3A_592 : vector<128x128xi32>
    %sign3A_594 = arith.constant 0 : i32
    %sign3A_595 = arith.cmpi sgt, %jit3A_582, %sign3A_594 : i32
    %sign3A_596 = arith.extui %sign3A_595 : i1 to i32
    %sign3A_597 = arith.constant 0 : i32
    %sign3A_598 = arith.cmpi slt, %jit3A_582, %sign3A_597 : i32
    %sign3A_599 = arith.extui %sign3A_598 : i1 to i32
    %sign3A_600 = arith.subi %sign3A_596, %sign3A_599 : i32
    %ne3A_601 = vector.broadcast %sign3A_600 : i32 to vector<128x128xi32>
    %ne3A_602 = arith.cmpi ne, %sign3A_593, %ne3A_601 : vector<128x128xi32>
    %rem3A_603 = vector.broadcast %jit3A_582 : i32 to vector<128x128xi32>
    %rem3A_604 = arith.remsi %iota3A_581, %rem3A_603 : vector<128x128xi32>
    %ne3A_605 = arith.constant 0 : i32
    %ne3A_606 = vector.broadcast %ne3A_605 : i32 to vector<128x128xi32>
    %ne3A_607 = arith.cmpi ne, %rem3A_604, %ne3A_606 : vector<128x128xi32>
    %and3A_608 = arith.andi %ne3A_602, %ne3A_607 : vector<128x128xi1>
    %sub3A_609 = arith.constant 1 : i32
    %sub3A_610 = vector.broadcast %sub3A_609 : i32 to vector<128x128xi32>
    %sub3A_611 = arith.subi %div3A_584, %sub3A_610 : vector<128x128xi32>
    %select_n3A_612 = arith.select %and3A_608, %sub3A_611, %div3A_584 : vector<128x128xi1>, vector<128x128xi32>
    %eq3A_613 = arith.cmpi eq, %select_n3A_580, %select_n3A_612 : vector<128x128xi32>
    %convert_element_type3A_614 = arith.extui %eq3A_613 : vector<128x128xi1> to vector<128x128xi32>
    %convert_element_type3A_615 = arith.sitofp %convert_element_type3A_614 : vector<128x128xi32> to vector<128x128xf32>
    %mul3A_616 = arith.mulf %tile3A_548, %convert_element_type3A_615 : vector<128x128xf32>
    %slice3A_617 = vector.extract_strided_slice %concatenate3A {offsets = [192, 0], sizes = [32, 32], strides = [1, 1]} : vector<288x32xf32> to vector<32x32xf32>
    %tile3A_618 = tpu.concatenate %slice3A_617, %slice3A_617, %slice3A_617, %slice3A_617 in 0 : vector<32x32xf32>, vector<32x32xf32>, vector<32x32xf32>, vector<32x32xf32> -> vector<128x32xf32>
    %tile3A_619 = tpu.concatenate %tile3A_618, %tile3A_618, %tile3A_618, %tile3A_618 in 1 : vector<128x32xf32>, vector<128x32xf32>, vector<128x32xf32>, vector<128x32xf32> -> vector<128x128xf32>
    %iota3A_620 = tpu.iota {dimensions = array<i32: 0>} : vector<128x128xi32>
    %jit3A_621 = arith.constant 32 : i32
    %div3A_622 = vector.broadcast %jit3A_621 : i32 to vector<128x128xi32>
    %div3A_623 = arith.divsi %iota3A_620, %div3A_622 : vector<128x128xi32>
    %sign3A_624 = arith.constant 0 : i32
    %sign3A_625 = vector.broadcast %sign3A_624 : i32 to vector<128x128xi32>
    %sign3A_626 = arith.cmpi sgt, %iota3A_620, %sign3A_625 : vector<128x128xi32>
    %sign3A_627 = arith.extui %sign3A_626 : vector<128x128xi1> to vector<128x128xi32>
    %sign3A_628 = arith.constant 0 : i32
    %sign3A_629 = vector.broadcast %sign3A_628 : i32 to vector<128x128xi32>
    %sign3A_630 = arith.cmpi slt, %iota3A_620, %sign3A_629 : vector<128x128xi32>
    %sign3A_631 = arith.extui %sign3A_630 : vector<128x128xi1> to vector<128x128xi32>
    %sign3A_632 = arith.subi %sign3A_627, %sign3A_631 : vector<128x128xi32>
    %sign3A_633 = arith.constant 0 : i32
    %sign3A_634 = arith.cmpi sgt, %jit3A_621, %sign3A_633 : i32
    %sign3A_635 = arith.extui %sign3A_634 : i1 to i32
    %sign3A_636 = arith.constant 0 : i32
    %sign3A_637 = arith.cmpi slt, %jit3A_621, %sign3A_636 : i32
    %sign3A_638 = arith.extui %sign3A_637 : i1 to i32
    %sign3A_639 = arith.subi %sign3A_635, %sign3A_638 : i32
    %ne3A_640 = vector.broadcast %sign3A_639 : i32 to vector<128x128xi32>
    %ne3A_641 = arith.cmpi ne, %sign3A_632, %ne3A_640 : vector<128x128xi32>
    %rem3A_642 = vector.broadcast %jit3A_621 : i32 to vector<128x128xi32>
    %rem3A_643 = arith.remsi %iota3A_620, %rem3A_642 : vector<128x128xi32>
    %ne3A_644 = arith.constant 0 : i32
    %ne3A_645 = vector.broadcast %ne3A_644 : i32 to vector<128x128xi32>
    %ne3A_646 = arith.cmpi ne, %rem3A_643, %ne3A_645 : vector<128x128xi32>
    %and3A_647 = arith.andi %ne3A_641, %ne3A_646 : vector<128x128xi1>
    %sub3A_648 = arith.constant 1 : i32
    %sub3A_649 = vector.broadcast %sub3A_648 : i32 to vector<128x128xi32>
    %sub3A_650 = arith.subi %div3A_623, %sub3A_649 : vector<128x128xi32>
    %select_n3A_651 = arith.select %and3A_647, %sub3A_650, %div3A_623 : vector<128x128xi1>, vector<128x128xi32>
    %iota3A_652 = tpu.iota {dimensions = array<i32: 1>} : vector<128x128xi32>
    %jit3A_653 = arith.constant 32 : i32
    %div3A_654 = vector.broadcast %jit3A_653 : i32 to vector<128x128xi32>
    %div3A_655 = arith.divsi %iota3A_652, %div3A_654 : vector<128x128xi32>
    %sign3A_656 = arith.constant 0 : i32
    %sign3A_657 = vector.broadcast %sign3A_656 : i32 to vector<128x128xi32>
    %sign3A_658 = arith.cmpi sgt, %iota3A_652, %sign3A_657 : vector<128x128xi32>
    %sign3A_659 = arith.extui %sign3A_658 : vector<128x128xi1> to vector<128x128xi32>
    %sign3A_660 = arith.constant 0 : i32
    %sign3A_661 = vector.broadcast %sign3A_660 : i32 to vector<128x128xi32>
    %sign3A_662 = arith.cmpi slt, %iota3A_652, %sign3A_661 : vector<128x128xi32>
    %sign3A_663 = arith.extui %sign3A_662 : vector<128x128xi1> to vector<128x128xi32>
    %sign3A_664 = arith.subi %sign3A_659, %sign3A_663 : vector<128x128xi32>
    %sign3A_665 = arith.constant 0 : i32
    %sign3A_666 = arith.cmpi sgt, %jit3A_653, %sign3A_665 : i32
    %sign3A_667 = arith.extui %sign3A_666 : i1 to i32
    %sign3A_668 = arith.constant 0 : i32
    %sign3A_669 = arith.cmpi slt, %jit3A_653, %sign3A_668 : i32
    %sign3A_670 = arith.extui %sign3A_669 : i1 to i32
    %sign3A_671 = arith.subi %sign3A_667, %sign3A_670 : i32
    %ne3A_672 = vector.broadcast %sign3A_671 : i32 to vector<128x128xi32>
    %ne3A_673 = arith.cmpi ne, %sign3A_664, %ne3A_672 : vector<128x128xi32>
    %rem3A_674 = vector.broadcast %jit3A_653 : i32 to vector<128x128xi32>
    %rem3A_675 = arith.remsi %iota3A_652, %rem3A_674 : vector<128x128xi32>
    %ne3A_676 = arith.constant 0 : i32
    %ne3A_677 = vector.broadcast %ne3A_676 : i32 to vector<128x128xi32>
    %ne3A_678 = arith.cmpi ne, %rem3A_675, %ne3A_677 : vector<128x128xi32>
    %and3A_679 = arith.andi %ne3A_673, %ne3A_678 : vector<128x128xi1>
    %sub3A_680 = arith.constant 1 : i32
    %sub3A_681 = vector.broadcast %sub3A_680 : i32 to vector<128x128xi32>
    %sub3A_682 = arith.subi %div3A_655, %sub3A_681 : vector<128x128xi32>
    %select_n3A_683 = arith.select %and3A_679, %sub3A_682, %div3A_655 : vector<128x128xi1>, vector<128x128xi32>
    %eq3A_684 = arith.cmpi eq, %select_n3A_651, %select_n3A_683 : vector<128x128xi32>
    %convert_element_type3A_685 = arith.extui %eq3A_684 : vector<128x128xi1> to vector<128x128xi32>
    %convert_element_type3A_686 = arith.sitofp %convert_element_type3A_685 : vector<128x128xi32> to vector<128x128xf32>
    %mul3A_687 = arith.mulf %tile3A_619, %convert_element_type3A_686 : vector<128x128xf32>
    %slice3A_688 = vector.extract_strided_slice %concatenate3A {offsets = [224, 0], sizes = [32, 32], strides = [1, 1]} : vector<288x32xf32> to vector<32x32xf32>
    %tile3A_689 = tpu.concatenate %slice3A_688, %slice3A_688, %slice3A_688, %slice3A_688 in 0 : vector<32x32xf32>, vector<32x32xf32>, vector<32x32xf32>, vector<32x32xf32> -> vector<128x32xf32>
    %tile3A_690 = tpu.concatenate %tile3A_689, %tile3A_689, %tile3A_689, %tile3A_689 in 1 : vector<128x32xf32>, vector<128x32xf32>, vector<128x32xf32>, vector<128x32xf32> -> vector<128x128xf32>
    %iota3A_691 = tpu.iota {dimensions = array<i32: 0>} : vector<128x128xi32>
    %jit3A_692 = arith.constant 32 : i32
    %div3A_693 = vector.broadcast %jit3A_692 : i32 to vector<128x128xi32>
    %div3A_694 = arith.divsi %iota3A_691, %div3A_693 : vector<128x128xi32>
    %sign3A_695 = arith.constant 0 : i32
    %sign3A_696 = vector.broadcast %sign3A_695 : i32 to vector<128x128xi32>
    %sign3A_697 = arith.cmpi sgt, %iota3A_691, %sign3A_696 : vector<128x128xi32>
    %sign3A_698 = arith.extui %sign3A_697 : vector<128x128xi1> to vector<128x128xi32>
    %sign3A_699 = arith.constant 0 : i32
    %sign3A_700 = vector.broadcast %sign3A_699 : i32 to vector<128x128xi32>
    %sign3A_701 = arith.cmpi slt, %iota3A_691, %sign3A_700 : vector<128x128xi32>
    %sign3A_702 = arith.extui %sign3A_701 : vector<128x128xi1> to vector<128x128xi32>
    %sign3A_703 = arith.subi %sign3A_698, %sign3A_702 : vector<128x128xi32>
    %sign3A_704 = arith.constant 0 : i32
    %sign3A_705 = arith.cmpi sgt, %jit3A_692, %sign3A_704 : i32
    %sign3A_706 = arith.extui %sign3A_705 : i1 to i32
    %sign3A_707 = arith.constant 0 : i32
    %sign3A_708 = arith.cmpi slt, %jit3A_692, %sign3A_707 : i32
    %sign3A_709 = arith.extui %sign3A_708 : i1 to i32
    %sign3A_710 = arith.subi %sign3A_706, %sign3A_709 : i32
    %ne3A_711 = vector.broadcast %sign3A_710 : i32 to vector<128x128xi32>
    %ne3A_712 = arith.cmpi ne, %sign3A_703, %ne3A_711 : vector<128x128xi32>
    %rem3A_713 = vector.broadcast %jit3A_692 : i32 to vector<128x128xi32>
    %rem3A_714 = arith.remsi %iota3A_691, %rem3A_713 : vector<128x128xi32>
    %ne3A_715 = arith.constant 0 : i32
    %ne3A_716 = vector.broadcast %ne3A_715 : i32 to vector<128x128xi32>
    %ne3A_717 = arith.cmpi ne, %rem3A_714, %ne3A_716 : vector<128x128xi32>
    %and3A_718 = arith.andi %ne3A_712, %ne3A_717 : vector<128x128xi1>
    %sub3A_719 = arith.constant 1 : i32
    %sub3A_720 = vector.broadcast %sub3A_719 : i32 to vector<128x128xi32>
    %sub3A_721 = arith.subi %div3A_694, %sub3A_720 : vector<128x128xi32>
    %select_n3A_722 = arith.select %and3A_718, %sub3A_721, %div3A_694 : vector<128x128xi1>, vector<128x128xi32>
    %iota3A_723 = tpu.iota {dimensions = array<i32: 1>} : vector<128x128xi32>
    %jit3A_724 = arith.constant 32 : i32
    %div3A_725 = vector.broadcast %jit3A_724 : i32 to vector<128x128xi32>
    %div3A_726 = arith.divsi %iota3A_723, %div3A_725 : vector<128x128xi32>
    %sign3A_727 = arith.constant 0 : i32
    %sign3A_728 = vector.broadcast %sign3A_727 : i32 to vector<128x128xi32>
    %sign3A_729 = arith.cmpi sgt, %iota3A_723, %sign3A_728 : vector<128x128xi32>
    %sign3A_730 = arith.extui %sign3A_729 : vector<128x128xi1> to vector<128x128xi32>
    %sign3A_731 = arith.constant 0 : i32
    %sign3A_732 = vector.broadcast %sign3A_731 : i32 to vector<128x128xi32>
    %sign3A_733 = arith.cmpi slt, %iota3A_723, %sign3A_732 : vector<128x128xi32>
    %sign3A_734 = arith.extui %sign3A_733 : vector<128x128xi1> to vector<128x128xi32>
    %sign3A_735 = arith.subi %sign3A_730, %sign3A_734 : vector<128x128xi32>
    %sign3A_736 = arith.constant 0 : i32
    %sign3A_737 = arith.cmpi sgt, %jit3A_724, %sign3A_736 : i32
    %sign3A_738 = arith.extui %sign3A_737 : i1 to i32
    %sign3A_739 = arith.constant 0 : i32
    %sign3A_740 = arith.cmpi slt, %jit3A_724, %sign3A_739 : i32
    %sign3A_741 = arith.extui %sign3A_740 : i1 to i32
    %sign3A_742 = arith.subi %sign3A_738, %sign3A_741 : i32
    %ne3A_743 = vector.broadcast %sign3A_742 : i32 to vector<128x128xi32>
    %ne3A_744 = arith.cmpi ne, %sign3A_735, %ne3A_743 : vector<128x128xi32>
    %rem3A_745 = vector.broadcast %jit3A_724 : i32 to vector<128x128xi32>
    %rem3A_746 = arith.remsi %iota3A_723, %rem3A_745 : vector<128x128xi32>
    %ne3A_747 = arith.constant 0 : i32
    %ne3A_748 = vector.broadcast %ne3A_747 : i32 to vector<128x128xi32>
    %ne3A_749 = arith.cmpi ne, %rem3A_746, %ne3A_748 : vector<128x128xi32>
    %and3A_750 = arith.andi %ne3A_744, %ne3A_749 : vector<128x128xi1>
    %sub3A_751 = arith.constant 1 : i32
    %sub3A_752 = vector.broadcast %sub3A_751 : i32 to vector<128x128xi32>
    %sub3A_753 = arith.subi %div3A_726, %sub3A_752 : vector<128x128xi32>
    %select_n3A_754 = arith.select %and3A_750, %sub3A_753, %div3A_726 : vector<128x128xi1>, vector<128x128xi32>
    %eq3A_755 = arith.cmpi eq, %select_n3A_722, %select_n3A_754 : vector<128x128xi32>
    %convert_element_type3A_756 = arith.extui %eq3A_755 : vector<128x128xi1> to vector<128x128xi32>
    %convert_element_type3A_757 = arith.sitofp %convert_element_type3A_756 : vector<128x128xi32> to vector<128x128xf32>
    %mul3A_758 = arith.mulf %tile3A_690, %convert_element_type3A_757 : vector<128x128xf32>
    %slice3A_759 = vector.extract_strided_slice %concatenate3A {offsets = [256, 0], sizes = [32, 32], strides = [1, 1]} : vector<288x32xf32> to vector<32x32xf32>
    %tile3A_760 = tpu.concatenate %slice3A_759, %slice3A_759, %slice3A_759, %slice3A_759 in 0 : vector<32x32xf32>, vector<32x32xf32>, vector<32x32xf32>, vector<32x32xf32> -> vector<128x32xf32>
    %tile3A_761 = tpu.concatenate %tile3A_760, %tile3A_760, %tile3A_760, %tile3A_760 in 1 : vector<128x32xf32>, vector<128x32xf32>, vector<128x32xf32>, vector<128x32xf32> -> vector<128x128xf32>
    %iota3A_762 = tpu.iota {dimensions = array<i32: 0>} : vector<128x128xi32>
    %jit3A_763 = arith.constant 32 : i32
    %div3A_764 = vector.broadcast %jit3A_763 : i32 to vector<128x128xi32>
    %div3A_765 = arith.divsi %iota3A_762, %div3A_764 : vector<128x128xi32>
    %sign3A_766 = arith.constant 0 : i32
    %sign3A_767 = vector.broadcast %sign3A_766 : i32 to vector<128x128xi32>
    %sign3A_768 = arith.cmpi sgt, %iota3A_762, %sign3A_767 : vector<128x128xi32>
    %sign3A_769 = arith.extui %sign3A_768 : vector<128x128xi1> to vector<128x128xi32>
    %sign3A_770 = arith.constant 0 : i32
    %sign3A_771 = vector.broadcast %sign3A_770 : i32 to vector<128x128xi32>
    %sign3A_772 = arith.cmpi slt, %iota3A_762, %sign3A_771 : vector<128x128xi32>
    %sign3A_773 = arith.extui %sign3A_772 : vector<128x128xi1> to vector<128x128xi32>
    %sign3A_774 = arith.subi %sign3A_769, %sign3A_773 : vector<128x128xi32>
    %sign3A_775 = arith.constant 0 : i32
    %sign3A_776 = arith.cmpi sgt, %jit3A_763, %sign3A_775 : i32
    %sign3A_777 = arith.extui %sign3A_776 : i1 to i32
    %sign3A_778 = arith.constant 0 : i32
    %sign3A_779 = arith.cmpi slt, %jit3A_763, %sign3A_778 : i32
    %sign3A_780 = arith.extui %sign3A_779 : i1 to i32
    %sign3A_781 = arith.subi %sign3A_777, %sign3A_780 : i32
    %ne3A_782 = vector.broadcast %sign3A_781 : i32 to vector<128x128xi32>
    %ne3A_783 = arith.cmpi ne, %sign3A_774, %ne3A_782 : vector<128x128xi32>
    %rem3A_784 = vector.broadcast %jit3A_763 : i32 to vector<128x128xi32>
    %rem3A_785 = arith.remsi %iota3A_762, %rem3A_784 : vector<128x128xi32>
    %ne3A_786 = arith.constant 0 : i32
    %ne3A_787 = vector.broadcast %ne3A_786 : i32 to vector<128x128xi32>
    %ne3A_788 = arith.cmpi ne, %rem3A_785, %ne3A_787 : vector<128x128xi32>
    %and3A_789 = arith.andi %ne3A_783, %ne3A_788 : vector<128x128xi1>
    %sub3A_790 = arith.constant 1 : i32
    %sub3A_791 = vector.broadcast %sub3A_790 : i32 to vector<128x128xi32>
    %sub3A_792 = arith.subi %div3A_765, %sub3A_791 : vector<128x128xi32>
    %select_n3A_793 = arith.select %and3A_789, %sub3A_792, %div3A_765 : vector<128x128xi1>, vector<128x128xi32>
    %iota3A_794 = tpu.iota {dimensions = array<i32: 1>} : vector<128x128xi32>
    %jit3A_795 = arith.constant 32 : i32
    %div3A_796 = vector.broadcast %jit3A_795 : i32 to vector<128x128xi32>
    %div3A_797 = arith.divsi %iota3A_794, %div3A_796 : vector<128x128xi32>
    %sign3A_798 = arith.constant 0 : i32
    %sign3A_799 = vector.broadcast %sign3A_798 : i32 to vector<128x128xi32>
    %sign3A_800 = arith.cmpi sgt, %iota3A_794, %sign3A_799 : vector<128x128xi32>
    %sign3A_801 = arith.extui %sign3A_800 : vector<128x128xi1> to vector<128x128xi32>
    %sign3A_802 = arith.constant 0 : i32
    %sign3A_803 = vector.broadcast %sign3A_802 : i32 to vector<128x128xi32>
    %sign3A_804 = arith.cmpi slt, %iota3A_794, %sign3A_803 : vector<128x128xi32>
    %sign3A_805 = arith.extui %sign3A_804 : vector<128x128xi1> to vector<128x128xi32>
    %sign3A_806 = arith.subi %sign3A_801, %sign3A_805 : vector<128x128xi32>
    %sign3A_807 = arith.constant 0 : i32
    %sign3A_808 = arith.cmpi sgt, %jit3A_795, %sign3A_807 : i32
    %sign3A_809 = arith.extui %sign3A_808 : i1 to i32
    %sign3A_810 = arith.constant 0 : i32
    %sign3A_811 = arith.cmpi slt, %jit3A_795, %sign3A_810 : i32
    %sign3A_812 = arith.extui %sign3A_811 : i1 to i32
    %sign3A_813 = arith.subi %sign3A_809, %sign3A_812 : i32
    %ne3A_814 = vector.broadcast %sign3A_813 : i32 to vector<128x128xi32>
    %ne3A_815 = arith.cmpi ne, %sign3A_806, %ne3A_814 : vector<128x128xi32>
    %rem3A_816 = vector.broadcast %jit3A_795 : i32 to vector<128x128xi32>
    %rem3A_817 = arith.remsi %iota3A_794, %rem3A_816 : vector<128x128xi32>
    %ne3A_818 = arith.constant 0 : i32
    %ne3A_819 = vector.broadcast %ne3A_818 : i32 to vector<128x128xi32>
    %ne3A_820 = arith.cmpi ne, %rem3A_817, %ne3A_819 : vector<128x128xi32>
    %and3A_821 = arith.andi %ne3A_815, %ne3A_820 : vector<128x128xi1>
    %sub3A_822 = arith.constant 1 : i32
    %sub3A_823 = vector.broadcast %sub3A_822 : i32 to vector<128x128xi32>
    %sub3A_824 = arith.subi %div3A_797, %sub3A_823 : vector<128x128xi32>
    %select_n3A_825 = arith.select %and3A_821, %sub3A_824, %div3A_797 : vector<128x128xi1>, vector<128x128xi32>
    %eq3A_826 = arith.cmpi eq, %select_n3A_793, %select_n3A_825 : vector<128x128xi32>
    %convert_element_type3A_827 = arith.extui %eq3A_826 : vector<128x128xi1> to vector<128x128xi32>
    %convert_element_type3A_828 = arith.sitofp %convert_element_type3A_827 : vector<128x128xi32> to vector<128x128xf32>
    %mul3A_829 = arith.mulf %tile3A_761, %convert_element_type3A_828 : vector<128x128xf32>
    %concatenate3A_830 = tpu.concatenate %mul3A_261, %mul3A_332, %mul3A_403, %mul3A_474, %mul3A_545, %mul3A_616, %mul3A_687, %mul3A_758, %mul3A_829 in 0 : vector<128x128xf32>, vector<128x128xf32>, vector<128x128xf32>, vector<128x128xf32>, vector<128x128xf32>, vector<128x128xf32>, vector<128x128xf32>, vector<128x128xf32>, vector<128x128xf32> -> vector<1152x128xf32>
    %dot_general3A_831 = arith.constant dense<0.000000e+00> : vector<3128x128xf32>
    %dot_general3A_832 = tpu.matmul %mul3A, %concatenate3A_830, %dot_general3A_831 {dimension_numbers = #tpu.dot_dimension_numbers<[1], [0], [0], [1], [0, 0, 1, 1], [], []>, transpose_lhs_hint = false} : vector<3128x1152xf32>, vector<1152x128xf32>, vector<3128x128xf32> -> vector<3128x128xf32>
    %swap3A = arith.constant 0 : index
    %swap3A_833 = arith.constant 0 : index
    %swap3A_834 = vector.load %arg6[%swap3A, %swap3A_833] : memref<3128x128xf32, #tpu.memory_space<vmem>>, vector<3128x128xf32>
    tpu.vector_store %arg6[%swap3A, %swap3A_833], %dot_general3A_832 {strides = array<i32>} : memref<3128x128xf32, #tpu.memory_space<vmem>>, vector<3128x128xf32>,
    return
  }
  func.func @transform_0(%arg0: i32) -> (i32, i32) {
    %c0_i32 = arith.constant 0 : i32
    %c0_i32_0 = arith.constant 0 : i32
    return %arg0, %c0_i32 : i32, i32
  }
  func.func @transform_1(%arg0: i32) -> (i32, i32) {
    %c0_i32 = arith.constant 0 : i32
    %c0_i32_0 = arith.constant 0 : i32
    return %arg0, %c0_i32 : i32, i32
  }
  func.func @transform_2(%arg0: i32) -> (i32, i32, i32) {
    %c0_i32 = arith.constant 0 : i32
    %c0_i32_0 = arith.constant 0 : i32
    %c0_i32_1 = arith.constant 0 : i32
    %c0_i32_2 = arith.constant 0 : i32
    return %c0_i32, %c0_i32_0, %c0_i32_1 : i32, i32, i32
  }
  func.func @transform_3(%arg0: i32) -> (i32, i32, i32) {
    %c0_i32 = arith.constant 0 : i32
    %c0_i32_0 = arith.constant 0 : i32
    %c0_i32_1 = arith.constant 0 : i32
    %c0_i32_2 = arith.constant 0 : i32
    return %c0_i32, %c0_i32_0, %c0_i32_1 : i32, i32, i32
  }
  func.func @transform_4(%arg0: i32) -> (i32, i32) {
    %c0_i32 = arith.constant 0 : i32
    %c0_i32_0 = arith.constant 0 : i32
    %c0_i32_1 = arith.constant 0 : i32
    return %c0_i32, %c0_i32_0 : i32, i32
  }
  func.func @transform_5(%arg0: i32) -> (i32, i32) {
    %c0_i32 = arith.constant 0 : i32
    %c0_i32_0 = arith.constant 0 : i32
    return %arg0, %c0_i32 : i32, i32
  }
}

module attributes {stable_mosaic.version = 14 : i64} {
  func.func @_recv_body(%arg0: i32, %arg1: memref<2x3128x128xf32, #tpu.memory_space<vmem>>, %arg2: memref<2x3128x128xf32, #tpu.memory_space<vmem>>, %arg3: memref<3128x128xf32, #tpu.memory_space<vmem>>, %arg4: memref<3128x4xi32, #tpu.memory_space<vmem>>, %arg5: memref<9x32x32xf32, #tpu.memory_space<vmem>>, %arg6: memref<9x32x32xf32, #tpu.memory_space<vmem>>, %arg7: memref<32x32xf32, #tpu.memory_space<vmem>>, %arg8: memref<1x32xf32, #tpu.memory_space<vmem>>, %arg9: memref<1x32xf32, #tpu.memory_space<vmem>>, %arg10: memref<1x32xf32, #tpu.memory_space<vmem>>, %arg11: memref<32x32xf32, #tpu.memory_space<vmem>>, %arg12: memref<1x32xf32, #tpu.memory_space<vmem>>, %arg13: memref<1x32xf32, #tpu.memory_space<vmem>>, %arg14: memref<1x32xf32, #tpu.memory_space<vmem>>, %arg15: memref<1x1xf32, #tpu.memory_space<vmem>>, %arg16: memref<3128x128xf32, #tpu.memory_space<vmem>>) attributes {dimension_semantics = [#tpu.dimension_semantics<arbitrary>], iteration_bounds = array<i64: 4>, scalar_prefetch = 0 : i64, scratch_operands = 0 : i64, tpu.core_type = #tpu.core_type<tc>, window_params = [{transform_indices = @transform_0, window_bounds = array<i64: 2, 3128, 128>}, {transform_indices = @transform_1, window_bounds = array<i64: 2, 3128, 128>}, {transform_indices = @transform_2, window_bounds = array<i64: 3128, 128>}, {transform_indices = @transform_3, window_bounds = array<i64: 3128, 4>}, {pipeline_mode = #tpu.pipeline_mode<synchronous>, transform_indices = @transform_4, window_bounds = array<i64: 9, 32, 32>}, {pipeline_mode = #tpu.pipeline_mode<synchronous>, transform_indices = @transform_5, window_bounds = array<i64: 9, 32, 32>}, {pipeline_mode = #tpu.pipeline_mode<synchronous>, transform_indices = @transform_6, window_bounds = array<i64: 32, 32>}, {pipeline_mode = #tpu.pipeline_mode<synchronous>, transform_indices = @transform_7, window_bounds = array<i64: 1, 32>}, {pipeline_mode = #tpu.pipeline_mode<synchronous>, transform_indices = @transform_8, window_bounds = array<i64: 1, 32>}, {pipeline_mode = #tpu.pipeline_mode<synchronous>, transform_indices = @transform_9, window_bounds = array<i64: 1, 32>}, {pipeline_mode = #tpu.pipeline_mode<synchronous>, transform_indices = @transform_10, window_bounds = array<i64: 32, 32>}, {pipeline_mode = #tpu.pipeline_mode<synchronous>, transform_indices = @transform_11, window_bounds = array<i64: 1, 32>}, {pipeline_mode = #tpu.pipeline_mode<synchronous>, transform_indices = @transform_12, window_bounds = array<i64: 1, 32>}, {pipeline_mode = #tpu.pipeline_mode<synchronous>, transform_indices = @transform_13, window_bounds = array<i64: 1, 32>}, {pipeline_mode = #tpu.pipeline_mode<synchronous>, transform_indices = @transform_14, window_bounds = array<i64: 1, 1>}, {transform_indices = @transform_15, window_bounds = array<i64: 3128, 128>}]} {
    %get3A = arith.constant 0 : index
    %get3A_0 = arith.constant 0 : index
    %get3A_1 = arith.constant 0 : index
    %get3A_2 = vector.load %arg1[%get3A, %get3A_0, %get3A_1] : memref<2x3128x128xf32, #tpu.memory_space<vmem>>, vector<1x3128x128xf32>
    %get3A_3 = vector.shape_cast %get3A_2 : vector<1x3128x128xf32> to vector<3128x128xf32>
    %get3A_4 = arith.constant 1 : index
    %get3A_5 = arith.constant 0 : index
    %get3A_6 = arith.constant 0 : index
    %get3A_7 = vector.load %arg1[%get3A_4, %get3A_5, %get3A_6] : memref<2x3128x128xf32, #tpu.memory_space<vmem>>, vector<1x3128x128xf32>
    %get3A_8 = vector.shape_cast %get3A_7 : vector<1x3128x128xf32> to vector<3128x128xf32>
    %add3A = arith.addf %get3A_3, %get3A_8 : vector<3128x128xf32>
    %get3A_9 = arith.constant 0 : index
    %get3A_10 = arith.constant 0 : index
    %get3A_11 = arith.constant 0 : index
    %get3A_12 = vector.load %arg5[%get3A_9, %get3A_10, %get3A_11] : memref<9x32x32xf32, #tpu.memory_space<vmem>>, vector<1x32x32xf32>
    %get3A_13 = vector.shape_cast %get3A_12 : vector<1x32x32xf32> to vector<32x32xf32>
    %get3A_14 = arith.constant 0 : index
    %get3A_15 = arith.constant 0 : index
    %get3A_16 = arith.constant 0 : index
    %get3A_17 = vector.load %arg6[%get3A_14, %get3A_15, %get3A_16] : memref<9x32x32xf32, #tpu.memory_space<vmem>>, vector<1x32x32xf32>
    %get3A_18 = vector.shape_cast %get3A_17 : vector<1x32x32xf32> to vector<32x32xf32>
    %add3A_19 = arith.addf %get3A_13, %get3A_18 : vector<32x32xf32>
    %get3A_20 = arith.constant 1 : index
    %get3A_21 = arith.constant 0 : index
    %get3A_22 = arith.constant 0 : index
    %get3A_23 = vector.load %arg5[%get3A_20, %get3A_21, %get3A_22] : memref<9x32x32xf32, #tpu.memory_space<vmem>>, vector<1x32x32xf32>
    %get3A_24 = vector.shape_cast %get3A_23 : vector<1x32x32xf32> to vector<32x32xf32>
    %get3A_25 = arith.constant 1 : index
    %get3A_26 = arith.constant 0 : index
    %get3A_27 = arith.constant 0 : index
    %get3A_28 = vector.load %arg6[%get3A_25, %get3A_26, %get3A_27] : memref<9x32x32xf32, #tpu.memory_space<vmem>>, vector<1x32x32xf32>
    %get3A_29 = vector.shape_cast %get3A_28 : vector<1x32x32xf32> to vector<32x32xf32>
    %add3A_30 = arith.addf %get3A_24, %get3A_29 : vector<32x32xf32>
    %get3A_31 = arith.constant 2 : index
    %get3A_32 = arith.constant 0 : index
    %get3A_33 = arith.constant 0 : index
    %get3A_34 = vector.load %arg5[%get3A_31, %get3A_32, %get3A_33] : memref<9x32x32xf32, #tpu.memory_space<vmem>>, vector<1x32x32xf32>
    %get3A_35 = vector.shape_cast %get3A_34 : vector<1x32x32xf32> to vector<32x32xf32>
    %get3A_36 = arith.constant 2 : index
    %get3A_37 = arith.constant 0 : index
    %get3A_38 = arith.constant 0 : index
    %get3A_39 = vector.load %arg6[%get3A_36, %get3A_37, %get3A_38] : memref<9x32x32xf32, #tpu.memory_space<vmem>>, vector<1x32x32xf32>
    %get3A_40 = vector.shape_cast %get3A_39 : vector<1x32x32xf32> to vector<32x32xf32>
    %add3A_41 = arith.addf %get3A_35, %get3A_40 : vector<32x32xf32>
    %get3A_42 = arith.constant 3 : index
    %get3A_43 = arith.constant 0 : index
    %get3A_44 = arith.constant 0 : index
    %get3A_45 = vector.load %arg5[%get3A_42, %get3A_43, %get3A_44] : memref<9x32x32xf32, #tpu.memory_space<vmem>>, vector<1x32x32xf32>
    %get3A_46 = vector.shape_cast %get3A_45 : vector<1x32x32xf32> to vector<32x32xf32>
    %get3A_47 = arith.constant 3 : index
    %get3A_48 = arith.constant 0 : index
    %get3A_49 = arith.constant 0 : index
    %get3A_50 = vector.load %arg6[%get3A_47, %get3A_48, %get3A_49] : memref<9x32x32xf32, #tpu.memory_space<vmem>>, vector<1x32x32xf32>
    %get3A_51 = vector.shape_cast %get3A_50 : vector<1x32x32xf32> to vector<32x32xf32>
    %add3A_52 = arith.addf %get3A_46, %get3A_51 : vector<32x32xf32>
    %get3A_53 = arith.constant 4 : index
    %get3A_54 = arith.constant 0 : index
    %get3A_55 = arith.constant 0 : index
    %get3A_56 = vector.load %arg5[%get3A_53, %get3A_54, %get3A_55] : memref<9x32x32xf32, #tpu.memory_space<vmem>>, vector<1x32x32xf32>
    %get3A_57 = vector.shape_cast %get3A_56 : vector<1x32x32xf32> to vector<32x32xf32>
    %get3A_58 = arith.constant 4 : index
    %get3A_59 = arith.constant 0 : index
    %get3A_60 = arith.constant 0 : index
    %get3A_61 = vector.load %arg6[%get3A_58, %get3A_59, %get3A_60] : memref<9x32x32xf32, #tpu.memory_space<vmem>>, vector<1x32x32xf32>
    %get3A_62 = vector.shape_cast %get3A_61 : vector<1x32x32xf32> to vector<32x32xf32>
    %add3A_63 = arith.addf %get3A_57, %get3A_62 : vector<32x32xf32>
    %get3A_64 = arith.constant 5 : index
    %get3A_65 = arith.constant 0 : index
    %get3A_66 = arith.constant 0 : index
    %get3A_67 = vector.load %arg5[%get3A_64, %get3A_65, %get3A_66] : memref<9x32x32xf32, #tpu.memory_space<vmem>>, vector<1x32x32xf32>
    %get3A_68 = vector.shape_cast %get3A_67 : vector<1x32x32xf32> to vector<32x32xf32>
    %get3A_69 = arith.constant 5 : index
    %get3A_70 = arith.constant 0 : index
    %get3A_71 = arith.constant 0 : index
    %get3A_72 = vector.load %arg6[%get3A_69, %get3A_70, %get3A_71] : memref<9x32x32xf32, #tpu.memory_space<vmem>>, vector<1x32x32xf32>
    %get3A_73 = vector.shape_cast %get3A_72 : vector<1x32x32xf32> to vector<32x32xf32>
    %add3A_74 = arith.addf %get3A_68, %get3A_73 : vector<32x32xf32>
    %get3A_75 = arith.constant 6 : index
    %get3A_76 = arith.constant 0 : index
    %get3A_77 = arith.constant 0 : index
    %get3A_78 = vector.load %arg5[%get3A_75, %get3A_76, %get3A_77] : memref<9x32x32xf32, #tpu.memory_space<vmem>>, vector<1x32x32xf32>
    %get3A_79 = vector.shape_cast %get3A_78 : vector<1x32x32xf32> to vector<32x32xf32>
    %get3A_80 = arith.constant 6 : index
    %get3A_81 = arith.constant 0 : index
    %get3A_82 = arith.constant 0 : index
    %get3A_83 = vector.load %arg6[%get3A_80, %get3A_81, %get3A_82] : memref<9x32x32xf32, #tpu.memory_space<vmem>>, vector<1x32x32xf32>
    %get3A_84 = vector.shape_cast %get3A_83 : vector<1x32x32xf32> to vector<32x32xf32>
    %add3A_85 = arith.addf %get3A_79, %get3A_84 : vector<32x32xf32>
    %get3A_86 = arith.constant 7 : index
    %get3A_87 = arith.constant 0 : index
    %get3A_88 = arith.constant 0 : index
    %get3A_89 = vector.load %arg5[%get3A_86, %get3A_87, %get3A_88] : memref<9x32x32xf32, #tpu.memory_space<vmem>>, vector<1x32x32xf32>
    %get3A_90 = vector.shape_cast %get3A_89 : vector<1x32x32xf32> to vector<32x32xf32>
    %get3A_91 = arith.constant 7 : index
    %get3A_92 = arith.constant 0 : index
    %get3A_93 = arith.constant 0 : index
    %get3A_94 = vector.load %arg6[%get3A_91, %get3A_92, %get3A_93] : memref<9x32x32xf32, #tpu.memory_space<vmem>>, vector<1x32x32xf32>
    %get3A_95 = vector.shape_cast %get3A_94 : vector<1x32x32xf32> to vector<32x32xf32>
    %add3A_96 = arith.addf %get3A_90, %get3A_95 : vector<32x32xf32>
    %get3A_97 = arith.constant 8 : index
    %get3A_98 = arith.constant 0 : index
    %get3A_99 = arith.constant 0 : index
    %get3A_100 = vector.load %arg5[%get3A_97, %get3A_98, %get3A_99] : memref<9x32x32xf32, #tpu.memory_space<vmem>>, vector<1x32x32xf32>
    %get3A_101 = vector.shape_cast %get3A_100 : vector<1x32x32xf32> to vector<32x32xf32>
    %get3A_102 = arith.constant 8 : index
    %get3A_103 = arith.constant 0 : index
    %get3A_104 = arith.constant 0 : index
    %get3A_105 = vector.load %arg6[%get3A_102, %get3A_103, %get3A_104] : memref<9x32x32xf32, #tpu.memory_space<vmem>>, vector<1x32x32xf32>
    %get3A_106 = vector.shape_cast %get3A_105 : vector<1x32x32xf32> to vector<32x32xf32>
    %add3A_107 = arith.addf %get3A_101, %get3A_106 : vector<32x32xf32>
    %concatenate3A = tpu.concatenate %add3A_19, %add3A_30, %add3A_41, %add3A_52, %add3A_63, %add3A_74, %add3A_85, %add3A_96, %add3A_107 in 0 : vector<32x32xf32>, vector<32x32xf32>, vector<32x32xf32>, vector<32x32xf32>, vector<32x32xf32>, vector<32x32xf32>, vector<32x32xf32>, vector<32x32xf32>, vector<32x32xf32> -> vector<288x32xf32>
    %get3A_108 = arith.constant 0 : index
    %get3A_109 = arith.constant 0 : index
    %get3A_110 = vector.load %arg4[%get3A_108, %get3A_109] : memref<3128x4xi32, #tpu.memory_space<vmem>>, vector<3128x4xi32>
    %iota3A = tpu.iota {dimensions = array<i32: 1>} : vector<4x128xi32>
    %jit3A = arith.constant 32 : i32
    %div3A = vector.broadcast %jit3A : i32 to vector<4x128xi32>
    %div3A_111 = arith.divsi %iota3A, %div3A : vector<4x128xi32>
    %sign3A = arith.constant 0 : i32
    %sign3A_112 = vector.broadcast %sign3A : i32 to vector<4x128xi32>
    %sign3A_113 = arith.cmpi sgt, %iota3A, %sign3A_112 : vector<4x128xi32>
    %sign3A_114 = arith.extui %sign3A_113 : vector<4x128xi1> to vector<4x128xi32>
    %sign3A_115 = arith.constant 0 : i32
    %sign3A_116 = vector.broadcast %sign3A_115 : i32 to vector<4x128xi32>
    %sign3A_117 = arith.cmpi slt, %iota3A, %sign3A_116 : vector<4x128xi32>
    %sign3A_118 = arith.extui %sign3A_117 : vector<4x128xi1> to vector<4x128xi32>
    %sign3A_119 = arith.subi %sign3A_114, %sign3A_118 : vector<4x128xi32>
    %sign3A_120 = arith.constant 0 : i32
    %sign3A_121 = arith.cmpi sgt, %jit3A, %sign3A_120 : i32
    %sign3A_122 = arith.extui %sign3A_121 : i1 to i32
    %sign3A_123 = arith.constant 0 : i32
    %sign3A_124 = arith.cmpi slt, %jit3A, %sign3A_123 : i32
    %sign3A_125 = arith.extui %sign3A_124 : i1 to i32
    %sign3A_126 = arith.subi %sign3A_122, %sign3A_125 : i32
    %ne3A = vector.broadcast %sign3A_126 : i32 to vector<4x128xi32>
    %ne3A_127 = arith.cmpi ne, %sign3A_119, %ne3A : vector<4x128xi32>
    %rem3A = vector.broadcast %jit3A : i32 to vector<4x128xi32>
    %rem3A_128 = arith.remsi %iota3A, %rem3A : vector<4x128xi32>
    %ne3A_129 = arith.constant 0 : i32
    %ne3A_130 = vector.broadcast %ne3A_129 : i32 to vector<4x128xi32>
    %ne3A_131 = arith.cmpi ne, %rem3A_128, %ne3A_130 : vector<4x128xi32>
    %and3A = arith.andi %ne3A_127, %ne3A_131 : vector<4x128xi1>
    %sub3A = arith.constant 1 : i32
    %sub3A_132 = vector.broadcast %sub3A : i32 to vector<4x128xi32>
    %sub3A_133 = arith.subi %div3A_111, %sub3A_132 : vector<4x128xi32>
    %select_n3A = arith.select %and3A, %sub3A_133, %div3A_111 : vector<4x128xi1>, vector<4x128xi32>
    %iota3A_134 = tpu.iota {dimensions = array<i32: 0>} : vector<4x128xi32>
    %eq3A = arith.cmpi eq, %select_n3A, %iota3A_134 : vector<4x128xi32>
    %convert_element_type3A = arith.extui %eq3A : vector<4x128xi1> to vector<4x128xi32>
    %convert_element_type3A_135 = arith.sitofp %convert_element_type3A : vector<4x128xi32> to vector<4x128xf32>
    %rem3A_136 = arith.constant 9 : i32
    %rem3A_137 = vector.broadcast %rem3A_136 : i32 to vector<3128x4xi32>
    %rem3A_138 = arith.remsi %get3A_110, %rem3A_137 : vector<3128x4xi32>
    %convert_element_type3A_139 = arith.sitofp %rem3A_138 : vector<3128x4xi32> to vector<3128x4xf32>
    %dot_general3A = arith.constant dense<0.000000e+00> : vector<3128x128xf32>
    %dot_general3A_140 = tpu.matmul %convert_element_type3A_139, %convert_element_type3A_135, %dot_general3A {dimension_numbers = #tpu.dot_dimension_numbers<[1], [0], [0], [1], [0, 0, 1, 1], [], []>, transpose_lhs_hint = false} : vector<3128x4xf32>, vector<4x128xf32>, vector<3128x128xf32> -> vector<3128x128xf32>
    %iota3A_141 = tpu.iota {dimensions = array<i32: 1>} : vector<1x1152xi32>
    %jit3A_142 = arith.constant 128 : i32
    %div3A_143 = vector.broadcast %jit3A_142 : i32 to vector<1x1152xi32>
    %div3A_144 = arith.divsi %iota3A_141, %div3A_143 : vector<1x1152xi32>
    %sign3A_145 = arith.constant 0 : i32
    %sign3A_146 = vector.broadcast %sign3A_145 : i32 to vector<1x1152xi32>
    %sign3A_147 = arith.cmpi sgt, %iota3A_141, %sign3A_146 : vector<1x1152xi32>
    %sign3A_148 = arith.extui %sign3A_147 : vector<1x1152xi1> to vector<1x1152xi32>
    %sign3A_149 = arith.constant 0 : i32
    %sign3A_150 = vector.broadcast %sign3A_149 : i32 to vector<1x1152xi32>
    %sign3A_151 = arith.cmpi slt, %iota3A_141, %sign3A_150 : vector<1x1152xi32>
    %sign3A_152 = arith.extui %sign3A_151 : vector<1x1152xi1> to vector<1x1152xi32>
    %sign3A_153 = arith.subi %sign3A_148, %sign3A_152 : vector<1x1152xi32>
    %sign3A_154 = arith.constant 0 : i32
    %sign3A_155 = arith.cmpi sgt, %jit3A_142, %sign3A_154 : i32
    %sign3A_156 = arith.extui %sign3A_155 : i1 to i32
    %sign3A_157 = arith.constant 0 : i32
    %sign3A_158 = arith.cmpi slt, %jit3A_142, %sign3A_157 : i32
    %sign3A_159 = arith.extui %sign3A_158 : i1 to i32
    %sign3A_160 = arith.subi %sign3A_156, %sign3A_159 : i32
    %ne3A_161 = vector.broadcast %sign3A_160 : i32 to vector<1x1152xi32>
    %ne3A_162 = arith.cmpi ne, %sign3A_153, %ne3A_161 : vector<1x1152xi32>
    %rem3A_163 = vector.broadcast %jit3A_142 : i32 to vector<1x1152xi32>
    %rem3A_164 = arith.remsi %iota3A_141, %rem3A_163 : vector<1x1152xi32>
    %ne3A_165 = arith.constant 0 : i32
    %ne3A_166 = vector.broadcast %ne3A_165 : i32 to vector<1x1152xi32>
    %ne3A_167 = arith.cmpi ne, %rem3A_164, %ne3A_166 : vector<1x1152xi32>
    %and3A_168 = arith.andi %ne3A_162, %ne3A_167 : vector<1x1152xi1>
    %sub3A_169 = arith.constant 1 : i32
    %sub3A_170 = vector.broadcast %sub3A_169 : i32 to vector<1x1152xi32>
    %sub3A_171 = arith.subi %div3A_144, %sub3A_170 : vector<1x1152xi32>
    %select_n3A_172 = arith.select %and3A_168, %sub3A_171, %div3A_144 : vector<1x1152xi1>, vector<1x1152xi32>
    %convert_element_type3A_173 = arith.sitofp %select_n3A_172 : vector<1x1152xi32> to vector<1x1152xf32>
    %tile3A = tpu.concatenate %dot_general3A_140, %dot_general3A_140, %dot_general3A_140, %dot_general3A_140, %dot_general3A_140, %dot_general3A_140, %dot_general3A_140, %dot_general3A_140, %dot_general3A_140 in 1 : vector<3128x128xf32>, vector<3128x128xf32>, vector<3128x128xf32>, vector<3128x128xf32>, vector<3128x128xf32>, vector<3128x128xf32>, vector<3128x128xf32>, vector<3128x128xf32>, vector<3128x128xf32> -> vector<3128x1152xf32>
    %eq3A_174 = vector.broadcast %convert_element_type3A_173 : vector<1x1152xf32> to vector<3128x1152xf32>
    %eq3A_175 = arith.cmpf oeq, %tile3A, %eq3A_174 : vector<3128x1152xf32>
    %convert_element_type3A_176 = arith.extui %eq3A_175 : vector<3128x1152xi1> to vector<3128x1152xi32>
    %convert_element_type3A_177 = arith.sitofp %convert_element_type3A_176 : vector<3128x1152xi32> to vector<3128x1152xf32>
    %tile3A_178 = tpu.concatenate %add3A, %add3A, %add3A, %add3A, %add3A, %add3A, %add3A, %add3A, %add3A in 1 : vector<3128x128xf32>, vector<3128x128xf32>, vector<3128x128xf32>, vector<3128x128xf32>, vector<3128x128xf32>, vector<3128x128xf32>, vector<3128x128xf32>, vector<3128x128xf32>, vector<3128x128xf32> -> vector<3128x1152xf32>
    %mul3A = arith.mulf %tile3A_178, %convert_element_type3A_177 : vector<3128x1152xf32>
    %slice3A = vector.extract_strided_slice %concatenate3A {offsets = [0, 0], sizes = [32, 32], strides = [1, 1]} : vector<288x32xf32> to vector<32x32xf32>
    %tile3A_179 = tpu.concatenate %slice3A, %slice3A, %slice3A, %slice3A in 0 : vector<32x32xf32>, vector<32x32xf32>, vector<32x32xf32>, vector<32x32xf32> -> vector<128x32xf32>
    %tile3A_180 = tpu.concatenate %tile3A_179, %tile3A_179, %tile3A_179, %tile3A_179 in 1 : vector<128x32xf32>, vector<128x32xf32>, vector<128x32xf32>, vector<128x32xf32> -> vector<128x128xf32>
    %iota3A_181 = tpu.iota {dimensions = array<i32: 0>} : vector<128x128xi32>
    %jit3A_182 = arith.constant 32 : i32
    %div3A_183 = vector.broadcast %jit3A_182 : i32 to vector<128x128xi32>
    %div3A_184 = arith.divsi %iota3A_181, %div3A_183 : vector<128x128xi32>
    %sign3A_185 = arith.constant 0 : i32
    %sign3A_186 = vector.broadcast %sign3A_185 : i32 to vector<128x128xi32>
    %sign3A_187 = arith.cmpi sgt, %iota3A_181, %sign3A_186 : vector<128x128xi32>
    %sign3A_188 = arith.extui %sign3A_187 : vector<128x128xi1> to vector<128x128xi32>
    %sign3A_189 = arith.constant 0 : i32
    %sign3A_190 = vector.broadcast %sign3A_189 : i32 to vector<128x128xi32>
    %sign3A_191 = arith.cmpi slt, %iota3A_181, %sign3A_190 : vector<128x128xi32>
    %sign3A_192 = arith.extui %sign3A_191 : vector<128x128xi1> to vector<128x128xi32>
    %sign3A_193 = arith.subi %sign3A_188, %sign3A_192 : vector<128x128xi32>
    %sign3A_194 = arith.constant 0 : i32
    %sign3A_195 = arith.cmpi sgt, %jit3A_182, %sign3A_194 : i32
    %sign3A_196 = arith.extui %sign3A_195 : i1 to i32
    %sign3A_197 = arith.constant 0 : i32
    %sign3A_198 = arith.cmpi slt, %jit3A_182, %sign3A_197 : i32
    %sign3A_199 = arith.extui %sign3A_198 : i1 to i32
    %sign3A_200 = arith.subi %sign3A_196, %sign3A_199 : i32
    %ne3A_201 = vector.broadcast %sign3A_200 : i32 to vector<128x128xi32>
    %ne3A_202 = arith.cmpi ne, %sign3A_193, %ne3A_201 : vector<128x128xi32>
    %rem3A_203 = vector.broadcast %jit3A_182 : i32 to vector<128x128xi32>
    %rem3A_204 = arith.remsi %iota3A_181, %rem3A_203 : vector<128x128xi32>
    %ne3A_205 = arith.constant 0 : i32
    %ne3A_206 = vector.broadcast %ne3A_205 : i32 to vector<128x128xi32>
    %ne3A_207 = arith.cmpi ne, %rem3A_204, %ne3A_206 : vector<128x128xi32>
    %and3A_208 = arith.andi %ne3A_202, %ne3A_207 : vector<128x128xi1>
    %sub3A_209 = arith.constant 1 : i32
    %sub3A_210 = vector.broadcast %sub3A_209 : i32 to vector<128x128xi32>
    %sub3A_211 = arith.subi %div3A_184, %sub3A_210 : vector<128x128xi32>
    %select_n3A_212 = arith.select %and3A_208, %sub3A_211, %div3A_184 : vector<128x128xi1>, vector<128x128xi32>
    %iota3A_213 = tpu.iota {dimensions = array<i32: 1>} : vector<128x128xi32>
    %jit3A_214 = arith.constant 32 : i32
    %div3A_215 = vector.broadcast %jit3A_214 : i32 to vector<128x128xi32>
    %div3A_216 = arith.divsi %iota3A_213, %div3A_215 : vector<128x128xi32>
    %sign3A_217 = arith.constant 0 : i32
    %sign3A_218 = vector.broadcast %sign3A_217 : i32 to vector<128x128xi32>
    %sign3A_219 = arith.cmpi sgt, %iota3A_213, %sign3A_218 : vector<128x128xi32>
    %sign3A_220 = arith.extui %sign3A_219 : vector<128x128xi1> to vector<128x128xi32>
    %sign3A_221 = arith.constant 0 : i32
    %sign3A_222 = vector.broadcast %sign3A_221 : i32 to vector<128x128xi32>
    %sign3A_223 = arith.cmpi slt, %iota3A_213, %sign3A_222 : vector<128x128xi32>
    %sign3A_224 = arith.extui %sign3A_223 : vector<128x128xi1> to vector<128x128xi32>
    %sign3A_225 = arith.subi %sign3A_220, %sign3A_224 : vector<128x128xi32>
    %sign3A_226 = arith.constant 0 : i32
    %sign3A_227 = arith.cmpi sgt, %jit3A_214, %sign3A_226 : i32
    %sign3A_228 = arith.extui %sign3A_227 : i1 to i32
    %sign3A_229 = arith.constant 0 : i32
    %sign3A_230 = arith.cmpi slt, %jit3A_214, %sign3A_229 : i32
    %sign3A_231 = arith.extui %sign3A_230 : i1 to i32
    %sign3A_232 = arith.subi %sign3A_228, %sign3A_231 : i32
    %ne3A_233 = vector.broadcast %sign3A_232 : i32 to vector<128x128xi32>
    %ne3A_234 = arith.cmpi ne, %sign3A_225, %ne3A_233 : vector<128x128xi32>
    %rem3A_235 = vector.broadcast %jit3A_214 : i32 to vector<128x128xi32>
    %rem3A_236 = arith.remsi %iota3A_213, %rem3A_235 : vector<128x128xi32>
    %ne3A_237 = arith.constant 0 : i32
    %ne3A_238 = vector.broadcast %ne3A_237 : i32 to vector<128x128xi32>
    %ne3A_239 = arith.cmpi ne, %rem3A_236, %ne3A_238 : vector<128x128xi32>
    %and3A_240 = arith.andi %ne3A_234, %ne3A_239 : vector<128x128xi1>
    %sub3A_241 = arith.constant 1 : i32
    %sub3A_242 = vector.broadcast %sub3A_241 : i32 to vector<128x128xi32>
    %sub3A_243 = arith.subi %div3A_216, %sub3A_242 : vector<128x128xi32>
    %select_n3A_244 = arith.select %and3A_240, %sub3A_243, %div3A_216 : vector<128x128xi1>, vector<128x128xi32>
    %eq3A_245 = arith.cmpi eq, %select_n3A_212, %select_n3A_244 : vector<128x128xi32>
    %convert_element_type3A_246 = arith.extui %eq3A_245 : vector<128x128xi1> to vector<128x128xi32>
    %convert_element_type3A_247 = arith.sitofp %convert_element_type3A_246 : vector<128x128xi32> to vector<128x128xf32>
    %mul3A_248 = arith.mulf %tile3A_180, %convert_element_type3A_247 : vector<128x128xf32>
    %slice3A_249 = vector.extract_strided_slice %concatenate3A {offsets = [32, 0], sizes = [32, 32], strides = [1, 1]} : vector<288x32xf32> to vector<32x32xf32>
    %tile3A_250 = tpu.concatenate %slice3A_249, %slice3A_249, %slice3A_249, %slice3A_249 in 0 : vector<32x32xf32>, vector<32x32xf32>, vector<32x32xf32>, vector<32x32xf32> -> vector<128x32xf32>
    %tile3A_251 = tpu.concatenate %tile3A_250, %tile3A_250, %tile3A_250, %tile3A_250 in 1 : vector<128x32xf32>, vector<128x32xf32>, vector<128x32xf32>, vector<128x32xf32> -> vector<128x128xf32>
    %iota3A_252 = tpu.iota {dimensions = array<i32: 0>} : vector<128x128xi32>
    %jit3A_253 = arith.constant 32 : i32
    %div3A_254 = vector.broadcast %jit3A_253 : i32 to vector<128x128xi32>
    %div3A_255 = arith.divsi %iota3A_252, %div3A_254 : vector<128x128xi32>
    %sign3A_256 = arith.constant 0 : i32
    %sign3A_257 = vector.broadcast %sign3A_256 : i32 to vector<128x128xi32>
    %sign3A_258 = arith.cmpi sgt, %iota3A_252, %sign3A_257 : vector<128x128xi32>
    %sign3A_259 = arith.extui %sign3A_258 : vector<128x128xi1> to vector<128x128xi32>
    %sign3A_260 = arith.constant 0 : i32
    %sign3A_261 = vector.broadcast %sign3A_260 : i32 to vector<128x128xi32>
    %sign3A_262 = arith.cmpi slt, %iota3A_252, %sign3A_261 : vector<128x128xi32>
    %sign3A_263 = arith.extui %sign3A_262 : vector<128x128xi1> to vector<128x128xi32>
    %sign3A_264 = arith.subi %sign3A_259, %sign3A_263 : vector<128x128xi32>
    %sign3A_265 = arith.constant 0 : i32
    %sign3A_266 = arith.cmpi sgt, %jit3A_253, %sign3A_265 : i32
    %sign3A_267 = arith.extui %sign3A_266 : i1 to i32
    %sign3A_268 = arith.constant 0 : i32
    %sign3A_269 = arith.cmpi slt, %jit3A_253, %sign3A_268 : i32
    %sign3A_270 = arith.extui %sign3A_269 : i1 to i32
    %sign3A_271 = arith.subi %sign3A_267, %sign3A_270 : i32
    %ne3A_272 = vector.broadcast %sign3A_271 : i32 to vector<128x128xi32>
    %ne3A_273 = arith.cmpi ne, %sign3A_264, %ne3A_272 : vector<128x128xi32>
    %rem3A_274 = vector.broadcast %jit3A_253 : i32 to vector<128x128xi32>
    %rem3A_275 = arith.remsi %iota3A_252, %rem3A_274 : vector<128x128xi32>
    %ne3A_276 = arith.constant 0 : i32
    %ne3A_277 = vector.broadcast %ne3A_276 : i32 to vector<128x128xi32>
    %ne3A_278 = arith.cmpi ne, %rem3A_275, %ne3A_277 : vector<128x128xi32>
    %and3A_279 = arith.andi %ne3A_273, %ne3A_278 : vector<128x128xi1>
    %sub3A_280 = arith.constant 1 : i32
    %sub3A_281 = vector.broadcast %sub3A_280 : i32 to vector<128x128xi32>
    %sub3A_282 = arith.subi %div3A_255, %sub3A_281 : vector<128x128xi32>
    %select_n3A_283 = arith.select %and3A_279, %sub3A_282, %div3A_255 : vector<128x128xi1>, vector<128x128xi32>
    %iota3A_284 = tpu.iota {dimensions = array<i32: 1>} : vector<128x128xi32>
    %jit3A_285 = arith.constant 32 : i32
    %div3A_286 = vector.broadcast %jit3A_285 : i32 to vector<128x128xi32>
    %div3A_287 = arith.divsi %iota3A_284, %div3A_286 : vector<128x128xi32>
    %sign3A_288 = arith.constant 0 : i32
    %sign3A_289 = vector.broadcast %sign3A_288 : i32 to vector<128x128xi32>
    %sign3A_290 = arith.cmpi sgt, %iota3A_284, %sign3A_289 : vector<128x128xi32>
    %sign3A_291 = arith.extui %sign3A_290 : vector<128x128xi1> to vector<128x128xi32>
    %sign3A_292 = arith.constant 0 : i32
    %sign3A_293 = vector.broadcast %sign3A_292 : i32 to vector<128x128xi32>
    %sign3A_294 = arith.cmpi slt, %iota3A_284, %sign3A_293 : vector<128x128xi32>
    %sign3A_295 = arith.extui %sign3A_294 : vector<128x128xi1> to vector<128x128xi32>
    %sign3A_296 = arith.subi %sign3A_291, %sign3A_295 : vector<128x128xi32>
    %sign3A_297 = arith.constant 0 : i32
    %sign3A_298 = arith.cmpi sgt, %jit3A_285, %sign3A_297 : i32
    %sign3A_299 = arith.extui %sign3A_298 : i1 to i32
    %sign3A_300 = arith.constant 0 : i32
    %sign3A_301 = arith.cmpi slt, %jit3A_285, %sign3A_300 : i32
    %sign3A_302 = arith.extui %sign3A_301 : i1 to i32
    %sign3A_303 = arith.subi %sign3A_299, %sign3A_302 : i32
    %ne3A_304 = vector.broadcast %sign3A_303 : i32 to vector<128x128xi32>
    %ne3A_305 = arith.cmpi ne, %sign3A_296, %ne3A_304 : vector<128x128xi32>
    %rem3A_306 = vector.broadcast %jit3A_285 : i32 to vector<128x128xi32>
    %rem3A_307 = arith.remsi %iota3A_284, %rem3A_306 : vector<128x128xi32>
    %ne3A_308 = arith.constant 0 : i32
    %ne3A_309 = vector.broadcast %ne3A_308 : i32 to vector<128x128xi32>
    %ne3A_310 = arith.cmpi ne, %rem3A_307, %ne3A_309 : vector<128x128xi32>
    %and3A_311 = arith.andi %ne3A_305, %ne3A_310 : vector<128x128xi1>
    %sub3A_312 = arith.constant 1 : i32
    %sub3A_313 = vector.broadcast %sub3A_312 : i32 to vector<128x128xi32>
    %sub3A_314 = arith.subi %div3A_287, %sub3A_313 : vector<128x128xi32>
    %select_n3A_315 = arith.select %and3A_311, %sub3A_314, %div3A_287 : vector<128x128xi1>, vector<128x128xi32>
    %eq3A_316 = arith.cmpi eq, %select_n3A_283, %select_n3A_315 : vector<128x128xi32>
    %convert_element_type3A_317 = arith.extui %eq3A_316 : vector<128x128xi1> to vector<128x128xi32>
    %convert_element_type3A_318 = arith.sitofp %convert_element_type3A_317 : vector<128x128xi32> to vector<128x128xf32>
    %mul3A_319 = arith.mulf %tile3A_251, %convert_element_type3A_318 : vector<128x128xf32>
    %slice3A_320 = vector.extract_strided_slice %concatenate3A {offsets = [64, 0], sizes = [32, 32], strides = [1, 1]} : vector<288x32xf32> to vector<32x32xf32>
    %tile3A_321 = tpu.concatenate %slice3A_320, %slice3A_320, %slice3A_320, %slice3A_320 in 0 : vector<32x32xf32>, vector<32x32xf32>, vector<32x32xf32>, vector<32x32xf32> -> vector<128x32xf32>
    %tile3A_322 = tpu.concatenate %tile3A_321, %tile3A_321, %tile3A_321, %tile3A_321 in 1 : vector<128x32xf32>, vector<128x32xf32>, vector<128x32xf32>, vector<128x32xf32> -> vector<128x128xf32>
    %iota3A_323 = tpu.iota {dimensions = array<i32: 0>} : vector<128x128xi32>
    %jit3A_324 = arith.constant 32 : i32
    %div3A_325 = vector.broadcast %jit3A_324 : i32 to vector<128x128xi32>
    %div3A_326 = arith.divsi %iota3A_323, %div3A_325 : vector<128x128xi32>
    %sign3A_327 = arith.constant 0 : i32
    %sign3A_328 = vector.broadcast %sign3A_327 : i32 to vector<128x128xi32>
    %sign3A_329 = arith.cmpi sgt, %iota3A_323, %sign3A_328 : vector<128x128xi32>
    %sign3A_330 = arith.extui %sign3A_329 : vector<128x128xi1> to vector<128x128xi32>
    %sign3A_331 = arith.constant 0 : i32
    %sign3A_332 = vector.broadcast %sign3A_331 : i32 to vector<128x128xi32>
    %sign3A_333 = arith.cmpi slt, %iota3A_323, %sign3A_332 : vector<128x128xi32>
    %sign3A_334 = arith.extui %sign3A_333 : vector<128x128xi1> to vector<128x128xi32>
    %sign3A_335 = arith.subi %sign3A_330, %sign3A_334 : vector<128x128xi32>
    %sign3A_336 = arith.constant 0 : i32
    %sign3A_337 = arith.cmpi sgt, %jit3A_324, %sign3A_336 : i32
    %sign3A_338 = arith.extui %sign3A_337 : i1 to i32
    %sign3A_339 = arith.constant 0 : i32
    %sign3A_340 = arith.cmpi slt, %jit3A_324, %sign3A_339 : i32
    %sign3A_341 = arith.extui %sign3A_340 : i1 to i32
    %sign3A_342 = arith.subi %sign3A_338, %sign3A_341 : i32
    %ne3A_343 = vector.broadcast %sign3A_342 : i32 to vector<128x128xi32>
    %ne3A_344 = arith.cmpi ne, %sign3A_335, %ne3A_343 : vector<128x128xi32>
    %rem3A_345 = vector.broadcast %jit3A_324 : i32 to vector<128x128xi32>
    %rem3A_346 = arith.remsi %iota3A_323, %rem3A_345 : vector<128x128xi32>
    %ne3A_347 = arith.constant 0 : i32
    %ne3A_348 = vector.broadcast %ne3A_347 : i32 to vector<128x128xi32>
    %ne3A_349 = arith.cmpi ne, %rem3A_346, %ne3A_348 : vector<128x128xi32>
    %and3A_350 = arith.andi %ne3A_344, %ne3A_349 : vector<128x128xi1>
    %sub3A_351 = arith.constant 1 : i32
    %sub3A_352 = vector.broadcast %sub3A_351 : i32 to vector<128x128xi32>
    %sub3A_353 = arith.subi %div3A_326, %sub3A_352 : vector<128x128xi32>
    %select_n3A_354 = arith.select %and3A_350, %sub3A_353, %div3A_326 : vector<128x128xi1>, vector<128x128xi32>
    %iota3A_355 = tpu.iota {dimensions = array<i32: 1>} : vector<128x128xi32>
    %jit3A_356 = arith.constant 32 : i32
    %div3A_357 = vector.broadcast %jit3A_356 : i32 to vector<128x128xi32>
    %div3A_358 = arith.divsi %iota3A_355, %div3A_357 : vector<128x128xi32>
    %sign3A_359 = arith.constant 0 : i32
    %sign3A_360 = vector.broadcast %sign3A_359 : i32 to vector<128x128xi32>
    %sign3A_361 = arith.cmpi sgt, %iota3A_355, %sign3A_360 : vector<128x128xi32>
    %sign3A_362 = arith.extui %sign3A_361 : vector<128x128xi1> to vector<128x128xi32>
    %sign3A_363 = arith.constant 0 : i32
    %sign3A_364 = vector.broadcast %sign3A_363 : i32 to vector<128x128xi32>
    %sign3A_365 = arith.cmpi slt, %iota3A_355, %sign3A_364 : vector<128x128xi32>
    %sign3A_366 = arith.extui %sign3A_365 : vector<128x128xi1> to vector<128x128xi32>
    %sign3A_367 = arith.subi %sign3A_362, %sign3A_366 : vector<128x128xi32>
    %sign3A_368 = arith.constant 0 : i32
    %sign3A_369 = arith.cmpi sgt, %jit3A_356, %sign3A_368 : i32
    %sign3A_370 = arith.extui %sign3A_369 : i1 to i32
    %sign3A_371 = arith.constant 0 : i32
    %sign3A_372 = arith.cmpi slt, %jit3A_356, %sign3A_371 : i32
    %sign3A_373 = arith.extui %sign3A_372 : i1 to i32
    %sign3A_374 = arith.subi %sign3A_370, %sign3A_373 : i32
    %ne3A_375 = vector.broadcast %sign3A_374 : i32 to vector<128x128xi32>
    %ne3A_376 = arith.cmpi ne, %sign3A_367, %ne3A_375 : vector<128x128xi32>
    %rem3A_377 = vector.broadcast %jit3A_356 : i32 to vector<128x128xi32>
    %rem3A_378 = arith.remsi %iota3A_355, %rem3A_377 : vector<128x128xi32>
    %ne3A_379 = arith.constant 0 : i32
    %ne3A_380 = vector.broadcast %ne3A_379 : i32 to vector<128x128xi32>
    %ne3A_381 = arith.cmpi ne, %rem3A_378, %ne3A_380 : vector<128x128xi32>
    %and3A_382 = arith.andi %ne3A_376, %ne3A_381 : vector<128x128xi1>
    %sub3A_383 = arith.constant 1 : i32
    %sub3A_384 = vector.broadcast %sub3A_383 : i32 to vector<128x128xi32>
    %sub3A_385 = arith.subi %div3A_358, %sub3A_384 : vector<128x128xi32>
    %select_n3A_386 = arith.select %and3A_382, %sub3A_385, %div3A_358 : vector<128x128xi1>, vector<128x128xi32>
    %eq3A_387 = arith.cmpi eq, %select_n3A_354, %select_n3A_386 : vector<128x128xi32>
    %convert_element_type3A_388 = arith.extui %eq3A_387 : vector<128x128xi1> to vector<128x128xi32>
    %convert_element_type3A_389 = arith.sitofp %convert_element_type3A_388 : vector<128x128xi32> to vector<128x128xf32>
    %mul3A_390 = arith.mulf %tile3A_322, %convert_element_type3A_389 : vector<128x128xf32>
    %slice3A_391 = vector.extract_strided_slice %concatenate3A {offsets = [96, 0], sizes = [32, 32], strides = [1, 1]} : vector<288x32xf32> to vector<32x32xf32>
    %tile3A_392 = tpu.concatenate %slice3A_391, %slice3A_391, %slice3A_391, %slice3A_391 in 0 : vector<32x32xf32>, vector<32x32xf32>, vector<32x32xf32>, vector<32x32xf32> -> vector<128x32xf32>
    %tile3A_393 = tpu.concatenate %tile3A_392, %tile3A_392, %tile3A_392, %tile3A_392 in 1 : vector<128x32xf32>, vector<128x32xf32>, vector<128x32xf32>, vector<128x32xf32> -> vector<128x128xf32>
    %iota3A_394 = tpu.iota {dimensions = array<i32: 0>} : vector<128x128xi32>
    %jit3A_395 = arith.constant 32 : i32
    %div3A_396 = vector.broadcast %jit3A_395 : i32 to vector<128x128xi32>
    %div3A_397 = arith.divsi %iota3A_394, %div3A_396 : vector<128x128xi32>
    %sign3A_398 = arith.constant 0 : i32
    %sign3A_399 = vector.broadcast %sign3A_398 : i32 to vector<128x128xi32>
    %sign3A_400 = arith.cmpi sgt, %iota3A_394, %sign3A_399 : vector<128x128xi32>
    %sign3A_401 = arith.extui %sign3A_400 : vector<128x128xi1> to vector<128x128xi32>
    %sign3A_402 = arith.constant 0 : i32
    %sign3A_403 = vector.broadcast %sign3A_402 : i32 to vector<128x128xi32>
    %sign3A_404 = arith.cmpi slt, %iota3A_394, %sign3A_403 : vector<128x128xi32>
    %sign3A_405 = arith.extui %sign3A_404 : vector<128x128xi1> to vector<128x128xi32>
    %sign3A_406 = arith.subi %sign3A_401, %sign3A_405 : vector<128x128xi32>
    %sign3A_407 = arith.constant 0 : i32
    %sign3A_408 = arith.cmpi sgt, %jit3A_395, %sign3A_407 : i32
    %sign3A_409 = arith.extui %sign3A_408 : i1 to i32
    %sign3A_410 = arith.constant 0 : i32
    %sign3A_411 = arith.cmpi slt, %jit3A_395, %sign3A_410 : i32
    %sign3A_412 = arith.extui %sign3A_411 : i1 to i32
    %sign3A_413 = arith.subi %sign3A_409, %sign3A_412 : i32
    %ne3A_414 = vector.broadcast %sign3A_413 : i32 to vector<128x128xi32>
    %ne3A_415 = arith.cmpi ne, %sign3A_406, %ne3A_414 : vector<128x128xi32>
    %rem3A_416 = vector.broadcast %jit3A_395 : i32 to vector<128x128xi32>
    %rem3A_417 = arith.remsi %iota3A_394, %rem3A_416 : vector<128x128xi32>
    %ne3A_418 = arith.constant 0 : i32
    %ne3A_419 = vector.broadcast %ne3A_418 : i32 to vector<128x128xi32>
    %ne3A_420 = arith.cmpi ne, %rem3A_417, %ne3A_419 : vector<128x128xi32>
    %and3A_421 = arith.andi %ne3A_415, %ne3A_420 : vector<128x128xi1>
    %sub3A_422 = arith.constant 1 : i32
    %sub3A_423 = vector.broadcast %sub3A_422 : i32 to vector<128x128xi32>
    %sub3A_424 = arith.subi %div3A_397, %sub3A_423 : vector<128x128xi32>
    %select_n3A_425 = arith.select %and3A_421, %sub3A_424, %div3A_397 : vector<128x128xi1>, vector<128x128xi32>
    %iota3A_426 = tpu.iota {dimensions = array<i32: 1>} : vector<128x128xi32>
    %jit3A_427 = arith.constant 32 : i32
    %div3A_428 = vector.broadcast %jit3A_427 : i32 to vector<128x128xi32>
    %div3A_429 = arith.divsi %iota3A_426, %div3A_428 : vector<128x128xi32>
    %sign3A_430 = arith.constant 0 : i32
    %sign3A_431 = vector.broadcast %sign3A_430 : i32 to vector<128x128xi32>
    %sign3A_432 = arith.cmpi sgt, %iota3A_426, %sign3A_431 : vector<128x128xi32>
    %sign3A_433 = arith.extui %sign3A_432 : vector<128x128xi1> to vector<128x128xi32>
    %sign3A_434 = arith.constant 0 : i32
    %sign3A_435 = vector.broadcast %sign3A_434 : i32 to vector<128x128xi32>
    %sign3A_436 = arith.cmpi slt, %iota3A_426, %sign3A_435 : vector<128x128xi32>
    %sign3A_437 = arith.extui %sign3A_436 : vector<128x128xi1> to vector<128x128xi32>
    %sign3A_438 = arith.subi %sign3A_433, %sign3A_437 : vector<128x128xi32>
    %sign3A_439 = arith.constant 0 : i32
    %sign3A_440 = arith.cmpi sgt, %jit3A_427, %sign3A_439 : i32
    %sign3A_441 = arith.extui %sign3A_440 : i1 to i32
    %sign3A_442 = arith.constant 0 : i32
    %sign3A_443 = arith.cmpi slt, %jit3A_427, %sign3A_442 : i32
    %sign3A_444 = arith.extui %sign3A_443 : i1 to i32
    %sign3A_445 = arith.subi %sign3A_441, %sign3A_444 : i32
    %ne3A_446 = vector.broadcast %sign3A_445 : i32 to vector<128x128xi32>
    %ne3A_447 = arith.cmpi ne, %sign3A_438, %ne3A_446 : vector<128x128xi32>
    %rem3A_448 = vector.broadcast %jit3A_427 : i32 to vector<128x128xi32>
    %rem3A_449 = arith.remsi %iota3A_426, %rem3A_448 : vector<128x128xi32>
    %ne3A_450 = arith.constant 0 : i32
    %ne3A_451 = vector.broadcast %ne3A_450 : i32 to vector<128x128xi32>
    %ne3A_452 = arith.cmpi ne, %rem3A_449, %ne3A_451 : vector<128x128xi32>
    %and3A_453 = arith.andi %ne3A_447, %ne3A_452 : vector<128x128xi1>
    %sub3A_454 = arith.constant 1 : i32
    %sub3A_455 = vector.broadcast %sub3A_454 : i32 to vector<128x128xi32>
    %sub3A_456 = arith.subi %div3A_429, %sub3A_455 : vector<128x128xi32>
    %select_n3A_457 = arith.select %and3A_453, %sub3A_456, %div3A_429 : vector<128x128xi1>, vector<128x128xi32>
    %eq3A_458 = arith.cmpi eq, %select_n3A_425, %select_n3A_457 : vector<128x128xi32>
    %convert_element_type3A_459 = arith.extui %eq3A_458 : vector<128x128xi1> to vector<128x128xi32>
    %convert_element_type3A_460 = arith.sitofp %convert_element_type3A_459 : vector<128x128xi32> to vector<128x128xf32>
    %mul3A_461 = arith.mulf %tile3A_393, %convert_element_type3A_460 : vector<128x128xf32>
    %slice3A_462 = vector.extract_strided_slice %concatenate3A {offsets = [128, 0], sizes = [32, 32], strides = [1, 1]} : vector<288x32xf32> to vector<32x32xf32>
    %tile3A_463 = tpu.concatenate %slice3A_462, %slice3A_462, %slice3A_462, %slice3A_462 in 0 : vector<32x32xf32>, vector<32x32xf32>, vector<32x32xf32>, vector<32x32xf32> -> vector<128x32xf32>
    %tile3A_464 = tpu.concatenate %tile3A_463, %tile3A_463, %tile3A_463, %tile3A_463 in 1 : vector<128x32xf32>, vector<128x32xf32>, vector<128x32xf32>, vector<128x32xf32> -> vector<128x128xf32>
    %iota3A_465 = tpu.iota {dimensions = array<i32: 0>} : vector<128x128xi32>
    %jit3A_466 = arith.constant 32 : i32
    %div3A_467 = vector.broadcast %jit3A_466 : i32 to vector<128x128xi32>
    %div3A_468 = arith.divsi %iota3A_465, %div3A_467 : vector<128x128xi32>
    %sign3A_469 = arith.constant 0 : i32
    %sign3A_470 = vector.broadcast %sign3A_469 : i32 to vector<128x128xi32>
    %sign3A_471 = arith.cmpi sgt, %iota3A_465, %sign3A_470 : vector<128x128xi32>
    %sign3A_472 = arith.extui %sign3A_471 : vector<128x128xi1> to vector<128x128xi32>
    %sign3A_473 = arith.constant 0 : i32
    %sign3A_474 = vector.broadcast %sign3A_473 : i32 to vector<128x128xi32>
    %sign3A_475 = arith.cmpi slt, %iota3A_465, %sign3A_474 : vector<128x128xi32>
    %sign3A_476 = arith.extui %sign3A_475 : vector<128x128xi1> to vector<128x128xi32>
    %sign3A_477 = arith.subi %sign3A_472, %sign3A_476 : vector<128x128xi32>
    %sign3A_478 = arith.constant 0 : i32
    %sign3A_479 = arith.cmpi sgt, %jit3A_466, %sign3A_478 : i32
    %sign3A_480 = arith.extui %sign3A_479 : i1 to i32
    %sign3A_481 = arith.constant 0 : i32
    %sign3A_482 = arith.cmpi slt, %jit3A_466, %sign3A_481 : i32
    %sign3A_483 = arith.extui %sign3A_482 : i1 to i32
    %sign3A_484 = arith.subi %sign3A_480, %sign3A_483 : i32
    %ne3A_485 = vector.broadcast %sign3A_484 : i32 to vector<128x128xi32>
    %ne3A_486 = arith.cmpi ne, %sign3A_477, %ne3A_485 : vector<128x128xi32>
    %rem3A_487 = vector.broadcast %jit3A_466 : i32 to vector<128x128xi32>
    %rem3A_488 = arith.remsi %iota3A_465, %rem3A_487 : vector<128x128xi32>
    %ne3A_489 = arith.constant 0 : i32
    %ne3A_490 = vector.broadcast %ne3A_489 : i32 to vector<128x128xi32>
    %ne3A_491 = arith.cmpi ne, %rem3A_488, %ne3A_490 : vector<128x128xi32>
    %and3A_492 = arith.andi %ne3A_486, %ne3A_491 : vector<128x128xi1>
    %sub3A_493 = arith.constant 1 : i32
    %sub3A_494 = vector.broadcast %sub3A_493 : i32 to vector<128x128xi32>
    %sub3A_495 = arith.subi %div3A_468, %sub3A_494 : vector<128x128xi32>
    %select_n3A_496 = arith.select %and3A_492, %sub3A_495, %div3A_468 : vector<128x128xi1>, vector<128x128xi32>
    %iota3A_497 = tpu.iota {dimensions = array<i32: 1>} : vector<128x128xi32>
    %jit3A_498 = arith.constant 32 : i32
    %div3A_499 = vector.broadcast %jit3A_498 : i32 to vector<128x128xi32>
    %div3A_500 = arith.divsi %iota3A_497, %div3A_499 : vector<128x128xi32>
    %sign3A_501 = arith.constant 0 : i32
    %sign3A_502 = vector.broadcast %sign3A_501 : i32 to vector<128x128xi32>
    %sign3A_503 = arith.cmpi sgt, %iota3A_497, %sign3A_502 : vector<128x128xi32>
    %sign3A_504 = arith.extui %sign3A_503 : vector<128x128xi1> to vector<128x128xi32>
    %sign3A_505 = arith.constant 0 : i32
    %sign3A_506 = vector.broadcast %sign3A_505 : i32 to vector<128x128xi32>
    %sign3A_507 = arith.cmpi slt, %iota3A_497, %sign3A_506 : vector<128x128xi32>
    %sign3A_508 = arith.extui %sign3A_507 : vector<128x128xi1> to vector<128x128xi32>
    %sign3A_509 = arith.subi %sign3A_504, %sign3A_508 : vector<128x128xi32>
    %sign3A_510 = arith.constant 0 : i32
    %sign3A_511 = arith.cmpi sgt, %jit3A_498, %sign3A_510 : i32
    %sign3A_512 = arith.extui %sign3A_511 : i1 to i32
    %sign3A_513 = arith.constant 0 : i32
    %sign3A_514 = arith.cmpi slt, %jit3A_498, %sign3A_513 : i32
    %sign3A_515 = arith.extui %sign3A_514 : i1 to i32
    %sign3A_516 = arith.subi %sign3A_512, %sign3A_515 : i32
    %ne3A_517 = vector.broadcast %sign3A_516 : i32 to vector<128x128xi32>
    %ne3A_518 = arith.cmpi ne, %sign3A_509, %ne3A_517 : vector<128x128xi32>
    %rem3A_519 = vector.broadcast %jit3A_498 : i32 to vector<128x128xi32>
    %rem3A_520 = arith.remsi %iota3A_497, %rem3A_519 : vector<128x128xi32>
    %ne3A_521 = arith.constant 0 : i32
    %ne3A_522 = vector.broadcast %ne3A_521 : i32 to vector<128x128xi32>
    %ne3A_523 = arith.cmpi ne, %rem3A_520, %ne3A_522 : vector<128x128xi32>
    %and3A_524 = arith.andi %ne3A_518, %ne3A_523 : vector<128x128xi1>
    %sub3A_525 = arith.constant 1 : i32
    %sub3A_526 = vector.broadcast %sub3A_525 : i32 to vector<128x128xi32>
    %sub3A_527 = arith.subi %div3A_500, %sub3A_526 : vector<128x128xi32>
    %select_n3A_528 = arith.select %and3A_524, %sub3A_527, %div3A_500 : vector<128x128xi1>, vector<128x128xi32>
    %eq3A_529 = arith.cmpi eq, %select_n3A_496, %select_n3A_528 : vector<128x128xi32>
    %convert_element_type3A_530 = arith.extui %eq3A_529 : vector<128x128xi1> to vector<128x128xi32>
    %convert_element_type3A_531 = arith.sitofp %convert_element_type3A_530 : vector<128x128xi32> to vector<128x128xf32>
    %mul3A_532 = arith.mulf %tile3A_464, %convert_element_type3A_531 : vector<128x128xf32>
    %slice3A_533 = vector.extract_strided_slice %concatenate3A {offsets = [160, 0], sizes = [32, 32], strides = [1, 1]} : vector<288x32xf32> to vector<32x32xf32>
    %tile3A_534 = tpu.concatenate %slice3A_533, %slice3A_533, %slice3A_533, %slice3A_533 in 0 : vector<32x32xf32>, vector<32x32xf32>, vector<32x32xf32>, vector<32x32xf32> -> vector<128x32xf32>
    %tile3A_535 = tpu.concatenate %tile3A_534, %tile3A_534, %tile3A_534, %tile3A_534 in 1 : vector<128x32xf32>, vector<128x32xf32>, vector<128x32xf32>, vector<128x32xf32> -> vector<128x128xf32>
    %iota3A_536 = tpu.iota {dimensions = array<i32: 0>} : vector<128x128xi32>
    %jit3A_537 = arith.constant 32 : i32
    %div3A_538 = vector.broadcast %jit3A_537 : i32 to vector<128x128xi32>
    %div3A_539 = arith.divsi %iota3A_536, %div3A_538 : vector<128x128xi32>
    %sign3A_540 = arith.constant 0 : i32
    %sign3A_541 = vector.broadcast %sign3A_540 : i32 to vector<128x128xi32>
    %sign3A_542 = arith.cmpi sgt, %iota3A_536, %sign3A_541 : vector<128x128xi32>
    %sign3A_543 = arith.extui %sign3A_542 : vector<128x128xi1> to vector<128x128xi32>
    %sign3A_544 = arith.constant 0 : i32
    %sign3A_545 = vector.broadcast %sign3A_544 : i32 to vector<128x128xi32>
    %sign3A_546 = arith.cmpi slt, %iota3A_536, %sign3A_545 : vector<128x128xi32>
    %sign3A_547 = arith.extui %sign3A_546 : vector<128x128xi1> to vector<128x128xi32>
    %sign3A_548 = arith.subi %sign3A_543, %sign3A_547 : vector<128x128xi32>
    %sign3A_549 = arith.constant 0 : i32
    %sign3A_550 = arith.cmpi sgt, %jit3A_537, %sign3A_549 : i32
    %sign3A_551 = arith.extui %sign3A_550 : i1 to i32
    %sign3A_552 = arith.constant 0 : i32
    %sign3A_553 = arith.cmpi slt, %jit3A_537, %sign3A_552 : i32
    %sign3A_554 = arith.extui %sign3A_553 : i1 to i32
    %sign3A_555 = arith.subi %sign3A_551, %sign3A_554 : i32
    %ne3A_556 = vector.broadcast %sign3A_555 : i32 to vector<128x128xi32>
    %ne3A_557 = arith.cmpi ne, %sign3A_548, %ne3A_556 : vector<128x128xi32>
    %rem3A_558 = vector.broadcast %jit3A_537 : i32 to vector<128x128xi32>
    %rem3A_559 = arith.remsi %iota3A_536, %rem3A_558 : vector<128x128xi32>
    %ne3A_560 = arith.constant 0 : i32
    %ne3A_561 = vector.broadcast %ne3A_560 : i32 to vector<128x128xi32>
    %ne3A_562 = arith.cmpi ne, %rem3A_559, %ne3A_561 : vector<128x128xi32>
    %and3A_563 = arith.andi %ne3A_557, %ne3A_562 : vector<128x128xi1>
    %sub3A_564 = arith.constant 1 : i32
    %sub3A_565 = vector.broadcast %sub3A_564 : i32 to vector<128x128xi32>
    %sub3A_566 = arith.subi %div3A_539, %sub3A_565 : vector<128x128xi32>
    %select_n3A_567 = arith.select %and3A_563, %sub3A_566, %div3A_539 : vector<128x128xi1>, vector<128x128xi32>
    %iota3A_568 = tpu.iota {dimensions = array<i32: 1>} : vector<128x128xi32>
    %jit3A_569 = arith.constant 32 : i32
    %div3A_570 = vector.broadcast %jit3A_569 : i32 to vector<128x128xi32>
    %div3A_571 = arith.divsi %iota3A_568, %div3A_570 : vector<128x128xi32>
    %sign3A_572 = arith.constant 0 : i32
    %sign3A_573 = vector.broadcast %sign3A_572 : i32 to vector<128x128xi32>
    %sign3A_574 = arith.cmpi sgt, %iota3A_568, %sign3A_573 : vector<128x128xi32>
    %sign3A_575 = arith.extui %sign3A_574 : vector<128x128xi1> to vector<128x128xi32>
    %sign3A_576 = arith.constant 0 : i32
    %sign3A_577 = vector.broadcast %sign3A_576 : i32 to vector<128x128xi32>
    %sign3A_578 = arith.cmpi slt, %iota3A_568, %sign3A_577 : vector<128x128xi32>
    %sign3A_579 = arith.extui %sign3A_578 : vector<128x128xi1> to vector<128x128xi32>
    %sign3A_580 = arith.subi %sign3A_575, %sign3A_579 : vector<128x128xi32>
    %sign3A_581 = arith.constant 0 : i32
    %sign3A_582 = arith.cmpi sgt, %jit3A_569, %sign3A_581 : i32
    %sign3A_583 = arith.extui %sign3A_582 : i1 to i32
    %sign3A_584 = arith.constant 0 : i32
    %sign3A_585 = arith.cmpi slt, %jit3A_569, %sign3A_584 : i32
    %sign3A_586 = arith.extui %sign3A_585 : i1 to i32
    %sign3A_587 = arith.subi %sign3A_583, %sign3A_586 : i32
    %ne3A_588 = vector.broadcast %sign3A_587 : i32 to vector<128x128xi32>
    %ne3A_589 = arith.cmpi ne, %sign3A_580, %ne3A_588 : vector<128x128xi32>
    %rem3A_590 = vector.broadcast %jit3A_569 : i32 to vector<128x128xi32>
    %rem3A_591 = arith.remsi %iota3A_568, %rem3A_590 : vector<128x128xi32>
    %ne3A_592 = arith.constant 0 : i32
    %ne3A_593 = vector.broadcast %ne3A_592 : i32 to vector<128x128xi32>
    %ne3A_594 = arith.cmpi ne, %rem3A_591, %ne3A_593 : vector<128x128xi32>
    %and3A_595 = arith.andi %ne3A_589, %ne3A_594 : vector<128x128xi1>
    %sub3A_596 = arith.constant 1 : i32
    %sub3A_597 = vector.broadcast %sub3A_596 : i32 to vector<128x128xi32>
    %sub3A_598 = arith.subi %div3A_571, %sub3A_597 : vector<128x128xi32>
    %select_n3A_599 = arith.select %and3A_595, %sub3A_598, %div3A_571 : vector<128x128xi1>, vector<128x128xi32>
    %eq3A_600 = arith.cmpi eq, %select_n3A_567, %select_n3A_599 : vector<128x128xi32>
    %convert_element_type3A_601 = arith.extui %eq3A_600 : vector<128x128xi1> to vector<128x128xi32>
    %convert_element_type3A_602 = arith.sitofp %convert_element_type3A_601 : vector<128x128xi32> to vector<128x128xf32>
    %mul3A_603 = arith.mulf %tile3A_535, %convert_element_type3A_602 : vector<128x128xf32>
    %slice3A_604 = vector.extract_strided_slice %concatenate3A {offsets = [192, 0], sizes = [32, 32], strides = [1, 1]} : vector<288x32xf32> to vector<32x32xf32>
    %tile3A_605 = tpu.concatenate %slice3A_604, %slice3A_604, %slice3A_604, %slice3A_604 in 0 : vector<32x32xf32>, vector<32x32xf32>, vector<32x32xf32>, vector<32x32xf32> -> vector<128x32xf32>
    %tile3A_606 = tpu.concatenate %tile3A_605, %tile3A_605, %tile3A_605, %tile3A_605 in 1 : vector<128x32xf32>, vector<128x32xf32>, vector<128x32xf32>, vector<128x32xf32> -> vector<128x128xf32>
    %iota3A_607 = tpu.iota {dimensions = array<i32: 0>} : vector<128x128xi32>
    %jit3A_608 = arith.constant 32 : i32
    %div3A_609 = vector.broadcast %jit3A_608 : i32 to vector<128x128xi32>
    %div3A_610 = arith.divsi %iota3A_607, %div3A_609 : vector<128x128xi32>
    %sign3A_611 = arith.constant 0 : i32
    %sign3A_612 = vector.broadcast %sign3A_611 : i32 to vector<128x128xi32>
    %sign3A_613 = arith.cmpi sgt, %iota3A_607, %sign3A_612 : vector<128x128xi32>
    %sign3A_614 = arith.extui %sign3A_613 : vector<128x128xi1> to vector<128x128xi32>
    %sign3A_615 = arith.constant 0 : i32
    %sign3A_616 = vector.broadcast %sign3A_615 : i32 to vector<128x128xi32>
    %sign3A_617 = arith.cmpi slt, %iota3A_607, %sign3A_616 : vector<128x128xi32>
    %sign3A_618 = arith.extui %sign3A_617 : vector<128x128xi1> to vector<128x128xi32>
    %sign3A_619 = arith.subi %sign3A_614, %sign3A_618 : vector<128x128xi32>
    %sign3A_620 = arith.constant 0 : i32
    %sign3A_621 = arith.cmpi sgt, %jit3A_608, %sign3A_620 : i32
    %sign3A_622 = arith.extui %sign3A_621 : i1 to i32
    %sign3A_623 = arith.constant 0 : i32
    %sign3A_624 = arith.cmpi slt, %jit3A_608, %sign3A_623 : i32
    %sign3A_625 = arith.extui %sign3A_624 : i1 to i32
    %sign3A_626 = arith.subi %sign3A_622, %sign3A_625 : i32
    %ne3A_627 = vector.broadcast %sign3A_626 : i32 to vector<128x128xi32>
    %ne3A_628 = arith.cmpi ne, %sign3A_619, %ne3A_627 : vector<128x128xi32>
    %rem3A_629 = vector.broadcast %jit3A_608 : i32 to vector<128x128xi32>
    %rem3A_630 = arith.remsi %iota3A_607, %rem3A_629 : vector<128x128xi32>
    %ne3A_631 = arith.constant 0 : i32
    %ne3A_632 = vector.broadcast %ne3A_631 : i32 to vector<128x128xi32>
    %ne3A_633 = arith.cmpi ne, %rem3A_630, %ne3A_632 : vector<128x128xi32>
    %and3A_634 = arith.andi %ne3A_628, %ne3A_633 : vector<128x128xi1>
    %sub3A_635 = arith.constant 1 : i32
    %sub3A_636 = vector.broadcast %sub3A_635 : i32 to vector<128x128xi32>
    %sub3A_637 = arith.subi %div3A_610, %sub3A_636 : vector<128x128xi32>
    %select_n3A_638 = arith.select %and3A_634, %sub3A_637, %div3A_610 : vector<128x128xi1>, vector<128x128xi32>
    %iota3A_639 = tpu.iota {dimensions = array<i32: 1>} : vector<128x128xi32>
    %jit3A_640 = arith.constant 32 : i32
    %div3A_641 = vector.broadcast %jit3A_640 : i32 to vector<128x128xi32>
    %div3A_642 = arith.divsi %iota3A_639, %div3A_641 : vector<128x128xi32>
    %sign3A_643 = arith.constant 0 : i32
    %sign3A_644 = vector.broadcast %sign3A_643 : i32 to vector<128x128xi32>
    %sign3A_645 = arith.cmpi sgt, %iota3A_639, %sign3A_644 : vector<128x128xi32>
    %sign3A_646 = arith.extui %sign3A_645 : vector<128x128xi1> to vector<128x128xi32>
    %sign3A_647 = arith.constant 0 : i32
    %sign3A_648 = vector.broadcast %sign3A_647 : i32 to vector<128x128xi32>
    %sign3A_649 = arith.cmpi slt, %iota3A_639, %sign3A_648 : vector<128x128xi32>
    %sign3A_650 = arith.extui %sign3A_649 : vector<128x128xi1> to vector<128x128xi32>
    %sign3A_651 = arith.subi %sign3A_646, %sign3A_650 : vector<128x128xi32>
    %sign3A_652 = arith.constant 0 : i32
    %sign3A_653 = arith.cmpi sgt, %jit3A_640, %sign3A_652 : i32
    %sign3A_654 = arith.extui %sign3A_653 : i1 to i32
    %sign3A_655 = arith.constant 0 : i32
    %sign3A_656 = arith.cmpi slt, %jit3A_640, %sign3A_655 : i32
    %sign3A_657 = arith.extui %sign3A_656 : i1 to i32
    %sign3A_658 = arith.subi %sign3A_654, %sign3A_657 : i32
    %ne3A_659 = vector.broadcast %sign3A_658 : i32 to vector<128x128xi32>
    %ne3A_660 = arith.cmpi ne, %sign3A_651, %ne3A_659 : vector<128x128xi32>
    %rem3A_661 = vector.broadcast %jit3A_640 : i32 to vector<128x128xi32>
    %rem3A_662 = arith.remsi %iota3A_639, %rem3A_661 : vector<128x128xi32>
    %ne3A_663 = arith.constant 0 : i32
    %ne3A_664 = vector.broadcast %ne3A_663 : i32 to vector<128x128xi32>
    %ne3A_665 = arith.cmpi ne, %rem3A_662, %ne3A_664 : vector<128x128xi32>
    %and3A_666 = arith.andi %ne3A_660, %ne3A_665 : vector<128x128xi1>
    %sub3A_667 = arith.constant 1 : i32
    %sub3A_668 = vector.broadcast %sub3A_667 : i32 to vector<128x128xi32>
    %sub3A_669 = arith.subi %div3A_642, %sub3A_668 : vector<128x128xi32>
    %select_n3A_670 = arith.select %and3A_666, %sub3A_669, %div3A_642 : vector<128x128xi1>, vector<128x128xi32>
    %eq3A_671 = arith.cmpi eq, %select_n3A_638, %select_n3A_670 : vector<128x128xi32>
    %convert_element_type3A_672 = arith.extui %eq3A_671 : vector<128x128xi1> to vector<128x128xi32>
    %convert_element_type3A_673 = arith.sitofp %convert_element_type3A_672 : vector<128x128xi32> to vector<128x128xf32>
    %mul3A_674 = arith.mulf %tile3A_606, %convert_element_type3A_673 : vector<128x128xf32>
    %slice3A_675 = vector.extract_strided_slice %concatenate3A {offsets = [224, 0], sizes = [32, 32], strides = [1, 1]} : vector<288x32xf32> to vector<32x32xf32>
    %tile3A_676 = tpu.concatenate %slice3A_675, %slice3A_675, %slice3A_675, %slice3A_675 in 0 : vector<32x32xf32>, vector<32x32xf32>, vector<32x32xf32>, vector<32x32xf32> -> vector<128x32xf32>
    %tile3A_677 = tpu.concatenate %tile3A_676, %tile3A_676, %tile3A_676, %tile3A_676 in 1 : vector<128x32xf32>, vector<128x32xf32>, vector<128x32xf32>, vector<128x32xf32> -> vector<128x128xf32>
    %iota3A_678 = tpu.iota {dimensions = array<i32: 0>} : vector<128x128xi32>
    %jit3A_679 = arith.constant 32 : i32
    %div3A_680 = vector.broadcast %jit3A_679 : i32 to vector<128x128xi32>
    %div3A_681 = arith.divsi %iota3A_678, %div3A_680 : vector<128x128xi32>
    %sign3A_682 = arith.constant 0 : i32
    %sign3A_683 = vector.broadcast %sign3A_682 : i32 to vector<128x128xi32>
    %sign3A_684 = arith.cmpi sgt, %iota3A_678, %sign3A_683 : vector<128x128xi32>
    %sign3A_685 = arith.extui %sign3A_684 : vector<128x128xi1> to vector<128x128xi32>
    %sign3A_686 = arith.constant 0 : i32
    %sign3A_687 = vector.broadcast %sign3A_686 : i32 to vector<128x128xi32>
    %sign3A_688 = arith.cmpi slt, %iota3A_678, %sign3A_687 : vector<128x128xi32>
    %sign3A_689 = arith.extui %sign3A_688 : vector<128x128xi1> to vector<128x128xi32>
    %sign3A_690 = arith.subi %sign3A_685, %sign3A_689 : vector<128x128xi32>
    %sign3A_691 = arith.constant 0 : i32
    %sign3A_692 = arith.cmpi sgt, %jit3A_679, %sign3A_691 : i32
    %sign3A_693 = arith.extui %sign3A_692 : i1 to i32
    %sign3A_694 = arith.constant 0 : i32
    %sign3A_695 = arith.cmpi slt, %jit3A_679, %sign3A_694 : i32
    %sign3A_696 = arith.extui %sign3A_695 : i1 to i32
    %sign3A_697 = arith.subi %sign3A_693, %sign3A_696 : i32
    %ne3A_698 = vector.broadcast %sign3A_697 : i32 to vector<128x128xi32>
    %ne3A_699 = arith.cmpi ne, %sign3A_690, %ne3A_698 : vector<128x128xi32>
    %rem3A_700 = vector.broadcast %jit3A_679 : i32 to vector<128x128xi32>
    %rem3A_701 = arith.remsi %iota3A_678, %rem3A_700 : vector<128x128xi32>
    %ne3A_702 = arith.constant 0 : i32
    %ne3A_703 = vector.broadcast %ne3A_702 : i32 to vector<128x128xi32>
    %ne3A_704 = arith.cmpi ne, %rem3A_701, %ne3A_703 : vector<128x128xi32>
    %and3A_705 = arith.andi %ne3A_699, %ne3A_704 : vector<128x128xi1>
    %sub3A_706 = arith.constant 1 : i32
    %sub3A_707 = vector.broadcast %sub3A_706 : i32 to vector<128x128xi32>
    %sub3A_708 = arith.subi %div3A_681, %sub3A_707 : vector<128x128xi32>
    %select_n3A_709 = arith.select %and3A_705, %sub3A_708, %div3A_681 : vector<128x128xi1>, vector<128x128xi32>
    %iota3A_710 = tpu.iota {dimensions = array<i32: 1>} : vector<128x128xi32>
    %jit3A_711 = arith.constant 32 : i32
    %div3A_712 = vector.broadcast %jit3A_711 : i32 to vector<128x128xi32>
    %div3A_713 = arith.divsi %iota3A_710, %div3A_712 : vector<128x128xi32>
    %sign3A_714 = arith.constant 0 : i32
    %sign3A_715 = vector.broadcast %sign3A_714 : i32 to vector<128x128xi32>
    %sign3A_716 = arith.cmpi sgt, %iota3A_710, %sign3A_715 : vector<128x128xi32>
    %sign3A_717 = arith.extui %sign3A_716 : vector<128x128xi1> to vector<128x128xi32>
    %sign3A_718 = arith.constant 0 : i32
    %sign3A_719 = vector.broadcast %sign3A_718 : i32 to vector<128x128xi32>
    %sign3A_720 = arith.cmpi slt, %iota3A_710, %sign3A_719 : vector<128x128xi32>
    %sign3A_721 = arith.extui %sign3A_720 : vector<128x128xi1> to vector<128x128xi32>
    %sign3A_722 = arith.subi %sign3A_717, %sign3A_721 : vector<128x128xi32>
    %sign3A_723 = arith.constant 0 : i32
    %sign3A_724 = arith.cmpi sgt, %jit3A_711, %sign3A_723 : i32
    %sign3A_725 = arith.extui %sign3A_724 : i1 to i32
    %sign3A_726 = arith.constant 0 : i32
    %sign3A_727 = arith.cmpi slt, %jit3A_711, %sign3A_726 : i32
    %sign3A_728 = arith.extui %sign3A_727 : i1 to i32
    %sign3A_729 = arith.subi %sign3A_725, %sign3A_728 : i32
    %ne3A_730 = vector.broadcast %sign3A_729 : i32 to vector<128x128xi32>
    %ne3A_731 = arith.cmpi ne, %sign3A_722, %ne3A_730 : vector<128x128xi32>
    %rem3A_732 = vector.broadcast %jit3A_711 : i32 to vector<128x128xi32>
    %rem3A_733 = arith.remsi %iota3A_710, %rem3A_732 : vector<128x128xi32>
    %ne3A_734 = arith.constant 0 : i32
    %ne3A_735 = vector.broadcast %ne3A_734 : i32 to vector<128x128xi32>
    %ne3A_736 = arith.cmpi ne, %rem3A_733, %ne3A_735 : vector<128x128xi32>
    %and3A_737 = arith.andi %ne3A_731, %ne3A_736 : vector<128x128xi1>
    %sub3A_738 = arith.constant 1 : i32
    %sub3A_739 = vector.broadcast %sub3A_738 : i32 to vector<128x128xi32>
    %sub3A_740 = arith.subi %div3A_713, %sub3A_739 : vector<128x128xi32>
    %select_n3A_741 = arith.select %and3A_737, %sub3A_740, %div3A_713 : vector<128x128xi1>, vector<128x128xi32>
    %eq3A_742 = arith.cmpi eq, %select_n3A_709, %select_n3A_741 : vector<128x128xi32>
    %convert_element_type3A_743 = arith.extui %eq3A_742 : vector<128x128xi1> to vector<128x128xi32>
    %convert_element_type3A_744 = arith.sitofp %convert_element_type3A_743 : vector<128x128xi32> to vector<128x128xf32>
    %mul3A_745 = arith.mulf %tile3A_677, %convert_element_type3A_744 : vector<128x128xf32>
    %slice3A_746 = vector.extract_strided_slice %concatenate3A {offsets = [256, 0], sizes = [32, 32], strides = [1, 1]} : vector<288x32xf32> to vector<32x32xf32>
    %tile3A_747 = tpu.concatenate %slice3A_746, %slice3A_746, %slice3A_746, %slice3A_746 in 0 : vector<32x32xf32>, vector<32x32xf32>, vector<32x32xf32>, vector<32x32xf32> -> vector<128x32xf32>
    %tile3A_748 = tpu.concatenate %tile3A_747, %tile3A_747, %tile3A_747, %tile3A_747 in 1 : vector<128x32xf32>, vector<128x32xf32>, vector<128x32xf32>, vector<128x32xf32> -> vector<128x128xf32>
    %iota3A_749 = tpu.iota {dimensions = array<i32: 0>} : vector<128x128xi32>
    %jit3A_750 = arith.constant 32 : i32
    %div3A_751 = vector.broadcast %jit3A_750 : i32 to vector<128x128xi32>
    %div3A_752 = arith.divsi %iota3A_749, %div3A_751 : vector<128x128xi32>
    %sign3A_753 = arith.constant 0 : i32
    %sign3A_754 = vector.broadcast %sign3A_753 : i32 to vector<128x128xi32>
    %sign3A_755 = arith.cmpi sgt, %iota3A_749, %sign3A_754 : vector<128x128xi32>
    %sign3A_756 = arith.extui %sign3A_755 : vector<128x128xi1> to vector<128x128xi32>
    %sign3A_757 = arith.constant 0 : i32
    %sign3A_758 = vector.broadcast %sign3A_757 : i32 to vector<128x128xi32>
    %sign3A_759 = arith.cmpi slt, %iota3A_749, %sign3A_758 : vector<128x128xi32>
    %sign3A_760 = arith.extui %sign3A_759 : vector<128x128xi1> to vector<128x128xi32>
    %sign3A_761 = arith.subi %sign3A_756, %sign3A_760 : vector<128x128xi32>
    %sign3A_762 = arith.constant 0 : i32
    %sign3A_763 = arith.cmpi sgt, %jit3A_750, %sign3A_762 : i32
    %sign3A_764 = arith.extui %sign3A_763 : i1 to i32
    %sign3A_765 = arith.constant 0 : i32
    %sign3A_766 = arith.cmpi slt, %jit3A_750, %sign3A_765 : i32
    %sign3A_767 = arith.extui %sign3A_766 : i1 to i32
    %sign3A_768 = arith.subi %sign3A_764, %sign3A_767 : i32
    %ne3A_769 = vector.broadcast %sign3A_768 : i32 to vector<128x128xi32>
    %ne3A_770 = arith.cmpi ne, %sign3A_761, %ne3A_769 : vector<128x128xi32>
    %rem3A_771 = vector.broadcast %jit3A_750 : i32 to vector<128x128xi32>
    %rem3A_772 = arith.remsi %iota3A_749, %rem3A_771 : vector<128x128xi32>
    %ne3A_773 = arith.constant 0 : i32
    %ne3A_774 = vector.broadcast %ne3A_773 : i32 to vector<128x128xi32>
    %ne3A_775 = arith.cmpi ne, %rem3A_772, %ne3A_774 : vector<128x128xi32>
    %and3A_776 = arith.andi %ne3A_770, %ne3A_775 : vector<128x128xi1>
    %sub3A_777 = arith.constant 1 : i32
    %sub3A_778 = vector.broadcast %sub3A_777 : i32 to vector<128x128xi32>
    %sub3A_779 = arith.subi %div3A_752, %sub3A_778 : vector<128x128xi32>
    %select_n3A_780 = arith.select %and3A_776, %sub3A_779, %div3A_752 : vector<128x128xi1>, vector<128x128xi32>
    %iota3A_781 = tpu.iota {dimensions = array<i32: 1>} : vector<128x128xi32>
    %jit3A_782 = arith.constant 32 : i32
    %div3A_783 = vector.broadcast %jit3A_782 : i32 to vector<128x128xi32>
    %div3A_784 = arith.divsi %iota3A_781, %div3A_783 : vector<128x128xi32>
    %sign3A_785 = arith.constant 0 : i32
    %sign3A_786 = vector.broadcast %sign3A_785 : i32 to vector<128x128xi32>
    %sign3A_787 = arith.cmpi sgt, %iota3A_781, %sign3A_786 : vector<128x128xi32>
    %sign3A_788 = arith.extui %sign3A_787 : vector<128x128xi1> to vector<128x128xi32>
    %sign3A_789 = arith.constant 0 : i32
    %sign3A_790 = vector.broadcast %sign3A_789 : i32 to vector<128x128xi32>
    %sign3A_791 = arith.cmpi slt, %iota3A_781, %sign3A_790 : vector<128x128xi32>
    %sign3A_792 = arith.extui %sign3A_791 : vector<128x128xi1> to vector<128x128xi32>
    %sign3A_793 = arith.subi %sign3A_788, %sign3A_792 : vector<128x128xi32>
    %sign3A_794 = arith.constant 0 : i32
    %sign3A_795 = arith.cmpi sgt, %jit3A_782, %sign3A_794 : i32
    %sign3A_796 = arith.extui %sign3A_795 : i1 to i32
    %sign3A_797 = arith.constant 0 : i32
    %sign3A_798 = arith.cmpi slt, %jit3A_782, %sign3A_797 : i32
    %sign3A_799 = arith.extui %sign3A_798 : i1 to i32
    %sign3A_800 = arith.subi %sign3A_796, %sign3A_799 : i32
    %ne3A_801 = vector.broadcast %sign3A_800 : i32 to vector<128x128xi32>
    %ne3A_802 = arith.cmpi ne, %sign3A_793, %ne3A_801 : vector<128x128xi32>
    %rem3A_803 = vector.broadcast %jit3A_782 : i32 to vector<128x128xi32>
    %rem3A_804 = arith.remsi %iota3A_781, %rem3A_803 : vector<128x128xi32>
    %ne3A_805 = arith.constant 0 : i32
    %ne3A_806 = vector.broadcast %ne3A_805 : i32 to vector<128x128xi32>
    %ne3A_807 = arith.cmpi ne, %rem3A_804, %ne3A_806 : vector<128x128xi32>
    %and3A_808 = arith.andi %ne3A_802, %ne3A_807 : vector<128x128xi1>
    %sub3A_809 = arith.constant 1 : i32
    %sub3A_810 = vector.broadcast %sub3A_809 : i32 to vector<128x128xi32>
    %sub3A_811 = arith.subi %div3A_784, %sub3A_810 : vector<128x128xi32>
    %select_n3A_812 = arith.select %and3A_808, %sub3A_811, %div3A_784 : vector<128x128xi1>, vector<128x128xi32>
    %eq3A_813 = arith.cmpi eq, %select_n3A_780, %select_n3A_812 : vector<128x128xi32>
    %convert_element_type3A_814 = arith.extui %eq3A_813 : vector<128x128xi1> to vector<128x128xi32>
    %convert_element_type3A_815 = arith.sitofp %convert_element_type3A_814 : vector<128x128xi32> to vector<128x128xf32>
    %mul3A_816 = arith.mulf %tile3A_748, %convert_element_type3A_815 : vector<128x128xf32>
    %concatenate3A_817 = tpu.concatenate %mul3A_248, %mul3A_319, %mul3A_390, %mul3A_461, %mul3A_532, %mul3A_603, %mul3A_674, %mul3A_745, %mul3A_816 in 0 : vector<128x128xf32>, vector<128x128xf32>, vector<128x128xf32>, vector<128x128xf32>, vector<128x128xf32>, vector<128x128xf32>, vector<128x128xf32>, vector<128x128xf32>, vector<128x128xf32> -> vector<1152x128xf32>
    %dot_general3A_818 = arith.constant dense<0.000000e+00> : vector<3128x128xf32>
    %dot_general3A_819 = tpu.matmul %mul3A, %concatenate3A_817, %dot_general3A_818 {dimension_numbers = #tpu.dot_dimension_numbers<[1], [0], [0], [1], [0, 0, 1, 1], [], []>, transpose_lhs_hint = false} : vector<3128x1152xf32>, vector<1152x128xf32>, vector<3128x128xf32> -> vector<3128x128xf32>
    %get3A_820 = arith.constant 0 : index
    %get3A_821 = arith.constant 0 : index
    %get3A_822 = arith.constant 0 : index
    %get3A_823 = vector.load %arg2[%get3A_820, %get3A_821, %get3A_822] : memref<2x3128x128xf32, #tpu.memory_space<vmem>>, vector<1x3128x128xf32>
    %get3A_824 = vector.shape_cast %get3A_823 : vector<1x3128x128xf32> to vector<3128x128xf32>
    %get3A_825 = arith.constant 1 : index
    %get3A_826 = arith.constant 0 : index
    %get3A_827 = arith.constant 0 : index
    %get3A_828 = vector.load %arg2[%get3A_825, %get3A_826, %get3A_827] : memref<2x3128x128xf32, #tpu.memory_space<vmem>>, vector<1x3128x128xf32>
    %get3A_829 = vector.shape_cast %get3A_828 : vector<1x3128x128xf32> to vector<3128x128xf32>
    %add3A_830 = arith.addf %get3A_824, %get3A_829 : vector<3128x128xf32>
    %max3A = arith.constant 1.000000e+00 : f32
    %max3A_831 = vector.broadcast %max3A : f32 to vector<3128x128xf32>
    %max3A_832 = arith.maximumf %add3A_830, %max3A_831 : vector<3128x128xf32>
    %div3A_833 = arith.divf %dot_general3A_819, %max3A_832 : vector<3128x128xf32>
    %get3A_834 = arith.constant 0 : index
    %get3A_835 = arith.constant 0 : index
    %get3A_836 = vector.load %arg7[%get3A_834, %get3A_835] : memref<32x32xf32, #tpu.memory_space<vmem>>, vector<32x32xf32>
    %tile3A_837 = tpu.concatenate %get3A_836, %get3A_836, %get3A_836, %get3A_836 in 0 : vector<32x32xf32>, vector<32x32xf32>, vector<32x32xf32>, vector<32x32xf32> -> vector<128x32xf32>
    %tile3A_838 = tpu.concatenate %tile3A_837, %tile3A_837, %tile3A_837, %tile3A_837 in 1 : vector<128x32xf32>, vector<128x32xf32>, vector<128x32xf32>, vector<128x32xf32> -> vector<128x128xf32>
    %iota3A_839 = tpu.iota {dimensions = array<i32: 0>} : vector<128x128xi32>
    %jit3A_840 = arith.constant 32 : i32
    %div3A_841 = vector.broadcast %jit3A_840 : i32 to vector<128x128xi32>
    %div3A_842 = arith.divsi %iota3A_839, %div3A_841 : vector<128x128xi32>
    %sign3A_843 = arith.constant 0 : i32
    %sign3A_844 = vector.broadcast %sign3A_843 : i32 to vector<128x128xi32>
    %sign3A_845 = arith.cmpi sgt, %iota3A_839, %sign3A_844 : vector<128x128xi32>
    %sign3A_846 = arith.extui %sign3A_845 : vector<128x128xi1> to vector<128x128xi32>
    %sign3A_847 = arith.constant 0 : i32
    %sign3A_848 = vector.broadcast %sign3A_847 : i32 to vector<128x128xi32>
    %sign3A_849 = arith.cmpi slt, %iota3A_839, %sign3A_848 : vector<128x128xi32>
    %sign3A_850 = arith.extui %sign3A_849 : vector<128x128xi1> to vector<128x128xi32>
    %sign3A_851 = arith.subi %sign3A_846, %sign3A_850 : vector<128x128xi32>
    %sign3A_852 = arith.constant 0 : i32
    %sign3A_853 = arith.cmpi sgt, %jit3A_840, %sign3A_852 : i32
    %sign3A_854 = arith.extui %sign3A_853 : i1 to i32
    %sign3A_855 = arith.constant 0 : i32
    %sign3A_856 = arith.cmpi slt, %jit3A_840, %sign3A_855 : i32
    %sign3A_857 = arith.extui %sign3A_856 : i1 to i32
    %sign3A_858 = arith.subi %sign3A_854, %sign3A_857 : i32
    %ne3A_859 = vector.broadcast %sign3A_858 : i32 to vector<128x128xi32>
    %ne3A_860 = arith.cmpi ne, %sign3A_851, %ne3A_859 : vector<128x128xi32>
    %rem3A_861 = vector.broadcast %jit3A_840 : i32 to vector<128x128xi32>
    %rem3A_862 = arith.remsi %iota3A_839, %rem3A_861 : vector<128x128xi32>
    %ne3A_863 = arith.constant 0 : i32
    %ne3A_864 = vector.broadcast %ne3A_863 : i32 to vector<128x128xi32>
    %ne3A_865 = arith.cmpi ne, %rem3A_862, %ne3A_864 : vector<128x128xi32>
    %and3A_866 = arith.andi %ne3A_860, %ne3A_865 : vector<128x128xi1>
    %sub3A_867 = arith.constant 1 : i32
    %sub3A_868 = vector.broadcast %sub3A_867 : i32 to vector<128x128xi32>
    %sub3A_869 = arith.subi %div3A_842, %sub3A_868 : vector<128x128xi32>
    %select_n3A_870 = arith.select %and3A_866, %sub3A_869, %div3A_842 : vector<128x128xi1>, vector<128x128xi32>
    %iota3A_871 = tpu.iota {dimensions = array<i32: 1>} : vector<128x128xi32>
    %jit3A_872 = arith.constant 32 : i32
    %div3A_873 = vector.broadcast %jit3A_872 : i32 to vector<128x128xi32>
    %div3A_874 = arith.divsi %iota3A_871, %div3A_873 : vector<128x128xi32>
    %sign3A_875 = arith.constant 0 : i32
    %sign3A_876 = vector.broadcast %sign3A_875 : i32 to vector<128x128xi32>
    %sign3A_877 = arith.cmpi sgt, %iota3A_871, %sign3A_876 : vector<128x128xi32>
    %sign3A_878 = arith.extui %sign3A_877 : vector<128x128xi1> to vector<128x128xi32>
    %sign3A_879 = arith.constant 0 : i32
    %sign3A_880 = vector.broadcast %sign3A_879 : i32 to vector<128x128xi32>
    %sign3A_881 = arith.cmpi slt, %iota3A_871, %sign3A_880 : vector<128x128xi32>
    %sign3A_882 = arith.extui %sign3A_881 : vector<128x128xi1> to vector<128x128xi32>
    %sign3A_883 = arith.subi %sign3A_878, %sign3A_882 : vector<128x128xi32>
    %sign3A_884 = arith.constant 0 : i32
    %sign3A_885 = arith.cmpi sgt, %jit3A_872, %sign3A_884 : i32
    %sign3A_886 = arith.extui %sign3A_885 : i1 to i32
    %sign3A_887 = arith.constant 0 : i32
    %sign3A_888 = arith.cmpi slt, %jit3A_872, %sign3A_887 : i32
    %sign3A_889 = arith.extui %sign3A_888 : i1 to i32
    %sign3A_890 = arith.subi %sign3A_886, %sign3A_889 : i32
    %ne3A_891 = vector.broadcast %sign3A_890 : i32 to vector<128x128xi32>
    %ne3A_892 = arith.cmpi ne, %sign3A_883, %ne3A_891 : vector<128x128xi32>
    %rem3A_893 = vector.broadcast %jit3A_872 : i32 to vector<128x128xi32>
    %rem3A_894 = arith.remsi %iota3A_871, %rem3A_893 : vector<128x128xi32>
    %ne3A_895 = arith.constant 0 : i32
    %ne3A_896 = vector.broadcast %ne3A_895 : i32 to vector<128x128xi32>
    %ne3A_897 = arith.cmpi ne, %rem3A_894, %ne3A_896 : vector<128x128xi32>
    %and3A_898 = arith.andi %ne3A_892, %ne3A_897 : vector<128x128xi1>
    %sub3A_899 = arith.constant 1 : i32
    %sub3A_900 = vector.broadcast %sub3A_899 : i32 to vector<128x128xi32>
    %sub3A_901 = arith.subi %div3A_874, %sub3A_900 : vector<128x128xi32>
    %select_n3A_902 = arith.select %and3A_898, %sub3A_901, %div3A_874 : vector<128x128xi1>, vector<128x128xi32>
    %eq3A_903 = arith.cmpi eq, %select_n3A_870, %select_n3A_902 : vector<128x128xi32>
    %convert_element_type3A_904 = arith.extui %eq3A_903 : vector<128x128xi1> to vector<128x128xi32>
    %convert_element_type3A_905 = arith.sitofp %convert_element_type3A_904 : vector<128x128xi32> to vector<128x128xf32>
    %mul3A_906 = arith.mulf %tile3A_838, %convert_element_type3A_905 : vector<128x128xf32>
    %dot_general3A_907 = arith.constant dense<0.000000e+00> : vector<3128x128xf32>
    %dot_general3A_908 = tpu.matmul %div3A_833, %mul3A_906, %dot_general3A_907 {dimension_numbers = #tpu.dot_dimension_numbers<[1], [1], [0], [0], [0, 0, 1, 0], [], []>, transpose_lhs_hint = false} : vector<3128x128xf32>, vector<128x128xf32>, vector<3128x128xf32> -> vector<3128x128xf32>
    %get3A_909 = arith.constant 0 : index
    %get3A_910 = arith.constant 0 : index
    %get3A_911 = vector.load %arg8[%get3A_909, %get3A_910] : memref<1x32xf32, #tpu.memory_space<vmem>>, vector<1x32xf32>
    %tile3A_912 = tpu.concatenate %get3A_911, %get3A_911, %get3A_911, %get3A_911 in 1 : vector<1x32xf32>, vector<1x32xf32>, vector<1x32xf32>, vector<1x32xf32> -> vector<1x128xf32>
    %add3A_913 = vector.broadcast %tile3A_912 : vector<1x128xf32> to vector<3128x128xf32>
    %add3A_914 = arith.addf %dot_general3A_908, %add3A_913 : vector<3128x128xf32>
    %get3A_915 = arith.constant 0 : index
    %get3A_916 = arith.constant 0 : index
    %get3A_917 = vector.load %arg9[%get3A_915, %get3A_916] : memref<1x32xf32, #tpu.memory_space<vmem>>, vector<1x32xf32>
    %get3A_918 = arith.constant 0 : index
    %get3A_919 = arith.constant 0 : index
    %get3A_920 = vector.load %arg10[%get3A_918, %get3A_919] : memref<1x32xf32, #tpu.memory_space<vmem>>, vector<1x32xf32>
    %iota3A_921 = tpu.iota {dimensions = array<i32: 0>} : vector<128x128xi32>
    %jit3A_922 = arith.constant 32 : i32
    %div3A_923 = vector.broadcast %jit3A_922 : i32 to vector<128x128xi32>
    %div3A_924 = arith.divsi %iota3A_921, %div3A_923 : vector<128x128xi32>
    %sign3A_925 = arith.constant 0 : i32
    %sign3A_926 = vector.broadcast %sign3A_925 : i32 to vector<128x128xi32>
    %sign3A_927 = arith.cmpi sgt, %iota3A_921, %sign3A_926 : vector<128x128xi32>
    %sign3A_928 = arith.extui %sign3A_927 : vector<128x128xi1> to vector<128x128xi32>
    %sign3A_929 = arith.constant 0 : i32
    %sign3A_930 = vector.broadcast %sign3A_929 : i32 to vector<128x128xi32>
    %sign3A_931 = arith.cmpi slt, %iota3A_921, %sign3A_930 : vector<128x128xi32>
    %sign3A_932 = arith.extui %sign3A_931 : vector<128x128xi1> to vector<128x128xi32>
    %sign3A_933 = arith.subi %sign3A_928, %sign3A_932 : vector<128x128xi32>
    %sign3A_934 = arith.constant 0 : i32
    %sign3A_935 = arith.cmpi sgt, %jit3A_922, %sign3A_934 : i32
    %sign3A_936 = arith.extui %sign3A_935 : i1 to i32
    %sign3A_937 = arith.constant 0 : i32
    %sign3A_938 = arith.cmpi slt, %jit3A_922, %sign3A_937 : i32
    %sign3A_939 = arith.extui %sign3A_938 : i1 to i32
    %sign3A_940 = arith.subi %sign3A_936, %sign3A_939 : i32
    %ne3A_941 = vector.broadcast %sign3A_940 : i32 to vector<128x128xi32>
    %ne3A_942 = arith.cmpi ne, %sign3A_933, %ne3A_941 : vector<128x128xi32>
    %rem3A_943 = vector.broadcast %jit3A_922 : i32 to vector<128x128xi32>
    %rem3A_944 = arith.remsi %iota3A_921, %rem3A_943 : vector<128x128xi32>
    %ne3A_945 = arith.constant 0 : i32
    %ne3A_946 = vector.broadcast %ne3A_945 : i32 to vector<128x128xi32>
    %ne3A_947 = arith.cmpi ne, %rem3A_944, %ne3A_946 : vector<128x128xi32>
    %and3A_948 = arith.andi %ne3A_942, %ne3A_947 : vector<128x128xi1>
    %sub3A_949 = arith.constant 1 : i32
    %sub3A_950 = vector.broadcast %sub3A_949 : i32 to vector<128x128xi32>
    %sub3A_951 = arith.subi %div3A_924, %sub3A_950 : vector<128x128xi32>
    %select_n3A_952 = arith.select %and3A_948, %sub3A_951, %div3A_924 : vector<128x128xi1>, vector<128x128xi32>
    %iota3A_953 = tpu.iota {dimensions = array<i32: 1>} : vector<128x128xi32>
    %jit3A_954 = arith.constant 32 : i32
    %div3A_955 = vector.broadcast %jit3A_954 : i32 to vector<128x128xi32>
    %div3A_956 = arith.divsi %iota3A_953, %div3A_955 : vector<128x128xi32>
    %sign3A_957 = arith.constant 0 : i32
    %sign3A_958 = vector.broadcast %sign3A_957 : i32 to vector<128x128xi32>
    %sign3A_959 = arith.cmpi sgt, %iota3A_953, %sign3A_958 : vector<128x128xi32>
    %sign3A_960 = arith.extui %sign3A_959 : vector<128x128xi1> to vector<128x128xi32>
    %sign3A_961 = arith.constant 0 : i32
    %sign3A_962 = vector.broadcast %sign3A_961 : i32 to vector<128x128xi32>
    %sign3A_963 = arith.cmpi slt, %iota3A_953, %sign3A_962 : vector<128x128xi32>
    %sign3A_964 = arith.extui %sign3A_963 : vector<128x128xi1> to vector<128x128xi32>
    %sign3A_965 = arith.subi %sign3A_960, %sign3A_964 : vector<128x128xi32>
    %sign3A_966 = arith.constant 0 : i32
    %sign3A_967 = arith.cmpi sgt, %jit3A_954, %sign3A_966 : i32
    %sign3A_968 = arith.extui %sign3A_967 : i1 to i32
    %sign3A_969 = arith.constant 0 : i32
    %sign3A_970 = arith.cmpi slt, %jit3A_954, %sign3A_969 : i32
    %sign3A_971 = arith.extui %sign3A_970 : i1 to i32
    %sign3A_972 = arith.subi %sign3A_968, %sign3A_971 : i32
    %ne3A_973 = vector.broadcast %sign3A_972 : i32 to vector<128x128xi32>
    %ne3A_974 = arith.cmpi ne, %sign3A_965, %ne3A_973 : vector<128x128xi32>
    %rem3A_975 = vector.broadcast %jit3A_954 : i32 to vector<128x128xi32>
    %rem3A_976 = arith.remsi %iota3A_953, %rem3A_975 : vector<128x128xi32>
    %ne3A_977 = arith.constant 0 : i32
    %ne3A_978 = vector.broadcast %ne3A_977 : i32 to vector<128x128xi32>
    %ne3A_979 = arith.cmpi ne, %rem3A_976, %ne3A_978 : vector<128x128xi32>
    %and3A_980 = arith.andi %ne3A_974, %ne3A_979 : vector<128x128xi1>
    %sub3A_981 = arith.constant 1 : i32
    %sub3A_982 = vector.broadcast %sub3A_981 : i32 to vector<128x128xi32>
    %sub3A_983 = arith.subi %div3A_956, %sub3A_982 : vector<128x128xi32>
    %select_n3A_984 = arith.select %and3A_980, %sub3A_983, %div3A_956 : vector<128x128xi1>, vector<128x128xi32>
    %eq3A_985 = arith.cmpi eq, %select_n3A_952, %select_n3A_984 : vector<128x128xi32>
    %convert_element_type3A_986 = arith.extui %eq3A_985 : vector<128x128xi1> to vector<128x128xi32>
    %convert_element_type3A_987 = arith.sitofp %convert_element_type3A_986 : vector<128x128xi32> to vector<128x128xf32>
    %mul3A_988 = arith.constant 3.125000e-02 : f32
    %mul3A_989 = vector.broadcast %mul3A_988 : f32 to vector<128x128xf32>
    %mul3A_990 = arith.mulf %convert_element_type3A_987, %mul3A_989 : vector<128x128xf32>
    %dot_general3A_991 = arith.constant dense<0.000000e+00> : vector<3128x128xf32>
    %dot_general3A_992 = tpu.matmul %add3A_914, %mul3A_990, %dot_general3A_991 {dimension_numbers = #tpu.dot_dimension_numbers<[1], [0], [0], [1], [0, 0, 1, 1], [], []>, transpose_lhs_hint = false} : vector<3128x128xf32>, vector<128x128xf32>, vector<3128x128xf32> -> vector<3128x128xf32>
    %sub3A_993 = arith.subf %add3A_914, %dot_general3A_992 : vector<3128x128xf32>
    %mul3A_994 = arith.mulf %sub3A_993, %sub3A_993 : vector<3128x128xf32>
    %dot_general3A_995 = arith.constant dense<0.000000e+00> : vector<3128x128xf32>
    %dot_general3A_996 = tpu.matmul %mul3A_994, %mul3A_990, %dot_general3A_995 {dimension_numbers = #tpu.dot_dimension_numbers<[1], [0], [0], [1], [0, 0, 1, 1], [], []>, transpose_lhs_hint = false} : vector<3128x128xf32>, vector<128x128xf32>, vector<3128x128xf32> -> vector<3128x128xf32>
    %add3A_997 = arith.constant 9.99999974E-6 : f32
    %add3A_998 = vector.broadcast %add3A_997 : f32 to vector<3128x128xf32>
    %add3A_999 = arith.addf %dot_general3A_996, %add3A_998 : vector<3128x128xf32>
    %rsqrt3A = math.rsqrt %add3A_999 : vector<3128x128xf32>
    %mul3A_1000 = arith.mulf %sub3A_993, %rsqrt3A : vector<3128x128xf32>
    %tile3A_1001 = tpu.concatenate %get3A_917, %get3A_917, %get3A_917, %get3A_917 in 1 : vector<1x32xf32>, vector<1x32xf32>, vector<1x32xf32>, vector<1x32xf32> -> vector<1x128xf32>
    %mul3A_1002 = vector.broadcast %tile3A_1001 : vector<1x128xf32> to vector<3128x128xf32>
    %mul3A_1003 = arith.mulf %mul3A_1000, %mul3A_1002 : vector<3128x128xf32>
    %tile3A_1004 = tpu.concatenate %get3A_920, %get3A_920, %get3A_920, %get3A_920 in 1 : vector<1x32xf32>, vector<1x32xf32>, vector<1x32xf32>, vector<1x32xf32> -> vector<1x128xf32>
    %add3A_1005 = vector.broadcast %tile3A_1004 : vector<1x128xf32> to vector<3128x128xf32>
    %add3A_1006 = arith.addf %mul3A_1003, %add3A_1005 : vector<3128x128xf32>
    %max3A_1007 = arith.constant 0.000000e+00 : f32
    %max3A_1008 = vector.broadcast %max3A_1007 : f32 to vector<3128x128xf32>
    %max3A_1009 = arith.maximumf %add3A_1006, %max3A_1008 : vector<3128x128xf32>
    %get3A_1010 = arith.constant 0 : index
    %get3A_1011 = arith.constant 0 : index
    %get3A_1012 = vector.load %arg11[%get3A_1010, %get3A_1011] : memref<32x32xf32, #tpu.memory_space<vmem>>, vector<32x32xf32>
    %tile3A_1013 = tpu.concatenate %get3A_1012, %get3A_1012, %get3A_1012, %get3A_1012 in 0 : vector<32x32xf32>, vector<32x32xf32>, vector<32x32xf32>, vector<32x32xf32> -> vector<128x32xf32>
    %tile3A_1014 = tpu.concatenate %tile3A_1013, %tile3A_1013, %tile3A_1013, %tile3A_1013 in 1 : vector<128x32xf32>, vector<128x32xf32>, vector<128x32xf32>, vector<128x32xf32> -> vector<128x128xf32>
    %iota3A_1015 = tpu.iota {dimensions = array<i32: 0>} : vector<128x128xi32>
    %jit3A_1016 = arith.constant 32 : i32
    %div3A_1017 = vector.broadcast %jit3A_1016 : i32 to vector<128x128xi32>
    %div3A_1018 = arith.divsi %iota3A_1015, %div3A_1017 : vector<128x128xi32>
    %sign3A_1019 = arith.constant 0 : i32
    %sign3A_1020 = vector.broadcast %sign3A_1019 : i32 to vector<128x128xi32>
    %sign3A_1021 = arith.cmpi sgt, %iota3A_1015, %sign3A_1020 : vector<128x128xi32>
    %sign3A_1022 = arith.extui %sign3A_1021 : vector<128x128xi1> to vector<128x128xi32>
    %sign3A_1023 = arith.constant 0 : i32
    %sign3A_1024 = vector.broadcast %sign3A_1023 : i32 to vector<128x128xi32>
    %sign3A_1025 = arith.cmpi slt, %iota3A_1015, %sign3A_1024 : vector<128x128xi32>
    %sign3A_1026 = arith.extui %sign3A_1025 : vector<128x128xi1> to vector<128x128xi32>
    %sign3A_1027 = arith.subi %sign3A_1022, %sign3A_1026 : vector<128x128xi32>
    %sign3A_1028 = arith.constant 0 : i32
    %sign3A_1029 = arith.cmpi sgt, %jit3A_1016, %sign3A_1028 : i32
    %sign3A_1030 = arith.extui %sign3A_1029 : i1 to i32
    %sign3A_1031 = arith.constant 0 : i32
    %sign3A_1032 = arith.cmpi slt, %jit3A_1016, %sign3A_1031 : i32
    %sign3A_1033 = arith.extui %sign3A_1032 : i1 to i32
    %sign3A_1034 = arith.subi %sign3A_1030, %sign3A_1033 : i32
    %ne3A_1035 = vector.broadcast %sign3A_1034 : i32 to vector<128x128xi32>
    %ne3A_1036 = arith.cmpi ne, %sign3A_1027, %ne3A_1035 : vector<128x128xi32>
    %rem3A_1037 = vector.broadcast %jit3A_1016 : i32 to vector<128x128xi32>
    %rem3A_1038 = arith.remsi %iota3A_1015, %rem3A_1037 : vector<128x128xi32>
    %ne3A_1039 = arith.constant 0 : i32
    %ne3A_1040 = vector.broadcast %ne3A_1039 : i32 to vector<128x128xi32>
    %ne3A_1041 = arith.cmpi ne, %rem3A_1038, %ne3A_1040 : vector<128x128xi32>
    %and3A_1042 = arith.andi %ne3A_1036, %ne3A_1041 : vector<128x128xi1>
    %sub3A_1043 = arith.constant 1 : i32
    %sub3A_1044 = vector.broadcast %sub3A_1043 : i32 to vector<128x128xi32>
    %sub3A_1045 = arith.subi %div3A_1018, %sub3A_1044 : vector<128x128xi32>
    %select_n3A_1046 = arith.select %and3A_1042, %sub3A_1045, %div3A_1018 : vector<128x128xi1>, vector<128x128xi32>
    %iota3A_1047 = tpu.iota {dimensions = array<i32: 1>} : vector<128x128xi32>
    %jit3A_1048 = arith.constant 32 : i32
    %div3A_1049 = vector.broadcast %jit3A_1048 : i32 to vector<128x128xi32>
    %div3A_1050 = arith.divsi %iota3A_1047, %div3A_1049 : vector<128x128xi32>
    %sign3A_1051 = arith.constant 0 : i32
    %sign3A_1052 = vector.broadcast %sign3A_1051 : i32 to vector<128x128xi32>
    %sign3A_1053 = arith.cmpi sgt, %iota3A_1047, %sign3A_1052 : vector<128x128xi32>
    %sign3A_1054 = arith.extui %sign3A_1053 : vector<128x128xi1> to vector<128x128xi32>
    %sign3A_1055 = arith.constant 0 : i32
    %sign3A_1056 = vector.broadcast %sign3A_1055 : i32 to vector<128x128xi32>
    %sign3A_1057 = arith.cmpi slt, %iota3A_1047, %sign3A_1056 : vector<128x128xi32>
    %sign3A_1058 = arith.extui %sign3A_1057 : vector<128x128xi1> to vector<128x128xi32>
    %sign3A_1059 = arith.subi %sign3A_1054, %sign3A_1058 : vector<128x128xi32>
    %sign3A_1060 = arith.constant 0 : i32
    %sign3A_1061 = arith.cmpi sgt, %jit3A_1048, %sign3A_1060 : i32
    %sign3A_1062 = arith.extui %sign3A_1061 : i1 to i32
    %sign3A_1063 = arith.constant 0 : i32
    %sign3A_1064 = arith.cmpi slt, %jit3A_1048, %sign3A_1063 : i32
    %sign3A_1065 = arith.extui %sign3A_1064 : i1 to i32
    %sign3A_1066 = arith.subi %sign3A_1062, %sign3A_1065 : i32
    %ne3A_1067 = vector.broadcast %sign3A_1066 : i32 to vector<128x128xi32>
    %ne3A_1068 = arith.cmpi ne, %sign3A_1059, %ne3A_1067 : vector<128x128xi32>
    %rem3A_1069 = vector.broadcast %jit3A_1048 : i32 to vector<128x128xi32>
    %rem3A_1070 = arith.remsi %iota3A_1047, %rem3A_1069 : vector<128x128xi32>
    %ne3A_1071 = arith.constant 0 : i32
    %ne3A_1072 = vector.broadcast %ne3A_1071 : i32 to vector<128x128xi32>
    %ne3A_1073 = arith.cmpi ne, %rem3A_1070, %ne3A_1072 : vector<128x128xi32>
    %and3A_1074 = arith.andi %ne3A_1068, %ne3A_1073 : vector<128x128xi1>
    %sub3A_1075 = arith.constant 1 : i32
    %sub3A_1076 = vector.broadcast %sub3A_1075 : i32 to vector<128x128xi32>
    %sub3A_1077 = arith.subi %div3A_1050, %sub3A_1076 : vector<128x128xi32>
    %select_n3A_1078 = arith.select %and3A_1074, %sub3A_1077, %div3A_1050 : vector<128x128xi1>, vector<128x128xi32>
    %eq3A_1079 = arith.cmpi eq, %select_n3A_1046, %select_n3A_1078 : vector<128x128xi32>
    %convert_element_type3A_1080 = arith.extui %eq3A_1079 : vector<128x128xi1> to vector<128x128xi32>
    %convert_element_type3A_1081 = arith.sitofp %convert_element_type3A_1080 : vector<128x128xi32> to vector<128x128xf32>
    %mul3A_1082 = arith.mulf %tile3A_1014, %convert_element_type3A_1081 : vector<128x128xf32>
    %dot_general3A_1083 = arith.constant dense<0.000000e+00> : vector<3128x128xf32>
    %dot_general3A_1084 = tpu.matmul %max3A_1009, %mul3A_1082, %dot_general3A_1083 {dimension_numbers = #tpu.dot_dimension_numbers<[1], [1], [0], [0], [0, 0, 1, 0], [], []>, transpose_lhs_hint = false} : vector<3128x128xf32>, vector<128x128xf32>, vector<3128x128xf32> -> vector<3128x128xf32>
    %get3A_1085 = arith.constant 0 : index
    %get3A_1086 = arith.constant 0 : index
    %get3A_1087 = vector.load %arg12[%get3A_1085, %get3A_1086] : memref<1x32xf32, #tpu.memory_space<vmem>>, vector<1x32xf32>
    %tile3A_1088 = tpu.concatenate %get3A_1087, %get3A_1087, %get3A_1087, %get3A_1087 in 1 : vector<1x32xf32>, vector<1x32xf32>, vector<1x32xf32>, vector<1x32xf32> -> vector<1x128xf32>
    %add3A_1089 = vector.broadcast %tile3A_1088 : vector<1x128xf32> to vector<3128x128xf32>
    %add3A_1090 = arith.addf %dot_general3A_1084, %add3A_1089 : vector<3128x128xf32>
    %get3A_1091 = arith.constant 0 : index
    %get3A_1092 = arith.constant 0 : index
    %get3A_1093 = vector.load %arg15[%get3A_1091, %get3A_1092] : memref<1x1xf32, #tpu.memory_space<vmem>>, vector<1x1xf32>
    %get3A_1094 = vector.extract %get3A_1093[0, 0] : f32 from vector<1x1xf32>
    %mul3A_1095 = vector.broadcast %get3A_1094 : f32 to vector<3128x128xf32>
    %mul3A_1096 = arith.mulf %mul3A_1095, %add3A_1090 : vector<3128x128xf32>
    %get3A_1097 = arith.constant 0 : index
    %get3A_1098 = arith.constant 0 : index
    %get3A_1099 = vector.load %arg3[%get3A_1097, %get3A_1098] : memref<3128x128xf32, #tpu.memory_space<vmem>>, vector<3128x128xf32>
    %add3A_1100 = arith.addf %mul3A_1096, %get3A_1099 : vector<3128x128xf32>
    %get3A_1101 = arith.constant 0 : index
    %get3A_1102 = arith.constant 0 : index
    %get3A_1103 = vector.load %arg13[%get3A_1101, %get3A_1102] : memref<1x32xf32, #tpu.memory_space<vmem>>, vector<1x32xf32>
    %get3A_1104 = arith.constant 0 : index
    %get3A_1105 = arith.constant 0 : index
    %get3A_1106 = vector.load %arg14[%get3A_1104, %get3A_1105] : memref<1x32xf32, #tpu.memory_space<vmem>>, vector<1x32xf32>
    %iota3A_1107 = tpu.iota {dimensions = array<i32: 0>} : vector<128x128xi32>
    %jit3A_1108 = arith.constant 32 : i32
    %div3A_1109 = vector.broadcast %jit3A_1108 : i32 to vector<128x128xi32>
    %div3A_1110 = arith.divsi %iota3A_1107, %div3A_1109 : vector<128x128xi32>
    %sign3A_1111 = arith.constant 0 : i32
    %sign3A_1112 = vector.broadcast %sign3A_1111 : i32 to vector<128x128xi32>
    %sign3A_1113 = arith.cmpi sgt, %iota3A_1107, %sign3A_1112 : vector<128x128xi32>
    %sign3A_1114 = arith.extui %sign3A_1113 : vector<128x128xi1> to vector<128x128xi32>
    %sign3A_1115 = arith.constant 0 : i32
    %sign3A_1116 = vector.broadcast %sign3A_1115 : i32 to vector<128x128xi32>
    %sign3A_1117 = arith.cmpi slt, %iota3A_1107, %sign3A_1116 : vector<128x128xi32>
    %sign3A_1118 = arith.extui %sign3A_1117 : vector<128x128xi1> to vector<128x128xi32>
    %sign3A_1119 = arith.subi %sign3A_1114, %sign3A_1118 : vector<128x128xi32>
    %sign3A_1120 = arith.constant 0 : i32
    %sign3A_1121 = arith.cmpi sgt, %jit3A_1108, %sign3A_1120 : i32
    %sign3A_1122 = arith.extui %sign3A_1121 : i1 to i32
    %sign3A_1123 = arith.constant 0 : i32
    %sign3A_1124 = arith.cmpi slt, %jit3A_1108, %sign3A_1123 : i32
    %sign3A_1125 = arith.extui %sign3A_1124 : i1 to i32
    %sign3A_1126 = arith.subi %sign3A_1122, %sign3A_1125 : i32
    %ne3A_1127 = vector.broadcast %sign3A_1126 : i32 to vector<128x128xi32>
    %ne3A_1128 = arith.cmpi ne, %sign3A_1119, %ne3A_1127 : vector<128x128xi32>
    %rem3A_1129 = vector.broadcast %jit3A_1108 : i32 to vector<128x128xi32>
    %rem3A_1130 = arith.remsi %iota3A_1107, %rem3A_1129 : vector<128x128xi32>
    %ne3A_1131 = arith.constant 0 : i32
    %ne3A_1132 = vector.broadcast %ne3A_1131 : i32 to vector<128x128xi32>
    %ne3A_1133 = arith.cmpi ne, %rem3A_1130, %ne3A_1132 : vector<128x128xi32>
    %and3A_1134 = arith.andi %ne3A_1128, %ne3A_1133 : vector<128x128xi1>
    %sub3A_1135 = arith.constant 1 : i32
    %sub3A_1136 = vector.broadcast %sub3A_1135 : i32 to vector<128x128xi32>
    %sub3A_1137 = arith.subi %div3A_1110, %sub3A_1136 : vector<128x128xi32>
    %select_n3A_1138 = arith.select %and3A_1134, %sub3A_1137, %div3A_1110 : vector<128x128xi1>, vector<128x128xi32>
    %iota3A_1139 = tpu.iota {dimensions = array<i32: 1>} : vector<128x128xi32>
    %jit3A_1140 = arith.constant 32 : i32
    %div3A_1141 = vector.broadcast %jit3A_1140 : i32 to vector<128x128xi32>
    %div3A_1142 = arith.divsi %iota3A_1139, %div3A_1141 : vector<128x128xi32>
    %sign3A_1143 = arith.constant 0 : i32
    %sign3A_1144 = vector.broadcast %sign3A_1143 : i32 to vector<128x128xi32>
    %sign3A_1145 = arith.cmpi sgt, %iota3A_1139, %sign3A_1144 : vector<128x128xi32>
    %sign3A_1146 = arith.extui %sign3A_1145 : vector<128x128xi1> to vector<128x128xi32>
    %sign3A_1147 = arith.constant 0 : i32
    %sign3A_1148 = vector.broadcast %sign3A_1147 : i32 to vector<128x128xi32>
    %sign3A_1149 = arith.cmpi slt, %iota3A_1139, %sign3A_1148 : vector<128x128xi32>
    %sign3A_1150 = arith.extui %sign3A_1149 : vector<128x128xi1> to vector<128x128xi32>
    %sign3A_1151 = arith.subi %sign3A_1146, %sign3A_1150 : vector<128x128xi32>
    %sign3A_1152 = arith.constant 0 : i32
    %sign3A_1153 = arith.cmpi sgt, %jit3A_1140, %sign3A_1152 : i32
    %sign3A_1154 = arith.extui %sign3A_1153 : i1 to i32
    %sign3A_1155 = arith.constant 0 : i32
    %sign3A_1156 = arith.cmpi slt, %jit3A_1140, %sign3A_1155 : i32
    %sign3A_1157 = arith.extui %sign3A_1156 : i1 to i32
    %sign3A_1158 = arith.subi %sign3A_1154, %sign3A_1157 : i32
    %ne3A_1159 = vector.broadcast %sign3A_1158 : i32 to vector<128x128xi32>
    %ne3A_1160 = arith.cmpi ne, %sign3A_1151, %ne3A_1159 : vector<128x128xi32>
    %rem3A_1161 = vector.broadcast %jit3A_1140 : i32 to vector<128x128xi32>
    %rem3A_1162 = arith.remsi %iota3A_1139, %rem3A_1161 : vector<128x128xi32>
    %ne3A_1163 = arith.constant 0 : i32
    %ne3A_1164 = vector.broadcast %ne3A_1163 : i32 to vector<128x128xi32>
    %ne3A_1165 = arith.cmpi ne, %rem3A_1162, %ne3A_1164 : vector<128x128xi32>
    %and3A_1166 = arith.andi %ne3A_1160, %ne3A_1165 : vector<128x128xi1>
    %sub3A_1167 = arith.constant 1 : i32
    %sub3A_1168 = vector.broadcast %sub3A_1167 : i32 to vector<128x128xi32>
    %sub3A_1169 = arith.subi %div3A_1142, %sub3A_1168 : vector<128x128xi32>
    %select_n3A_1170 = arith.select %and3A_1166, %sub3A_1169, %div3A_1142 : vector<128x128xi1>, vector<128x128xi32>
    %eq3A_1171 = arith.cmpi eq, %select_n3A_1138, %select_n3A_1170 : vector<128x128xi32>
    %convert_element_type3A_1172 = arith.extui %eq3A_1171 : vector<128x128xi1> to vector<128x128xi32>
    %convert_element_type3A_1173 = arith.sitofp %convert_element_type3A_1172 : vector<128x128xi32> to vector<128x128xf32>
    %mul3A_1174 = arith.constant 3.125000e-02 : f32
    %mul3A_1175 = vector.broadcast %mul3A_1174 : f32 to vector<128x128xf32>
    %mul3A_1176 = arith.mulf %convert_element_type3A_1173, %mul3A_1175 : vector<128x128xf32>
    %dot_general3A_1177 = arith.constant dense<0.000000e+00> : vector<3128x128xf32>
    %dot_general3A_1178 = tpu.matmul %add3A_1100, %mul3A_1176, %dot_general3A_1177 {dimension_numbers = #tpu.dot_dimension_numbers<[1], [0], [0], [1], [0, 0, 1, 1], [], []>, transpose_lhs_hint = false} : vector<3128x128xf32>, vector<128x128xf32>, vector<3128x128xf32> -> vector<3128x128xf32>
    %sub3A_1179 = arith.subf %add3A_1100, %dot_general3A_1178 : vector<3128x128xf32>
    %mul3A_1180 = arith.mulf %sub3A_1179, %sub3A_1179 : vector<3128x128xf32>
    %dot_general3A_1181 = arith.constant dense<0.000000e+00> : vector<3128x128xf32>
    %dot_general3A_1182 = tpu.matmul %mul3A_1180, %mul3A_1176, %dot_general3A_1181 {dimension_numbers = #tpu.dot_dimension_numbers<[1], [0], [0], [1], [0, 0, 1, 1], [], []>, transpose_lhs_hint = false} : vector<3128x128xf32>, vector<128x128xf32>, vector<3128x128xf32> -> vector<3128x128xf32>
    %add3A_1183 = arith.constant 9.99999974E-6 : f32
    %add3A_1184 = vector.broadcast %add3A_1183 : f32 to vector<3128x128xf32>
    %add3A_1185 = arith.addf %dot_general3A_1182, %add3A_1184 : vector<3128x128xf32>
    %rsqrt3A_1186 = math.rsqrt %add3A_1185 : vector<3128x128xf32>
    %mul3A_1187 = arith.mulf %sub3A_1179, %rsqrt3A_1186 : vector<3128x128xf32>
    %tile3A_1188 = tpu.concatenate %get3A_1103, %get3A_1103, %get3A_1103, %get3A_1103 in 1 : vector<1x32xf32>, vector<1x32xf32>, vector<1x32xf32>, vector<1x32xf32> -> vector<1x128xf32>
    %mul3A_1189 = vector.broadcast %tile3A_1188 : vector<1x128xf32> to vector<3128x128xf32>
    %mul3A_1190 = arith.mulf %mul3A_1187, %mul3A_1189 : vector<3128x128xf32>
    %tile3A_1191 = tpu.concatenate %get3A_1106, %get3A_1106, %get3A_1106, %get3A_1106 in 1 : vector<1x32xf32>, vector<1x32xf32>, vector<1x32xf32>, vector<1x32xf32> -> vector<1x128xf32>
    %add3A_1192 = vector.broadcast %tile3A_1191 : vector<1x128xf32> to vector<3128x128xf32>
    %add3A_1193 = arith.addf %mul3A_1190, %add3A_1192 : vector<3128x128xf32>
    %swap3A = arith.constant 0 : index
    %swap3A_1194 = arith.constant 0 : index
    %swap3A_1195 = vector.load %arg16[%swap3A, %swap3A_1194] : memref<3128x128xf32, #tpu.memory_space<vmem>>, vector<3128x128xf32>
    tpu.vector_store %arg16[%swap3A, %swap3A_1194], %add3A_1193 {strides = array<i32>} : memref<3128x128xf32, #tpu.memory_space<vmem>>, vector<3128x128xf32>,
    return
  }
  func.func @transform_0(%arg0: i32) -> (i32, i32, i32) {
    %c0_i32 = arith.constant 0 : i32
    %c0_i32_0 = arith.constant 0 : i32
    %c0_i32_1 = arith.constant 0 : i32
    return %c0_i32, %arg0, %c0_i32_0 : i32, i32, i32
  }
  func.func @transform_1(%arg0: i32) -> (i32, i32, i32) {
    %c0_i32 = arith.constant 0 : i32
    %c0_i32_0 = arith.constant 0 : i32
    %c0_i32_1 = arith.constant 0 : i32
    return %c0_i32, %arg0, %c0_i32_0 : i32, i32, i32
  }
  func.func @transform_2(%arg0: i32) -> (i32, i32) {
    %c0_i32 = arith.constant 0 : i32
    %c0_i32_0 = arith.constant 0 : i32
    return %arg0, %c0_i32 : i32, i32
  }
  func.func @transform_3(%arg0: i32) -> (i32, i32) {
    %c0_i32 = arith.constant 0 : i32
    %c0_i32_0 = arith.constant 0 : i32
    return %arg0, %c0_i32 : i32, i32
  }
  func.func @transform_4(%arg0: i32) -> (i32, i32, i32) {
    %c0_i32 = arith.constant 0 : i32
    %c0_i32_0 = arith.constant 0 : i32
    %c0_i32_1 = arith.constant 0 : i32
    %c0_i32_2 = arith.constant 0 : i32
    return %c0_i32, %c0_i32_0, %c0_i32_1 : i32, i32, i32
  }
  func.func @transform_5(%arg0: i32) -> (i32, i32, i32) {
    %c0_i32 = arith.constant 0 : i32
    %c0_i32_0 = arith.constant 0 : i32
    %c0_i32_1 = arith.constant 0 : i32
    %c0_i32_2 = arith.constant 0 : i32
    return %c0_i32, %c0_i32_0, %c0_i32_1 : i32, i32, i32
  }
  func.func @transform_6(%arg0: i32) -> (i32, i32) {
    %c0_i32 = arith.constant 0 : i32
    %c0_i32_0 = arith.constant 0 : i32
    %c0_i32_1 = arith.constant 0 : i32
    return %c0_i32, %c0_i32_0 : i32, i32
  }
  func.func @transform_7(%arg0: i32) -> (i32, i32) {
    %c0_i32 = arith.constant 0 : i32
    %c0_i32_0 = arith.constant 0 : i32
    %c0_i32_1 = arith.constant 0 : i32
    return %c0_i32, %c0_i32_0 : i32, i32
  }
  func.func @transform_8(%arg0: i32) -> (i32, i32) {
    %c0_i32 = arith.constant 0 : i32
    %c0_i32_0 = arith.constant 0 : i32
    %c0_i32_1 = arith.constant 0 : i32
    return %c0_i32, %c0_i32_0 : i32, i32
  }
  func.func @transform_9(%arg0: i32) -> (i32, i32) {
    %c0_i32 = arith.constant 0 : i32
    %c0_i32_0 = arith.constant 0 : i32
    %c0_i32_1 = arith.constant 0 : i32
    return %c0_i32, %c0_i32_0 : i32, i32
  }
  func.func @transform_10(%arg0: i32) -> (i32, i32) {
    %c0_i32 = arith.constant 0 : i32
    %c0_i32_0 = arith.constant 0 : i32
    %c0_i32_1 = arith.constant 0 : i32
    return %c0_i32, %c0_i32_0 : i32, i32
  }
  func.func @transform_11(%arg0: i32) -> (i32, i32) {
    %c0_i32 = arith.constant 0 : i32
    %c0_i32_0 = arith.constant 0 : i32
    %c0_i32_1 = arith.constant 0 : i32
    return %c0_i32, %c0_i32_0 : i32, i32
  }
  func.func @transform_12(%arg0: i32) -> (i32, i32) {
    %c0_i32 = arith.constant 0 : i32
    %c0_i32_0 = arith.constant 0 : i32
    %c0_i32_1 = arith.constant 0 : i32
    return %c0_i32, %c0_i32_0 : i32, i32
  }
  func.func @transform_13(%arg0: i32) -> (i32, i32) {
    %c0_i32 = arith.constant 0 : i32
    %c0_i32_0 = arith.constant 0 : i32
    %c0_i32_1 = arith.constant 0 : i32
    return %c0_i32, %c0_i32_0 : i32, i32
  }
  func.func @transform_14(%arg0: i32) -> (i32, i32) {
    %c0_i32 = arith.constant 0 : i32
    %c0_i32_0 = arith.constant 0 : i32
    %c0_i32_1 = arith.constant 0 : i32
    return %c0_i32, %c0_i32_0 : i32, i32
  }
  func.func @transform_15(%arg0: i32) -> (i32, i32) {
    %c0_i32 = arith.constant 0 : i32
    %c0_i32_0 = arith.constant 0 : i32
    return %arg0, %c0_i32 : i32, i32
  }
}

</mosaic_0001>

<sc_bundles>
// kernel: kernel.6.cloned.1.call-start
scs
__scs_entry_jumppad:
0x0: {  	(pc) =	sbr.rel $0x88, $3  }
0x1: {  	(tag) =	ssettag $0x0;
	lr =	simm.s32 $0x1  }
0x2: {  	[smem:$0x3F90] =	sst lr;
	_ =	strace $0xD0000000  }
0x3: {  	_ = 	snop  }
0x4: {  	_ = 	snop  }
0x5: {  	_ = 	snop  }
0x6: {  	_ = 	snop  }
0x7: {  	_ = 	snop  }
__scs_overlays_trampoline_lowered:
0x8: {  	[smem:$0x3F9F] =	sst s0  }
0x9: {  	[smem:$0x3FA0] =	sst s1  }
0xa: {  	[smem:$0x3FA1] =	sst s2  }
0xb: {  	[smem:$0x3FA2] =	sst s3  }
0xc: {  	[smem:$0x3FA3] =	sst s4  }
0xd: {  	[smem:$0x3FA4] =	sst s5  }
0xe: {  	[smem:$0x3FA5] =	sst s6  }
0xf: {  	[smem:$0x3FA6] =	sst s7  }
0x10: {  	[smem:$0x3FA7] =	sst s8  }
0x11: {  	[smem:$0x3FA8] =	sst s9;
	s0 =	simm.s32 @!p0 $0x0  }
0x12: {  	s1 =	sld [smem:$0x3F8E];
	s0 =	simm.s32 @p0 $0x1  }
0x13: {  	[smem:$0x3FA9] =	sst s0;
	s0 =	simm.s32 @!p1 $0x0  }
0x14: {  	s2 =	sld [smem:$0x3F8D];
	s0 =	simm.s32 @p1 $0x1  }
0x15: {  	[smem:$0x3FAA] =	sst s0;
	s0 =	simm.s32 @!p2 $0x0  }
0x16: {  	s3 =	sld [smem:$0x3FDB];
	s0 =	simm.s32 @p2 $0x1  }
0x17: {  	s4 =	simm.s32 $0x1BF5;
	[smem:$0x3FAC] =	sst s0  }
0x18: {  	s0 =	sld [smem:$0x3F8F];
	_ =	swait.ge [sflag:s4], $0x0  }
0x19: {  	s7 =	sld [smem:$0x3F90]  }
0x1a: {  	s8 =	sadd.s32 $0xFFFFE003, lr  }
0x1b: {  	s9 =	sadd.s32 $0xFFFFFEF7, lr;
	s5 =	simm.s32 $0xFFFFFFFF;
	p2 =	slt.u32 s8, $0xFFFFF086  }
0x1c: {  	p1 =	slt.u32 s9, $0xF7A;
	s5 =	simm.s32 @!p2 $0x0  }
0x1d: {  	s5 =	simm.s32 @p1 $0x1;
	p0 =	seq.s32 s7, s2  }
0x1e: {  	s7 =	smul.u32 @!p0 $0xF7A, s2;
	p2 =	seq.s32 @!p0 s5, $0x0  }
0x1f: {  	s9 =	smul.u32 $0xF7A, s1;
	s8 =	simm.s32 @!p0 $0x1BF5;
	p2 =	por !p2, p0  }
0x20: {  	[sflag:s8] =	ssyncset.s32 @!p0 $0xFFFFF086;
	s6 =	sadd.s32 @!p0 s3, s7;
	s7 =	simm.s32 @!p0 $0x108  }
0x21: {  	s3 =	sadd.s32 s3, s9;
	s6 =	sadd.s32 @!p0 $0x88, s6;
	s7 =	simm.s32 @p2 $0x1082  }
0x22: {  	[simem:s7], [sflag:s8] =	dma.local @!p0 [hbm:s6], $0xF7A  }
0x23: {  	s9 =	sor.u32 $0xD0000000, s2;
	s6 =	simm.s32 $0x108;
	_ =	swait.ge @!p0 [sflag:s8], $0x0  }
0x24: {  	s3 =	sadd.s32 $0x88, s3;
	s6 =	simm.s32 @!p1 $0x1082;
	[sflag:s4] =	ssyncset.s32 $0xFFFFF086  }
0x25: {  	[simem:s6], [sflag:s4] =	dma.local [hbm:s3], $0xF7A  }
0x26: {  	[smem:$0x3F90] =	sst s1;
	(tag) =	ssettag s2;
	_ =	strace s9  }
0x27: {  	s1 =	sld [smem:$0x3FA0]  }
0x28: {  	s2 =	sld [smem:$0x3FA1]  }
0x29: {  	s4 =	sld [smem:$0x3FA3]  }
0x2a: {  	p0 =	seq.s32 s5, $0x0;
	s5 =	sld [smem:$0x3FA4]  }
0x2b: {  	s6 =	sld [smem:$0x3FA5]  }
0x2c: {  	s7 =	sld [smem:$0x3FA6]  }
0x2d: {  	s3 =	simm.s32 $0x108;
	s8 =	sld [smem:$0x3FA7]  }
0x2e: {  	s3 =	simm.s32 @!p0 $0x1082;
	s9 =	sld [smem:$0x3FA8]  }
0x2f: {  	lr =	sadd.s32 s0, s3;
	s0 =	sld [smem:$0x3F9F]  }
0x30: {  	s3 =	sld [smem:$0x3FA2]  }
0x31: {  	[smem:$0x3FAB] =	sst s10  }
0x32: {  	s10 =	sld [smem:$0x3FA9];
	_ =	sdelay $0x3  }
0x33: {  	p0 =	seq.s32 s10, $0x1;
	s10 =	sld [smem:$0x3FAB];
	_ =	sdelay $0x3  }
0x34: {  	[smem:$0x3FAB] =	sst s10  }
0x35: {  	s10 =	sld [smem:$0x3FAA];
	_ =	sdelay $0x3  }
0x36: {  	p1 =	seq.s32 s10, $0x1;
	s10 =	sld [smem:$0x3FAB];
	_ =	sdelay $0x3  }
0x37: {  	[smem:$0x3FAB] =	sst s10  }
0x38: {  	s10 =	sld [smem:$0x3FAC]  }
0x39: {  	_ = 	snop;
	(pc) =	sbr.ind lr, $3  }
0x3a: {  	_ = 	snop  }
0x3b: {  	_ = 	snop  }
0x3c: {  	p2 =	seq.s32 s10, $0x1;
	s10 =	sld [smem:$0x3FAB]  }
0x3d: {  	_ =	shalt  }
0x3e: {  	_ =	shalt  }
0x3f: {  	_ =	shalt  }
0x40: {  	_ =	shalt  }
0x41: {  	_ =	shalt  }
0x42: {  	_ =	shalt  }
0x43: {  	_ =	shalt  }
0x44: {  	_ =	shalt  }
0x45: {  	_ =	shalt  }
0x46: {  	_ =	shalt  }
0x47: {  	_ =	shalt  }
0x48: {  	_ =	shalt  }
0x49: {  	_ =	shalt  }
0x4a: {  	_ =	shalt  }
0x4b: {  	_ =	shalt  }
0x4c: {  	_ =	shalt  }
0x4d: {  	_ =	shalt  }
0x4e: {  	_ =	shalt  }
0x4f: {  	_ =	shalt  }
0x50: {  	_ =	shalt  }
0x51: {  	_ =	shalt  }
0x52: {  	_ =	shalt  }
0x53: {  	_ =	shalt  }
0x54: {  	_ =	shalt  }
0x55: {  	_ =	shalt  }
0x56: {  	_ =	shalt  }
0x57: {  	_ =	shalt  }
0x58: {  	_ =	shalt  }
0x59: {  	_ =	shalt  }
0x5a: {  	_ =	shalt  }
0x5b: {  	_ =	shalt  }
0x5c: {  	_ =	shalt  }
0x5d: {  	_ =	shalt  }
0x5e: {  	_ =	shalt  }
0x5f: {  	_ =	shalt  }
0x60: {  	_ =	shalt  }
0x61: {  	_ =	shalt  }
0x62: {  	_ =	shalt  }
0x63: {  	_ =	shalt  }
0x64: {  	_ =	shalt  }
0x65: {  	_ =	shalt  }
0x66: {  	_ =	shalt  }
0x67: {  	_ =	shalt  }
0x68: {  	_ =	shalt  }
0x69: {  	_ =	shalt  }
0x6a: {  	_ =	shalt  }
0x6b: {  	_ =	shalt  }
0x6c: {  	_ =	shalt  }
0x6d: {  	_ =	shalt  }
0x6e: {  	_ =	shalt  }
0x6f: {  	_ =	shalt  }
0x70: {  	_ =	shalt  }
0x71: {  	_ =	shalt  }
0x72: {  	_ =	shalt  }
0x73: {  	_ =	shalt  }
0x74: {  	_ =	shalt  }
0x75: {  	_ =	shalt  }
0x76: {  	_ =	shalt  }
0x77: {  	_ =	shalt  }
0x78: {  	_ =	shalt  }
0x79: {  	_ =	shalt  }
0x7a: {  	_ =	shalt  }
0x7b: {  	_ =	shalt  }
0x7c: {  	_ =	shalt  }
0x7d: {  	_ =	shalt  }
0x7e: {  	_ =	shalt  }
0x7f: {  	_ =	shalt  }
0x80: {  	_ =	shalt  }
0x81: {  	_ =	shalt  }
0x82: {  	_ =	shalt  }
0x83: {  	_ =	shalt  }
0x84: {  	_ =	shalt  }
0x85: {  	_ =	shalt  }
0x86: {  	_ =	shalt  }
0x87: {  	_ =	shalt  }
.Lfunc_end0:
.L_simem_size_0:
called_computation_lowered:
.L_overlay_start_0:
0x88: {  	s2 =	sld [smem:$0x3FD9]  }
0x89: {  	s3 =	sld [smem:$0x3FFE];
	_ =	sdelay $0x1  }
0x8a: {  	s1 =	srdreg.scid  }
0x8b: {  	s0 =	sand.u32 $0x1, s1  }
0x8c: {  	s17 =	sshll.u32 s0, $0xA;
	s2 =	sadd.s32 s3, s2  }
0x8d: {  	s2 =	sadd.s32 s2, s17  }
0x8e: {  	[smem:$0x3FB7] =	sst s2  }
0x8f: {  	_ = 	snop  }
0x90: {  	s2 =	sld [smem:$0x3FD0];
	(tm) =	ssettm $0x1  }
0x91: {  	s18 =	sld [smem:$0x3FFB];
	_ =	sdelay $0x3  }
0x92: {  	_ =	strace s18  }
0x93: {  	s3 =	sld [smem:$0x3FFC];
	_ =	sdelay $0x3  }
0x94: {  	_ =	strace s3  }
0x95: {  	s3 =	sld [smem:$0x3FFD];
	_ =	sdelay $0x3  }
0x96: {  	_ =	strace s3  }
0x97: {  	_ =	strace $0x8FFFFFFF  }
0x98: {  	s19 =	sld [smem:$0x3FDB];
	_ =	sdelay $0x1  }
0x99: {  	s4 =	simm.s32 $_scs_section_size  }
0x9a: {  	s5 =	simm.s32 $_size__tile_overlayer_lowered;
	s6 =	simm.s32 $_tile_overlayer_lowered  }
0x9b: {  	s22 =	simm.s32 $0x1BFF;
	s21 =	sshll.u32 s6, $0x1;
	s3 =	sadd.s32 s4, s19  }
0x9c: {  	s7 =	simm.s32 $0x0;
	s20 =	sshll.u32 s5, $0x1;
	s5 =	sadd.s32 s21, s3  }
0x9d: {  	[timem:s7], [sflag:s22] =	dma.local [hbm:s5], s20  }
0x9e: {  	_ =	swait.ge [sflag:s22], s20  }
0x9f: {  	s4 =	ssub.s32 $0x0, s20;
	[sflag:s22] =	ssyncset.done $0x0  }
0xa0: {  	[sflag:s22] =	ssyncadd.s32 s4;
	_ =	sdelay $0x1  }
0xa1: {  	s23 =	simm.s32 $0x1B8B  }
0xa2: {  	_ =	swait.ge [sflag:s23], $0x1  }
0xa3: {  	[sflag:s23] =	ssyncset.done $0x0  }
0xa4: {  	s25 =	simm.s32 $0x1B8E;
	s24 =	sld [smem:$0x3FFE];
	[sflag:s23] =	ssyncadd.s32 $0xFFFFFFFF  }
0xa5: {  	s26 =	simm.s32 $execute0_lowered;
	[smem:$0x3FD2] =	sst s25  }
0xa6: {  	s5 =	sshll.u32 s26, $0x1;
	_ =	strace $0x80000046;
	[dreg:$0x1] =	wrdreg $0xFFFFFFFF  }
0xa7: {  	s28 =	simm.s32 $_size_execute0_lowered;
	s3 =	sadd.s32 s3, s5;
	[dreg:$0x0] =	wrdreg $0x0  }
0xa8: {  	s5 =	sshll.u32 s28, $0x1;
	[dreg:$0x2] =	wrdreg s3  }
0xa9: {  	[dreg:$0x3] =	wrdreg s5  }
0xaa: {  	[dreg:$0x4] =	wrdreg $0xC0  }
0xab: {  	_ =	task [dreg:s7], $0x5FFFF  }
0xac: {  	[dreg:$0x1] =	wrdreg $0xFFFFFFFF  }
0xad: {  	[dreg:$0x0] =	wrdreg $0x60  }
0xae: {  	[dreg:$0x2] =	wrdreg s2  }
0xaf: {  	[dreg:$0x3] =	wrdreg s24  }
0xb0: {  	[dreg:$0x4] =	wrdreg $0x5F000  }
0xb1: {  	[dreg:$0x5] =	wrdreg $0x9  }
0xb2: {  	_ =	task.clear_ibuf [dreg:s7], $0x6FFFF;
	_ =	strace $0x90000046  }
0xb3: {  	s29 =	simm.s32 $0x9;
	_ =	strace $0x80000048  }
0xb4: {  	_ =	swait.ge [sflag:s29], $0x1  }
0xb5: {  	[sflag:s29] =	ssyncadd.s32 $0xFFFFFFFF  }
0xb6: {  	_ =	strace $0x90000048  }
0xb7: {  	_ =	sfence  }
0xb8: {  	s30 =	sld [smem:$0x0];
	_ =	sdelay $0x2  }
0xb9: {  	s31 =	sshll.u32 s1, $0xD;
	s1 =	sshrl.u32 s1, $0x2  }
0xba: {  	s3 =	sand.u32 $0x4000, s31;
	s1 =	sadd.s32 s1, s30  }
0xbb: {  	s0 =	sor.u32 s3, s0;
	s1 =	sshll.u32 s1, $0x11  }
0xbc: {  	s0 =	sor.u32 s1, s0  }
0xbd: {  	s0 =	sadd.s32 $0x8F2B, s0  }
0xbe: {  	[sflag:s0] =	ssyncadd.remote.s32 $0x1  }
0xbf: {  	_ =	sfence.sel $0xFFFF  }
0xc0: {  	[dreg:$0x0] =	wrdreg $0xFFFFFFFF;
	(pc) =	sbr.abs _section_cstart, $3  }
0xc1: {  	[dreg:$0x1] =	wrdreg $0xFFFFFFFF  }
0xc2: {  	_ =	task.clear_ibuf [dreg:s7], $0x2FFFF;
	_ =	strace $0x9FFFFFFF  }
0xc3: {  	(tm) =	ssettm $0x7FFFFFFF  }
tec
execute0_lowered:
.L_overlay_start_1:
0x0: {  	(tag) =	ssettag $0x1  }
0x1: {  	s2 =	srdreg.scid;
	s1 =	rddreg [dreg:$0x0]  }
0x2: {  	s0 =	stileid.u32;
	s7 =	rddreg [dreg:$0x1]  }
0x3: {  	s3 =	rddreg [dreg:$0x2];
	s4 =	simm.s32 $0x0;
	s16 =	simm.s32 $0x80  }
0x4: {  	s17 =	simm.s32 $0x3F00;
	s18 =	simm.s32 $0x1;
	s19 =	simm.s32 $0x4F00  }
0x5: {  	s20 =	simm.s32 $0x2;
	s21 =	simm.s32 $0x3;
	s22 =	simm.s32 $0x4  }
0x6: {  	s23 =	simm.s32 $0x0;
	s6 =	sand.u32 $0x1, s2;
	s30 =	sshll.u32 s0, $0x1  }
0x7: {  	s10 =	smul.u32 $0x18700, s0;
	[smem:$0x7FF] =	sst s4;
	s5 =	sadd.s32 $0x2A00, s7  }
0x8: {  	s31 =	sshll.u32 s0, $0x6;
	s8 =	sor.u32 s6, s30;
	s11 =	smul.u32 $0x187000, s6  }
0x9: {  	_ =	strace $0x80000047;
	s13 =	ssub.s32 $0x2, s6;
	s6 =	sadd.s32 $0x1B200, s7  }
0xa: {  	s9 =	smul.u32 $0x620, s8;
	s14 =	sshrl.u32 s13, $0x1;
	s15 =	sadd.s32 s10, s3  }
.Ltmp0:
0xb: {  	s11 =	sadd.s32 s10, s11;
	s13 =	ssub.s32 s13, s14;
	(pc) =	sbr.rel .LBB2_1-.Ltmp0, $4  }
0xc: {  	s14 =	sor.u32 $0x1C06, s31;
	s15 =	sshrl.u32 s15, $0x3;
	s11 =	sshrl.u32 s11, $0x3  }
0xd: {  	s12 =	sadd.s32 s9, s7;
	s9 =	sadd.s32 s5, s9;
	s11 =	sadd.s32 s11, s7  }
0xe: {  	s7 =	smul.u32 $0x62, s8;
	s8 =	sadd.s32 $0xEE00, s12;
	s12 =	simm.s32 $0x6  }
0xf: {  	s10 =	sadd.s32 $0x1E400, s11;
	s11 =	smax.u32 s13, $0x1;
	s13 =	simm.s32 $0x3100  }
.LBB2_4:
0x10: {  	_ =	swait.ge [sflag:s22], $0x1000  }
0x11: {  	s23 =	sadd.s32 $0x1, s23;
	[sflag:s22] =	ssyncset.done $0x0  }
0x12: {  	p0 =	sne.s32 s23, s11;
	[sflag:s22] =	ssyncadd.s32 $0xFFFFF000  }
.Ltmp1:
0x13: {  	[bflag:$0x0] =	sbarrier.arrive $0xFFFF;
	(pc) =	sbr.rel @!p0 .LBB2_5-.Ltmp1, $4  }
0x14: {  	[hbm:s10], [sflag:s14] =	dma.local [spmem:s15], $0x30E0  }
0x15: {  	_ =	swait.ge [sflag:s12], $0x30E0  }
0x16: {  	[sflag:s12] =	ssyncset.done $0x0  }
0x17: {  	[sflag:s12] =	ssyncadd.s32 $0xFFFFCF20  }
.LBB2_1:
0x18: {  	[tilespmem:s4], [sflag:$0x6] =	stream.linear.gather [hbm4b:s8+s4], $0x3100, $0x38;
	[tilespmem:$0x1E600] =	vst v63  }
0x19: {  	_ =	swait.ge [sflag:s12], $0x3100  }
0x1a: {  	[sflag:s12] =	ssyncset.done $0x0  }
0x1b: {  	[sflag:s12] =	ssyncadd.s32 $0xFFFFCF00  }
0x1c: {  	[tilespmem:s13], [sflag:$0x5] =	stream.linear.gather [hbm4b:s9+s4], $0x700, $0x38;
	[tilespmem:$0x1E600] =	vst v63  }
0x1d: {  	[spmem:s15], [sflag:s14] =	dma.local [hbm:s6], $0x30E0  }
0x1e: {  	_ =	swait.ge [sflag:s12], $0x30E0  }
0x1f: {  	[sflag:s12] =	ssyncset.done $0x0  }
0x20: {  	s24 =	simm.s32 $0x100;
	[sflag:s12] =	ssyncadd.s32 $0xFFFFCF20  }
0x21: {  	s25 =	simm.s32 $0x0;
	s26 =	simm.s32 $0x0;
	[bflag:$0x0] =	sbarrier.arrive $0xFFFF  }
0x22: {  	[tilespmem:s17], [sflag:$0x1] =	stream.indirect.gather [hbm4b:s1+s16], $0x20, s4, s16, $0xb8;
	[tilespmem:$0x1E600] =	vst v63  }
.LBB2_2:
0x23: {  	s28 =	sand.u32 $0xFE, s25  }
0x24: {  	s28 =	sshrl.u32 s28, $0x1  }
0x25: {  	s28 =	smul.u32 $0x93, s28;
	_ =	sdelay $0x1  }
0x26: {  	s28 =	sshrl.u32 s28, $0xA  }
0x27: {  	s28 =	smul.u32 $0xE, s28;
	_ =	sdelay $0x1  }
0x28: {  	s28 =	ssub.s32 s25, s28  }
0x29: {  	s28 =	sand.u32 $0xFF, s28  }
0x2a: {  	p1 =	sne.s32 s28, $0x0  }
0x2b: {  	p2 =	sgt.u32 @!p1 s26, $0x29  }
0x2c: {  	p0 =	por p2, p1  }
0x2d: {  	s29 =	smul.u32 @!p0 $0x25, s26;
	_ =	sdelay $0x1  }
0x2e: {  	s29 =	sshrl.u32 @!p0 s29, $0x8  }
0x2f: {  	s30 =	ssub.s32 @!p0 s26, s29  }
0x30: {  	s30 =	sand.u32 @!p0 $0xFE, s30  }
0x31: {  	s30 =	sshrl.u32 @!p0 s30, $0x1  }
0x32: {  	s29 =	sadd.s32 @!p0 s29, s30  }
0x33: {  	s29 =	sand.u32 @!p0 $0xFC, s29  }
0x34: {  	s29 =	sshrl.u32 @!p0 s29, $0x2  }
0x35: {  	s2 =	smul.u32 $0x25, s26;
	s29 =	sadd.s32 @!p0 $0x1, s29  }
0x36: {  	s30 =	simm.s32 @!p1 $0x5;
	s31 =	sand.u32 @!p0 $0x1, s29;
	s29 =	smul.u32 @!p0 $0xE, s29  }
0x37: {  	s2 =	sshrl.u32 s2, $0x8;
	_ =	swait.ge @!p1 [sflag:s30], $0x700  }
0x38: {  	[sflag:s30] =	ssyncset.done @!p1 $0x0;
	p3 =	seq.s32 @!p0 s31, $0x1;
	s29 =	sadd.s32 @!p0 s7, s29  }
0x39: {  	[sflag:s30] =	ssyncadd.s32 @!p1 $0xFFFFF900;
	p2 =	por @!p1 !p3, p2;
	s29 =	sshll.u32 @!p0 s29, $0x4  }
0x3a: {  	s31 =	simm.s32 @!p0 $0x3800;
	p2 =	por !p2, p1;
	s29 =	sand.u32 @!p0 $0x1FFE0, s29  }
0x3b: {  	s30 =	simm.s32 @!p0 $0x0;
	s31 =	simm.s32 @!p2 $0x3100;
	s29 =	sadd.s32 @!p0 s5, s29  }
0x3c: {  	[tilespmem:s31], [sflag:$0x5] =	stream.linear.gather @!p0 [hbm4b:s29+s30], $0x700, $0x38;
	[tilespmem:$0x1E600] =	vst v63  }
0x3d: {  	s31 =	ssub.s32 s26, s2  }
0x3e: {  	s29 =	sshrl.u32 s31, $0x1  }
0x3f: {  	s2 =	sadd.s32 s2, s29  }
0x40: {  	s2 =	sshrl.u32 s2, $0x2  }
0x41: {  	s2 =	sand.u32 $0x1, s2  }
0x42: {  	_ =	swait.ge [sflag:s18], $0x1000;
	p0 =	seq.s32 s2, $0x1;
	s2 =	simm.s32 $0x3800  }
0x43: {  	s28 =	sshll.u32 s28, $0x7;
	[sflag:s18] =	ssyncset.done $0x0;
	s2 =	simm.s32 @!p0 $0x3100  }
0x44: {  	[sflag:s18] =	ssyncadd.s32 $0xFFFFF000;
	s28 =	sadd.s32 s28, s2  }
0x45: {  	[spmem:s3] =	stream.indirect.scatter.add.f32 [tilespmem:s17], [sflag:$0x3], $0x20, s28, s16, $0xb8;
	[tilespmem:$0x1E600] =	vst v63  }
0x46: {  	s28 =	sadd.s32 $0x1, s25  }
0x47: {  	s30 =	sand.u32 $0xFE, s28  }
0x48: {  	p0 =	seq.s32 s25, $0x0;
	s29 =	sshrl.u32 s30, $0x1  }
0x49: {  	s30 =	simm.s32 @!p0 $0x4;
	s29 =	smul.u32 $0x93, s29  }
0x4a: {  	_ =	swait.ge @!p0 [sflag:s30], $0x1000  }
0x4b: {  	[sflag:s30] =	ssyncset.done @!p0 $0x0;
	s29 =	sshrl.u32 s29, $0xA  }
0x4c: {  	s31 =	sadd.s32 $0xFFFFFF80, s24;
	[sflag:s30] =	ssyncadd.s32 @!p0 $0xFFFFF000;
	s29 =	smul.u32 $0xE, s29  }
0x4d: {  	[tilespmem:s19], [sflag:$0x2] =	stream.indirect.gather [hbm4b:s1+s16], $0x20, s31, s16, $0xb8;
	[tilespmem:$0x1E600] =	vst v63  }
0x4e: {  	s28 =	ssub.s32 s28, s29  }
0x4f: {  	_ =	swait.ge [sflag:s20], $0x1000;
	s28 =	sand.u32 $0xFF, s28  }
0x50: {  	p0 =	seq.s32 s25, $0x60;
	[sflag:s20] =	ssyncset.done $0x0;
	s28 =	sshll.u32 s28, $0x7  }
.Ltmp2:
0x51: {  	[sflag:s20] =	ssyncadd.s32 $0xFFFFF000;
	s2 =	sadd.s32 s28, s2;
	(pc) =	sbr.rel @p0 .LBB2_4-.Ltmp2, $4  }
0x52: {  	[spmem:s3] =	stream.indirect.scatter.add.f32 [tilespmem:s19], [sflag:$0x4], $0x20, s2, s16, $0xb8;
	[tilespmem:$0x1E600] =	vst v63  }
0x53: {  	_ =	swait.ge [sflag:s21], $0x1000  }
0x54: {  	[sflag:s21] =	ssyncset.done $0x0  }
0x55: {  	[sflag:s21] =	ssyncadd.s32 $0xFFFFF000  }
.Ltmp3:
0x56: {  	(pc) =	sbr.rel .LBB2_2-.Ltmp3, $3  }
0x57: {  	_ =	sdelay $0x1  }
0x58: {  	[tilespmem:s17], [sflag:$0x1] =	stream.indirect.gather [hbm4b:s1+s16], $0x20, s24, s16, $0xb8;
	[tilespmem:$0x1E600] =	vst v63  }
0x59: {  	s26 =	sadd.s32 $0x1, s26;
	s24 =	sadd.s32 $0x100, s24;
	s25 =	sadd.s32 $0x2, s25  }
.LBB2_5:
0x5a: {  	_ =	sfence.sel $0x180000  }
0x5b: {  	[bflag:$0x0] =	sbarrier.arrive $0xFFFF  }
0x5c: {  	_ =	strace $0x90000047  }
0x5d: {  	[bflag:$0x2] =	sbarrier.arrive $0xFFFF  }
0x5e: {  	p0 =	sne.s32 s0, $0x0;
	s0 =	rddreg [dreg:$0x3]  }
0x5f: {  	s0 =	sadd.s32 @!p0 $0x100000, s0  }
0x60: {  	[sflag:s0] =	ssyncadd.tile.s32 @!p0 $0x1;
	_ =	shalt  }
.Lfunc_end2:
_tile_overlayer_lowered:
.L_overlay_start_2:
0x61: {  	(tag) =	ssettag $0x2  }
0x62: {  	s0 =	rddreg [dreg:$0x0];
	s2 =	stileid.u32  }
0x63: {  	s1 =	rddreg [dreg:$0x1];
	p0 =	sne.s32 s2, $0x0  }
0x64: {  	s3 =	rddreg [dreg:$0x2];
	[bflag:$0x3] =	sbarrier.arrive $0xFFFF;
	s2 =	simm.s32 @!p0 $0x1C06  }
0x65: {  	[timem:s3], [sflag:s2] =	dma.local @!p0 [hbm:s0], s1  }
0x66: {  	s0 =	simm.s32 @!p0 $0x6  }
0x67: {  	_ =	swait.ge @!p0 [sflag:s0], s1  }
0x68: {  	s1 =	ssub.s32 @!p0 $0x0, s1;
	[sflag:s0] =	ssyncset.done @!p0 $0x0  }
0x69: {  	[sflag:s0] =	ssyncadd.s32 @!p0 s1  }
0x6a: {  	[bflag:$0x3] =	sbarrier.arrive $0xFFFF  }
0x6b: {  	_ =	shalt  }

// kernel: kernel.9.cloned.1.call-start
scs
__scs_entry_jumppad:
0x0: {  	(pc) =	sbr.rel $0x88, $3  }
0x1: {  	(tag) =	ssettag $0x0;
	lr =	simm.s32 $0x1  }
0x2: {  	[smem:$0x3F90] =	sst lr;
	_ =	strace $0xD0000000  }
0x3: {  	_ = 	snop  }
0x4: {  	_ = 	snop  }
0x5: {  	_ = 	snop  }
0x6: {  	_ = 	snop  }
0x7: {  	_ = 	snop  }
__scs_overlays_trampoline_lowered:
0x8: {  	[smem:$0x3F9F] =	sst s0  }
0x9: {  	[smem:$0x3FA0] =	sst s1  }
0xa: {  	[smem:$0x3FA1] =	sst s2  }
0xb: {  	[smem:$0x3FA2] =	sst s3  }
0xc: {  	[smem:$0x3FA3] =	sst s4  }
0xd: {  	[smem:$0x3FA4] =	sst s5  }
0xe: {  	[smem:$0x3FA5] =	sst s6  }
0xf: {  	[smem:$0x3FA6] =	sst s7  }
0x10: {  	[smem:$0x3FA7] =	sst s8  }
0x11: {  	[smem:$0x3FA8] =	sst s9;
	s0 =	simm.s32 @!p0 $0x0  }
0x12: {  	s1 =	sld [smem:$0x3F8E];
	s0 =	simm.s32 @p0 $0x1  }
0x13: {  	[smem:$0x3FA9] =	sst s0;
	s0 =	simm.s32 @!p1 $0x0  }
0x14: {  	s2 =	sld [smem:$0x3F8D];
	s0 =	simm.s32 @p1 $0x1  }
0x15: {  	[smem:$0x3FAA] =	sst s0;
	s0 =	simm.s32 @!p2 $0x0  }
0x16: {  	s3 =	sld [smem:$0x3FDB];
	s0 =	simm.s32 @p2 $0x1  }
0x17: {  	s4 =	simm.s32 $0x1BF5;
	[smem:$0x3FAC] =	sst s0  }
0x18: {  	s0 =	sld [smem:$0x3F8F];
	_ =	swait.ge [sflag:s4], $0x0  }
0x19: {  	s7 =	sld [smem:$0x3F90]  }
0x1a: {  	s8 =	sadd.s32 $0xFFFFE003, lr  }
0x1b: {  	s9 =	sadd.s32 $0xFFFFFEF7, lr;
	s5 =	simm.s32 $0xFFFFFFFF;
	p2 =	slt.u32 s8, $0xFFFFF086  }
0x1c: {  	p1 =	slt.u32 s9, $0xF7A;
	s5 =	simm.s32 @!p2 $0x0  }
0x1d: {  	s5 =	simm.s32 @p1 $0x1;
	p0 =	seq.s32 s7, s2  }
0x1e: {  	s7 =	smul.u32 @!p0 $0xF7A, s2;
	p2 =	seq.s32 @!p0 s5, $0x0  }
0x1f: {  	s9 =	smul.u32 $0xF7A, s1;
	s8 =	simm.s32 @!p0 $0x1BF5;
	p2 =	por !p2, p0  }
0x20: {  	[sflag:s8] =	ssyncset.s32 @!p0 $0xFFFFF086;
	s6 =	sadd.s32 @!p0 s3, s7;
	s7 =	simm.s32 @!p0 $0x108  }
0x21: {  	s3 =	sadd.s32 s3, s9;
	s6 =	sadd.s32 @!p0 $0x88, s6;
	s7 =	simm.s32 @p2 $0x1082  }
0x22: {  	[simem:s7], [sflag:s8] =	dma.local @!p0 [hbm:s6], $0xF7A  }
0x23: {  	s9 =	sor.u32 $0xD0000000, s2;
	s6 =	simm.s32 $0x108;
	_ =	swait.ge @!p0 [sflag:s8], $0x0  }
0x24: {  	s3 =	sadd.s32 $0x88, s3;
	s6 =	simm.s32 @!p1 $0x1082;
	[sflag:s4] =	ssyncset.s32 $0xFFFFF086  }
0x25: {  	[simem:s6], [sflag:s4] =	dma.local [hbm:s3], $0xF7A  }
0x26: {  	[smem:$0x3F90] =	sst s1;
	(tag) =	ssettag s2;
	_ =	strace s9  }
0x27: {  	s1 =	sld [smem:$0x3FA0]  }
0x28: {  	s2 =	sld [smem:$0x3FA1]  }
0x29: {  	s4 =	sld [smem:$0x3FA3]  }
0x2a: {  	p0 =	seq.s32 s5, $0x0;
	s5 =	sld [smem:$0x3FA4]  }
0x2b: {  	s6 =	sld [smem:$0x3FA5]  }
0x2c: {  	s7 =	sld [smem:$0x3FA6]  }
0x2d: {  	s3 =	simm.s32 $0x108;
	s8 =	sld [smem:$0x3FA7]  }
0x2e: {  	s3 =	simm.s32 @!p0 $0x1082;
	s9 =	sld [smem:$0x3FA8]  }
0x2f: {  	lr =	sadd.s32 s0, s3;
	s0 =	sld [smem:$0x3F9F]  }
0x30: {  	s3 =	sld [smem:$0x3FA2]  }
0x31: {  	[smem:$0x3FAB] =	sst s10  }
0x32: {  	s10 =	sld [smem:$0x3FA9];
	_ =	sdelay $0x3  }
0x33: {  	p0 =	seq.s32 s10, $0x1;
	s10 =	sld [smem:$0x3FAB];
	_ =	sdelay $0x3  }
0x34: {  	[smem:$0x3FAB] =	sst s10  }
0x35: {  	s10 =	sld [smem:$0x3FAA];
	_ =	sdelay $0x3  }
0x36: {  	p1 =	seq.s32 s10, $0x1;
	s10 =	sld [smem:$0x3FAB];
	_ =	sdelay $0x3  }
0x37: {  	[smem:$0x3FAB] =	sst s10  }
0x38: {  	s10 =	sld [smem:$0x3FAC]  }
0x39: {  	_ = 	snop;
	(pc) =	sbr.ind lr, $3  }
0x3a: {  	_ = 	snop  }
0x3b: {  	_ = 	snop  }
0x3c: {  	p2 =	seq.s32 s10, $0x1;
	s10 =	sld [smem:$0x3FAB]  }
0x3d: {  	_ =	shalt  }
0x3e: {  	_ =	shalt  }
0x3f: {  	_ =	shalt  }
0x40: {  	_ =	shalt  }
0x41: {  	_ =	shalt  }
0x42: {  	_ =	shalt  }
0x43: {  	_ =	shalt  }
0x44: {  	_ =	shalt  }
0x45: {  	_ =	shalt  }
0x46: {  	_ =	shalt  }
0x47: {  	_ =	shalt  }
0x48: {  	_ =	shalt  }
0x49: {  	_ =	shalt  }
0x4a: {  	_ =	shalt  }
0x4b: {  	_ =	shalt  }
0x4c: {  	_ =	shalt  }
0x4d: {  	_ =	shalt  }
0x4e: {  	_ =	shalt  }
0x4f: {  	_ =	shalt  }
0x50: {  	_ =	shalt  }
0x51: {  	_ =	shalt  }
0x52: {  	_ =	shalt  }
0x53: {  	_ =	shalt  }
0x54: {  	_ =	shalt  }
0x55: {  	_ =	shalt  }
0x56: {  	_ =	shalt  }
0x57: {  	_ =	shalt  }
0x58: {  	_ =	shalt  }
0x59: {  	_ =	shalt  }
0x5a: {  	_ =	shalt  }
0x5b: {  	_ =	shalt  }
0x5c: {  	_ =	shalt  }
0x5d: {  	_ =	shalt  }
0x5e: {  	_ =	shalt  }
0x5f: {  	_ =	shalt  }
0x60: {  	_ =	shalt  }
0x61: {  	_ =	shalt  }
0x62: {  	_ =	shalt  }
0x63: {  	_ =	shalt  }
0x64: {  	_ =	shalt  }
0x65: {  	_ =	shalt  }
0x66: {  	_ =	shalt  }
0x67: {  	_ =	shalt  }
0x68: {  	_ =	shalt  }
0x69: {  	_ =	shalt  }
0x6a: {  	_ =	shalt  }
0x6b: {  	_ =	shalt  }
0x6c: {  	_ =	shalt  }
0x6d: {  	_ =	shalt  }
0x6e: {  	_ =	shalt  }
0x6f: {  	_ =	shalt  }
0x70: {  	_ =	shalt  }
0x71: {  	_ =	shalt  }
0x72: {  	_ =	shalt  }
0x73: {  	_ =	shalt  }
0x74: {  	_ =	shalt  }
0x75: {  	_ =	shalt  }
0x76: {  	_ =	shalt  }
0x77: {  	_ =	shalt  }
0x78: {  	_ =	shalt  }
0x79: {  	_ =	shalt  }
0x7a: {  	_ =	shalt  }
0x7b: {  	_ =	shalt  }
0x7c: {  	_ =	shalt  }
0x7d: {  	_ =	shalt  }
0x7e: {  	_ =	shalt  }
0x7f: {  	_ =	shalt  }
0x80: {  	_ =	shalt  }
0x81: {  	_ =	shalt  }
0x82: {  	_ =	shalt  }
0x83: {  	_ =	shalt  }
0x84: {  	_ =	shalt  }
0x85: {  	_ =	shalt  }
0x86: {  	_ =	shalt  }
0x87: {  	_ =	shalt  }
.Lfunc_end0:
.L_simem_size_0:
called_computation.1_lowered:
.L_overlay_start_0:
0x88: {  	s2 =	sld [smem:$0x3FD9]  }
0x89: {  	s3 =	sld [smem:$0x3FFE];
	_ =	sdelay $0x1  }
0x8a: {  	s1 =	srdreg.scid  }
0x8b: {  	s0 =	sand.u32 $0x1, s1  }
0x8c: {  	s17 =	sshll.u32 s0, $0xA;
	s2 =	sadd.s32 s3, s2  }
0x8d: {  	s2 =	sadd.s32 s2, s17  }
0x8e: {  	[smem:$0x3FB7] =	sst s2  }
0x8f: {  	_ = 	snop  }
0x90: {  	(tm) =	ssettm $0x1  }
0x91: {  	s18 =	sld [smem:$0x3FFB];
	_ =	sdelay $0x3  }
0x92: {  	_ =	strace s18  }
0x93: {  	s2 =	sld [smem:$0x3FFC];
	_ =	sdelay $0x3  }
0x94: {  	_ =	strace s2  }
0x95: {  	s2 =	sld [smem:$0x3FFD];
	_ =	sdelay $0x3  }
0x96: {  	_ =	strace s2  }
0x97: {  	_ =	strace $0x8FFFFFFF  }
0x98: {  	s19 =	sld [smem:$0x3FDB];
	_ =	sdelay $0x1  }
0x99: {  	s20 =	simm.s32 $_scs_section_size  }
0x9a: {  	s4 =	simm.s32 $_size__tile_overlayer_lowered;
	s5 =	simm.s32 $_tile_overlayer_lowered  }
0x9b: {  	s6 =	simm.s32 $0x1BFF;
	s21 =	sshll.u32 s5, $0x1;
	s3 =	sadd.s32 s20, s19  }
0x9c: {  	s22 =	simm.s32 $0x0;
	s4 =	sshll.u32 s4, $0x1;
	s5 =	sadd.s32 s21, s3  }
0x9d: {  	[timem:s22], [sflag:s6] =	dma.local [hbm:s5], s4  }
0x9e: {  	_ =	swait.ge [sflag:s6], s4  }
0x9f: {  	s4 =	ssub.s32 $0x0, s4;
	[sflag:s6] =	ssyncset.done $0x0  }
0xa0: {  	[sflag:s6] =	ssyncadd.s32 s4;
	_ =	sdelay $0x1  }
0xa1: {  	s23 =	simm.s32 $0x1B8B  }
0xa2: {  	_ =	swait.ge [sflag:s23], $0x1  }
0xa3: {  	[sflag:s23] =	ssyncset.done $0x0  }
0xa4: {  	[sflag:s23] =	ssyncadd.s32 $0xFFFFFFFF  }
0xa5: {  	s4 =	sld [smem:$0x0]  }
0xa6: {  	s5 =	sand.u32 $0xFFFFFFFE, s1  }
0xa7: {  	p0 =	sne.s32 s1, s5  }
0xa8: {  	s5 =	sshll.u32 @p0 s5, $0xE  }
0xa9: {  	s5 =	sadd.s32 @p0 $0x11B8D, s5;
	s6 =	sshll.u32 @p0 s4, $0x11  }
0xaa: {  	s5 =	sor.u32 @p0 s6, s5  }
0xab: {  	[sflag:s5] =	ssyncadd.remote.s32 @p0 $0x1;
	_ =	sdelay $0x1  }
0xac: {  	s5 =	simm.s32 @p0 $0x1B8D  }
0xad: {  	_ =	swait.eq @p0 [sflag:s5], $0x1  }
0xae: {  	[sflag:s5] =	ssyncadd.s32 @p0 $0xFFFFFFFF  }
0xaf: {  	s6 =	sshll.u32 @!p0 s1, $0xE  }
0xb0: {  	s6 =	sor.u32 @!p0 $0x4000, s6;
	s5 =	simm.s32 @!p0 $0x1B8D  }
0xb1: {  	s4 =	sshll.u32 @!p0 s4, $0x11;
	s6 =	sadd.s32 @!p0 $0x11B8D, s6;
	_ =	swait.eq @!p0 [sflag:s5], $0x1  }
0xb2: {  	s4 =	sor.u32 @!p0 s4, s6;
	[sflag:s5] =	ssyncadd.s32 @!p0 $0xFFFFFFFF  }
0xb3: {  	s25 =	simm.s32 $0x1B8E;
	s24 =	sld [smem:$0x3FFE];
	[sflag:s4] =	ssyncadd.remote.s32 @!p0 $0x1  }
0xb4: {  	s26 =	simm.s32 $execute0_lowered;
	[smem:$0x3FD2] =	sst s25  }
0xb5: {  	s5 =	sshll.u32 s26, $0x1;
	_ =	strace $0x80000049;
	[dreg:$0x1] =	wrdreg $0xFFFFFFFF  }
0xb6: {  	s28 =	simm.s32 $_size_execute0_lowered;
	s3 =	sadd.s32 s3, s5;
	[dreg:$0x0] =	wrdreg $0x0  }
0xb7: {  	s5 =	sshll.u32 s28, $0x1;
	[dreg:$0x2] =	wrdreg s3  }
0xb8: {  	[dreg:$0x3] =	wrdreg s5  }
0xb9: {  	[dreg:$0x4] =	wrdreg $0xC0  }
0xba: {  	_ =	task [dreg:s22], $0x5FFFF  }
0xbb: {  	[dreg:$0x1] =	wrdreg $0xFFFFFFFF  }
0xbc: {  	[dreg:$0x0] =	wrdreg $0x60  }
0xbd: {  	[dreg:$0x2] =	wrdreg s24  }
0xbe: {  	[dreg:$0x3] =	wrdreg $0x41000  }
0xbf: {  	[dreg:$0x4] =	wrdreg $0xA  }
0xc0: {  	_ =	task.clear_ibuf [dreg:s22], $0x5FFFF;
	_ =	strace $0x90000049  }
0xc1: {  	s29 =	simm.s32 $0xA;
	_ =	strace $0x8000004B  }
0xc2: {  	_ =	swait.ge [sflag:s29], $0x1  }
0xc3: {  	[sflag:s29] =	ssyncadd.s32 $0xFFFFFFFF  }
0xc4: {  	_ =	strace $0x9000004B  }
0xc5: {  	_ =	sfence  }
0xc6: {  	s30 =	sld [smem:$0x0];
	_ =	sdelay $0x2  }
0xc7: {  	s31 =	sshll.u32 s1, $0xD;
	s1 =	sshrl.u32 s1, $0x2  }
0xc8: {  	s4 =	sand.u32 $0x4000, s31;
	s1 =	sadd.s32 s1, s30  }
0xc9: {  	s0 =	sor.u32 s4, s0;
	s1 =	sshll.u32 s1, $0x11  }
0xca: {  	s0 =	sor.u32 s1, s0  }
0xcb: {  	s0 =	sadd.s32 $0x8F2B, s0  }
0xcc: {  	[sflag:s0] =	ssyncadd.remote.s32 $0x1  }
0xcd: {  	_ =	sfence.sel $0xFFFF  }
0xce: {  	[dreg:$0x0] =	wrdreg $0xFFFFFFFF;
	(pc) =	sbr.abs _section_cstart, $3  }
0xcf: {  	[dreg:$0x1] =	wrdreg $0xFFFFFFFF  }
0xd0: {  	_ =	task.clear_ibuf [dreg:s22], $0x2FFFF;
	_ =	strace $0x9FFFFFFF  }
0xd1: {  	(tm) =	ssettm $0x7FFFFFFF  }
tec
execute0_lowered:
.L_overlay_start_1:
0x0: {  	(tag) =	ssettag $0x1  }
0x1: {  	s1 =	srdreg.scid;
	s6 =	rddreg [dreg:$0x0]  }
0x2: {  	s0 =	stileid.u32;
	s2 =	rddreg [dreg:$0x1]  }
0x3: {  	s3 =	simm.s32 $0x0;
	s13 =	simm.s32 $0x80;
	s14 =	simm.s32 $0x0  }
0x4: {  	s5 =	sand.u32 $0x1, s1;
	s30 =	sshll.u32 s0, $0x1;
	s7 =	smul.u32 $0x18700, s0  }
0x5: {  	[smem:$0x7FF] =	sst s3;
	s11 =	sshll.u32 s0, $0x6;
	s1 =	sor.u32 s5, s30  }
0x6: {  	s8 =	smul.u32 $0x187000, s5;
	s10 =	ssub.s32 $0x2, s5;
	s5 =	sadd.s32 $0x1B200, s6  }
0x7: {  	s11 =	sor.u32 $0x1C01, s11;
	s4 =	smul.u32 $0x620, s1;
	s1 =	rddreg [dreg:$0x2]  }
0x8: {  	_ =	strace $0x8000004A;
	s31 =	sshrl.u32 s10, $0x1;
	s12 =	sadd.s32 s7, s2  }
0x9: {  	s8 =	sadd.s32 s7, s8;
	s10 =	ssub.s32 s10, s31;
	s12 =	sshrl.u32 s12, $0x3  }
0xa: {  	s9 =	sadd.s32 s4, s6;
	s4 =	sadd.s32 $0x80000, s6;
	s8 =	sshrl.u32 s8, $0x3  }
0xb: {  	s8 =	sadd.s32 s8, s6;
	s6 =	sadd.s32 $0xEE00, s9;
	s9 =	simm.s32 $0x1  }
0xc: {  	s7 =	sadd.s32 $0x80200, s8;
	s8 =	smax.u32 s10, $0x1;
	s10 =	simm.s32 $0x3100  }
.LBB2_1:
0xd: {  	[tilespmem:s3], [sflag:$0x1] =	stream.linear.gather [hbm4b:s6+s3], $0x3100, $0x38;
	[tilespmem:$0x1C800] =	vst v63  }
0xe: {  	_ =	swait.ge [sflag:s9], $0x3100  }
0xf: {  	[sflag:s9] =	ssyncset.done $0x0  }
0x10: {  	[sflag:s9] =	ssyncadd.s32 $0xFFFFCF00  }
0x11: {  	[tilespmem:s10], [sflag:$0x1] =	stream.linear.gather [hbm4b:s4+s3], $0x1000, $0x38;
	[tilespmem:$0x1C800] =	vst v63  }
0x12: {  	_ =	swait.ge [sflag:s9], $0x1000  }
0x13: {  	[sflag:s9] =	ssyncset.done $0x0  }
0x14: {  	[sflag:s9] =	ssyncadd.s32 $0xFFFFF000  }
0x15: {  	[spmem:s12], [sflag:s11] =	dma.local [hbm:s5], $0x30E0  }
0x16: {  	_ =	swait.ge [sflag:s9], $0x30E0  }
0x17: {  	[sflag:s9] =	ssyncset.done $0x0  }
0x18: {  	[sflag:s9] =	ssyncadd.s32 $0xFFFFCF20  }
0x19: {  	s15 =	simm.s32 $0x0;
	[bflag:$0x0] =	sbarrier.arrive $0xFFFF  }
0x1a: {  	[spmem:s2] =	stream.indirect.scatter.add.f32 [tilespmem:s10], [sflag:$0x1], $0x20, s15, s13, $0xb8;
	[tilespmem:$0x1C800] =	vst v63  }
0x1b: {  	_ =	swait.ge [sflag:s9], $0x1000  }
0x1c: {  	s15 =	simm.s32 $0x200;
	[sflag:s9] =	ssyncset.done $0x0  }
.LBB2_2:
0x1d: {  	s16 =	sshra.s32 s15, $0x2;
	[sflag:s9] =	ssyncadd.s32 $0xFFFFF000;
	p0 =	sne.s32 s15, $0xC200  }
0x1e: {  	[spmem:s2] =	stream.indirect.scatter.add.f32 [tilespmem:s10], [sflag:$0x1], $0x20, s16, s13, $0xb8;
	[tilespmem:$0x1C800] =	vst v63  }
.Ltmp0:
0x1f: {  	_ = 	snop;
	(pc) =	sbr.rel @p0 .LBB2_2-.Ltmp0, $4  }
0x20: {  	_ = 	snop  }
0x21: {  	s15 =	sadd.s32 $0x200, s15  }
0x22: {  	_ =	swait.ge [sflag:s9], $0x1000  }
0x23: {  	[sflag:s9] =	ssyncset.done $0x0  }
0x24: {  	s14 =	sadd.s32 $0x1, s14  }
0x25: {  	[sflag:s9] =	ssyncadd.s32 $0xFFFFF000;
	p0 =	sne.s32 s14, s8  }
.Ltmp1:
0x26: {  	[bflag:$0x0] =	sbarrier.arrive $0xFFFF;
	(pc) =	sbr.rel @p0 .LBB2_1-.Ltmp1, $4  }
0x27: {  	[hbm:s7], [sflag:s11] =	dma.local [spmem:s12], $0x30E0  }
0x28: {  	_ =	swait.ge [sflag:s9], $0x30E0  }
0x29: {  	[sflag:s9] =	ssyncset.done $0x0  }
0x2a: {  	[sflag:s9] =	ssyncadd.s32 $0xFFFFCF20  }
0x2b: {  	_ =	sfence.sel $0x180000  }
0x2c: {  	[bflag:$0x0] =	sbarrier.arrive $0xFFFF  }
0x2d: {  	p0 =	sne.s32 s0, $0x0;
	_ =	strace $0x9000004A  }
0x2e: {  	s0 =	sadd.s32 @!p0 $0x100000, s1;
	[bflag:$0x2] =	sbarrier.arrive $0xFFFF  }
0x2f: {  	[sflag:s0] =	ssyncadd.tile.s32 @!p0 $0x1;
	_ =	shalt  }
.Lfunc_end2:
_tile_overlayer_lowered:
.L_overlay_start_2:
0x30: {  	(tag) =	ssettag $0x2  }
0x31: {  	s0 =	rddreg [dreg:$0x0];
	s2 =	stileid.u32  }
0x32: {  	s1 =	rddreg [dreg:$0x1];
	p0 =	sne.s32 s2, $0x0  }
0x33: {  	s3 =	rddreg [dreg:$0x2];
	[bflag:$0x3] =	sbarrier.arrive $0xFFFF;
	s2 =	simm.s32 @!p0 $0x1C01  }
0x34: {  	[timem:s3], [sflag:s2] =	dma.local @!p0 [hbm:s0], s1  }
0x35: {  	s0 =	simm.s32 @!p0 $0x1  }
0x36: {  	_ =	swait.ge @!p0 [sflag:s0], s1  }
0x37: {  	s1 =	ssub.s32 @!p0 $0x0, s1;
	[sflag:s0] =	ssyncset.done @!p0 $0x0  }
0x38: {  	[sflag:s0] =	ssyncadd.s32 @!p0 s1  }
0x39: {  	[bflag:$0x3] =	sbarrier.arrive $0xFFFF  }
0x3a: {  	_ =	shalt  }

</sc_bundles>
